<compile_context>
chip_gen: v7x
topology: tpu7x:2x2x1
jax: 0.10.2.dev20260603
libtpu: 0.0.44.dev20260713+nightly
codegen_flags: <defaults>
</compile_context>

<pallas_src>
import dataclasses
import functools

import numpy as np

import jax
import jax.numpy as jnp
from jax import lax
from jax.experimental import pallas as pl
from jax.experimental.pallas import tpu as pltpu
from jax.experimental.pallas import tpu_sc as plsc

_B = 64
_N = 32768
_RB = 32
_L = 16
_NW = 32
_ROWS_PER_W = _B // _NW
_CHUNKS = _N // _L
_MININT = np.int32(-2147483648)


def _splat(v):
    return jnp.full((_L,), v)


def _select_row(row_ref, hist_ref, csum_ref, rank_vec):
    ones = jnp.full((_L,), 1, jnp.int32)
    zeros_i = jnp.zeros((_L,), jnp.int32)
    lane = lax.iota(jnp.int32, _L)

    def scan(nbins, rank_v):
        nch = nbins // _L

        @plsc.parallel_loop(0, nch, 1, unroll=8)
        def _(j):
            h = hist_ref[pl.ds(j * _L, _L)]
            t = _splat(jnp.sum(h))
            plsc.store_scatter(csum_ref, [_splat(j)], t, mask=lane == 0)

        def body(g, carry):
            cacc, belowc, total = carry
            s = csum_ref[pl.ds(g * _L, _L)]
            cum = total + plsc.cumsum(s)
            le = cum <= rank_v
            cacc = cacc + jnp.where(le, ones, zeros_i)
            belowc = jnp.maximum(belowc, jnp.where(le, cum, zeros_i))
            total = _splat(jnp.max(cum))
            return cacc, belowc, total

        cacc, belowc, _ = lax.fori_loop(
            0, nch // _L, body, (zeros_i, zeros_i, zeros_i))
        cstar = jnp.sum(cacc)
        below_c = _splat(jnp.max(belowc))

        h = hist_ref[pl.ds(cstar * _L, _L)]
        cum = below_c + plsc.cumsum(h)
        le = cum <= rank_v
        b_in = jnp.sum(jnp.where(le, ones, zeros_i))
        below = jnp.maximum(below_c, _splat(jnp.max(jnp.where(le, cum, zeros_i))))

        @plsc.parallel_loop(0, nch, 1, unroll=8)
        def _(j):
            hist_ref[pl.ds(j * _L, _L)] = zeros_i

        return _splat(cstar * _L + b_in), below

    @plsc.parallel_loop(0, _CHUNKS, 1, unroll=8)
    def _(j):
        bits = plsc.bitcast(row_ref[pl.ds(j * _L, _L)], jnp.int32)
        ub = bits ^ ((bits >> 31) | _MININT)
        b1 = lax.shift_right_logical(ub, 21)
        plsc.addupdate_scatter(hist_ref, [b1], ones)
        row_ref[pl.ds(j * _L, _L)] = plsc.bitcast(ub, jnp.float32)

    b1_v, below1 = scan(2048, rank_vec)
    rank2 = rank_vec - below1

    @plsc.parallel_loop(0, _CHUNKS, 1, unroll=8)
    def _(j):
        ub = plsc.bitcast(row_ref[pl.ds(j * _L, _L)], jnp.int32)
        m = lax.shift_right_logical(ub, 21) == b1_v
        b2 = lax.shift_right_logical(ub, 10) & jnp.int32(0x7FF)
        plsc.addupdate_scatter(hist_ref, [b2], ones, mask=m)

    b2_v, below2 = scan(2048, rank2)
    rank3 = rank2 - below2

    p22_v = (b1_v << 11) | b2_v

    @plsc.parallel_loop(0, _CHUNKS, 1, unroll=8)
    def _(j):
        ub = plsc.bitcast(row_ref[pl.ds(j * _L, _L)], jnp.int32)
        m = lax.shift_right_logical(ub, 10) == p22_v
        b3 = ub & jnp.int32(0x3FF)
        plsc.addupdate_scatter(hist_ref, [b3], ones, mask=m)

    b3_v, _ = scan(1024, rank3)

    ub_star = (b1_v << 21) | (b2_v << 10) | b3_v
    ti = jnp.where(ub_star < 0, ub_star ^ _MININT, ~ub_star)
    return plsc.bitcast(ti, jnp.float32)


def _sc_select(inputs, sparsity_rate):
    mesh = plsc.VectorSubcoreMesh(core_axis_name="c", subcore_axis_name="s")
    cp = pltpu.CompilerParams()
    if "needs_layout_passes" in pltpu.CompilerParams.__dataclass_fields__:
        cp = dataclasses.replace(cp, needs_layout_passes=False)

    @functools.partial(
        pl.kernel,
        compiler_params=cp,
        out_type=jax.ShapeDtypeStruct((_B, _L), jnp.float32),
        mesh=mesh,
        scratch_types=[
            pltpu.VMEM((_N,), jnp.float32),
            pltpu.VMEM((_N,), jnp.float32),
            pltpu.VMEM((2048,), jnp.int32),
            pltpu.VMEM((128,), jnp.int32),
            pltpu.VMEM((1,), jnp.float32),
            pltpu.VMEM((_L,), jnp.float32),
            pltpu.SemaphoreType.DMA,
            pltpu.SemaphoreType.DMA,
        ],
    )
    def sel(x_hbm, sr_hbm, out_hbm, row_a, row_b, hist, csum, sr_vm,
            res_vm, sem_a, sem_b):
        wid = lax.axis_index("c") * 16 + lax.axis_index("s")
        r0 = wid * _ROWS_PER_W

        pltpu.sync_copy(sr_hbm, sr_vm)
        srv = plsc.load_gather(sr_vm, [jnp.zeros((_L,), jnp.int32)])
        srv = jnp.clip(srv, 0.0, 1.0)
        idx0 = (srv * jnp.float32(_N)).astype(jnp.int32)
        oob = idx0 >= _N
        idx = jnp.minimum(idx0, _N - 1)
        rank_vec = (_N - 1) - idx
        nan_vec = jnp.full((_L,), jnp.nan, jnp.float32)

        cp_a = pltpu.async_copy(x_hbm.at[r0], row_a, sem_a)
        cp_b = pltpu.async_copy(x_hbm.at[r0 + 1], row_b, sem_b)

        @plsc.parallel_loop(0, 2048 // _L, 1, unroll=8)
        def _(j):
            hist[pl.ds(j * _L, _L)] = jnp.zeros((_L,), jnp.int32)

        for i, (row_ref, cp) in enumerate(((row_a, cp_a), (row_b, cp_b))):
            cp.wait()
            thr = _select_row(row_ref, hist, csum, rank_vec)
            res_vm[...] = jnp.where(oob, nan_vec, thr)
            pltpu.sync_copy(res_vm, out_hbm.at[r0 + i])

    return sel(inputs, sparsity_rate)


def _tc_body(x_ref, sel_ref, o_ref):
    x = x_ref[...]
    sel = sel_ref[...]
    thr = lax.slice(sel, (0, 0), (_RB, 1))
    mx = jnp.max(x, axis=1, keepdims=True)

    w = jnp.maximum(x + (mx - thr) - mx, 0.0)
    we = w * jnp.exp(x)
    s = jnp.sum(we, axis=1, keepdims=True)
    o_ref[...] = we / s


def kernel(inputs, sparsity_rate):
    sel = _sc_select(inputs, sparsity_rate)

    return pl.pallas_call(
        _tc_body,
        grid=(_B // _RB,),
        in_specs=[
            pl.BlockSpec((_RB, _N), lambda i: (i, 0)),
            pl.BlockSpec((_RB, _L), lambda i: (i, 0)),
        ],
        out_specs=pl.BlockSpec((_RB, _N), lambda i: (i, 0)),
        out_shape=jax.ShapeDtypeStruct((_B, _N), jnp.float32),
    )(inputs, sel)

# --- scband reference (transcript-rebuilt; emitter-appended) ---
"""Pipeline reference for scband-rsoftmax-50620484551248 (READ-ONLY COPY).

The authoritative reference and input builder live on the scoring server;
editing this copy changes nothing except your own understanding.
"""

import jax, jax.numpy as jnp
import numpy as np


def setup_inputs(seed: int = 0) -> dict:
    key = jax.random.key(seed)
    k1, _ = jax.random.split(key)
    inputs = jax.random.normal(k1, (64, 32768), dtype=jnp.float32)
    # learned parameter from build(): sparsity_rate, shape (1,), init 0.5
    sparsity_rate = jnp.array([0.5], dtype=jnp.float32)
    return {"inputs": inputs, "sparsity_rate": sparsity_rate}


def reference(inputs, sparsity_rate):
    # sort descending along last axis
    sorted_inputs = jnp.flip(jnp.sort(inputs, axis=-1), axis=-1)
    num_features = inputs.shape[-1]
    sr = jnp.clip(sparsity_rate, 0.0, 1.0)  # keras constraint clip_by_value(x,0,1)
    index = (jax.lax.stop_gradient(sr[0]) * jnp.float32(num_features)).astype(jnp.int32)
    # gather_nd([batch_range, index]) -> sorted_inputs[:, index]
    gathered = jnp.take(sorted_inputs, index, axis=-1)  # [B]
    max_inputs = jnp.max(inputs, axis=-1)  # [B]
    t_r_values = -gathered + max_inputs  # [B]
    w_t = jax.nn.relu(inputs + t_r_values[:, None] - max_inputs[:, None])
    weighted_exp = w_t * jnp.exp(inputs)
    sum_weighted_exp = jnp.sum(weighted_exp, axis=-1, keepdims=True)
    return weighted_exp / sum_weighted_exp

if __name__ == "__main__":
    import jax
    _d = setup_inputs()
    print(jax.jit(kernel)(*tuple(_d.values())))

</pallas_src>

<mosaic_0001>
#map = affine_map<(d0, d1) -> (0, 0)>
#map1 = affine_map<(d0, d1) -> (0)>
module attributes {stable_mosaic.version = 14 : i64} {
  func.func @sel(%arg0: i32, %arg1: i32, %arg2: memref<64x32768xf32, #tpu.memory_space<hbm>>, %arg3: memref<1xf32, #tpu.memory_space<hbm>>, %arg4: memref<64x16xf32, #tpu.memory_space<hbm>>, %arg5: memref<32768xf32, #tpu.memory_space<vmem>>, %arg6: memref<32768xf32, #tpu.memory_space<vmem>>, %arg7: memref<2048xi32, #tpu.memory_space<vmem>>, %arg8: memref<128xi32, #tpu.memory_space<vmem>>, %arg9: memref<1xf32, #tpu.memory_space<vmem>>, %arg10: memref<16xf32, #tpu.memory_space<vmem>>, %arg11: memref<!tpu.dma_semaphore, #tpu.memory_space<semaphore_mem>>, %arg12: memref<!tpu.dma_semaphore, #tpu.memory_space<semaphore_mem>>) attributes {dimension_semantics = [#tpu.dimension_semantics<core_parallel>, #tpu.dimension_semantics<subcore_parallel>], iteration_bounds = array<i64: 2, 16>, scalar_prefetch = 0 : i64, scratch_operands = 8 : i64, tpu.core_type = #tpu.core_type<sc_vector_subcore>, window_params = [{transform_indices = #map}, {transform_indices = #map1}, {transform_indices = #map}]} {
    %mul3A = arith.constant 16 : i32
    %mul3A_0 = arith.muli %arg0, %mul3A : i32
    %add3A = arith.addi %mul3A_0, %arg1 : i32
    %mul3A_1 = arith.constant 2 : i32
    %mul3A_2 = arith.muli %add3A, %mul3A_1 : i32
    "tpu.region"() ({
      %run_scoped3A = tpu.sem_alloc : memref<!tpu.dma_semaphore, #tpu.memory_space<semaphore_mem>>
      tpu.enqueue_dma source(%arg3 : memref<1xf32, #tpu.memory_space<hbm>>) target(%arg9 : memref<1xf32, #tpu.memory_space<vmem>>) target_semaphore(%run_scoped3A : memref<!tpu.dma_semaphore, #tpu.memory_space<semaphore_mem>>)
      tpu.wait_dma2 semaphore(%run_scoped3A : memref<!tpu.dma_semaphore, #tpu.memory_space<semaphore_mem>>) src(%arg3 : memref<1xf32, #tpu.memory_space<hbm>>) dst(%arg9 : memref<1xf32, #tpu.memory_space<vmem>>)
      tpu.yield
    }) : () -> ()
    %broadcast_in_dim3A = arith.constant 0 : i32
    %broadcast_in_dim3A_3 = vector.broadcast %broadcast_in_dim3A : i32 to vector<16xi32>
    %gather3A = tpu.vector_load_idx %arg9[%broadcast_in_dim3A_3] : memref<1xf32, #tpu.memory_space<vmem>>[vector<16xi32>], vector<16xf32>,
    %jit3A = arith.constant 0.000000e+00 : f32
    %jit3A_4 = arith.constant 1.000000e+00 : f32
    %max3A = vector.broadcast %jit3A : f32 to vector<16xf32>
    %max3A_5 = arith.maximumf %max3A, %gather3A : vector<16xf32>
    %min3A = vector.broadcast %jit3A_4 : f32 to vector<16xf32>
    %min3A_6 = arith.minimumf %min3A, %max3A_5 : vector<16xf32>
    %mul3A_7 = arith.constant 3.276800e+04 : f32
    %mul3A_8 = vector.broadcast %mul3A_7 : f32 to vector<16xf32>
    %mul3A_9 = arith.mulf %min3A_6, %mul3A_8 : vector<16xf32>
    %convert_element_type3A = arith.fptosi %mul3A_9 : vector<16xf32> to vector<16xi32>
    %ge3A = arith.constant 32768 : i32
    %ge3A_10 = vector.broadcast %ge3A : i32 to vector<16xi32>
    %ge3A_11 = arith.cmpi sge, %convert_element_type3A, %ge3A_10 : vector<16xi32>
    %min3A_12 = arith.constant 32767 : i32
    %min3A_13 = vector.broadcast %min3A_12 : i32 to vector<16xi32>
    %min3A_14 = arith.minsi %convert_element_type3A, %min3A_13 : vector<16xi32>
    %sub3A = arith.constant 32767 : i32
    %sub3A_15 = vector.broadcast %sub3A : i32 to vector<16xi32>
    %sub3A_16 = arith.subi %sub3A_15, %min3A_14 : vector<16xi32>
    %broadcast_in_dim3A_17 = arith.constant 0x7FC00000 : f32
    %broadcast_in_dim3A_18 = vector.broadcast %broadcast_in_dim3A_17 : f32 to vector<16xf32>
    %dma_start3A = arith.constant 0 : i32
    %dma_start3A_19 = tpu.memref_slice %arg2[%mul3A_2, %dma_start3A] : memref<64x32768xf32, #tpu.memory_space<hbm>> -> memref<1x32768xf32, #tpu.memory_space<hbm>>
    %dma_start3A_20 = tpu.memref_squeeze %dma_start3A_19 : memref<1x32768xf32, #tpu.memory_space<hbm>> -> memref<32768xf32, #tpu.memory_space<hbm>>
    %dma_start3A_21 = arith.constant 0 : i32
    %dma_start3A_22 = tpu.memref_slice %arg2[%mul3A_2, %dma_start3A_21] : memref<64x32768xf32, #tpu.memory_space<hbm>> -> memref<1x32768xf32, #tpu.memory_space<hbm>>
    %dma_start3A_23 = tpu.memref_squeeze %dma_start3A_22 : memref<1x32768xf32, #tpu.memory_space<hbm>> -> memref<32768xf32, #tpu.memory_space<hbm>>
    tpu.enqueue_dma source(%dma_start3A_23 : memref<32768xf32, #tpu.memory_space<hbm>>) target(%arg5 : memref<32768xf32, #tpu.memory_space<vmem>>) target_semaphore(%arg11 : memref<!tpu.dma_semaphore, #tpu.memory_space<semaphore_mem>>)
    %add3A_24 = arith.constant 1 : i32
    %add3A_25 = arith.addi %mul3A_2, %add3A_24 : i32
    %dma_start3A_26 = arith.constant 0 : i32
    %dma_start3A_27 = tpu.memref_slice %arg2[%add3A_25, %dma_start3A_26] : memref<64x32768xf32, #tpu.memory_space<hbm>> -> memref<1x32768xf32, #tpu.memory_space<hbm>>
    %dma_start3A_28 = tpu.memref_squeeze %dma_start3A_27 : memref<1x32768xf32, #tpu.memory_space<hbm>> -> memref<32768xf32, #tpu.memory_space<hbm>>
    %dma_start3A_29 = arith.constant 0 : i32
    %dma_start3A_30 = tpu.memref_slice %arg2[%add3A_25, %dma_start3A_29] : memref<64x32768xf32, #tpu.memory_space<hbm>> -> memref<1x32768xf32, #tpu.memory_space<hbm>>
    %dma_start3A_31 = tpu.memref_squeeze %dma_start3A_30 : memref<1x32768xf32, #tpu.memory_space<hbm>> -> memref<32768xf32, #tpu.memory_space<hbm>>
    tpu.enqueue_dma source(%dma_start3A_31 : memref<32768xf32, #tpu.memory_space<hbm>>) target(%arg6 : memref<32768xf32, #tpu.memory_space<vmem>>) target_semaphore(%arg12 : memref<!tpu.dma_semaphore, #tpu.memory_space<semaphore_mem>>)
    %parallel_loop3A = arith.constant 0 : i32
    %parallel_loop3A_32 = arith.constant 128 : i32
    %parallel_loop3A_33 = arith.constant 1 : i32
    scf.for %parallel_loop3A_440 = %parallel_loop3A to %parallel_loop3A_32 step %parallel_loop3A_33  : i32 {
      %parallel_loop3A_441 = arith.constant 0 : i32
      %parallel_loop3A_442 = vector.broadcast %parallel_loop3A_441 : i32 to vector<16xi32>
      %parallel_loop3A_443 = arith.constant 16 : i32
      %parallel_loop3A_444 = arith.muli %parallel_loop3A_440, %parallel_loop3A_443 : i32
      %parallel_loop3A_445 = arith.index_cast %parallel_loop3A_444 : i32 to index
      %parallel_loop3A_446 = tpu.vector_load %arg7[%parallel_loop3A_445] {strides = array<i32>} : memref<2048xi32, #tpu.memory_space<vmem>>, vector<16xi32>,
      tpu.vector_store %arg7[%parallel_loop3A_445], %parallel_loop3A_442 {strides = array<i32>} : memref<2048xi32, #tpu.memory_space<vmem>>, vector<16xi32>,
    } {sc.loop_unroll_factor = 8 : i64, sc.parallel_access}
    %dma_wait3A = arith.constant 0 : i32
    %dma_wait3A_34 = tpu.memref_slice %arg2[%mul3A_2, %dma_wait3A] : memref<64x32768xf32, #tpu.memory_space<hbm>> -> memref<1x32768xf32, #tpu.memory_space<hbm>>
    %dma_wait3A_35 = tpu.memref_squeeze %dma_wait3A_34 : memref<1x32768xf32, #tpu.memory_space<hbm>> -> memref<32768xf32, #tpu.memory_space<hbm>>
    %dma_wait3A_36 = arith.constant 0 : i32
    %dma_wait3A_37 = tpu.memref_slice %arg2[%mul3A_2, %dma_wait3A_36] : memref<64x32768xf32, #tpu.memory_space<hbm>> -> memref<1x32768xf32, #tpu.memory_space<hbm>>
    %dma_wait3A_38 = tpu.memref_squeeze %dma_wait3A_37 : memref<1x32768xf32, #tpu.memory_space<hbm>> -> memref<32768xf32, #tpu.memory_space<hbm>>
    tpu.wait_dma2 semaphore(%arg11 : memref<!tpu.dma_semaphore, #tpu.memory_space<semaphore_mem>>) src(%dma_wait3A_38 : memref<32768xf32, #tpu.memory_space<hbm>>) dst(%arg5 : memref<32768xf32, #tpu.memory_space<vmem>>)
    %broadcast_in_dim3A_39 = arith.constant 1 : i32
    %broadcast_in_dim3A_40 = vector.broadcast %broadcast_in_dim3A_39 : i32 to vector<16xi32>
    %broadcast_in_dim3A_41 = arith.constant 0 : i32
    %broadcast_in_dim3A_42 = vector.broadcast %broadcast_in_dim3A_41 : i32 to vector<16xi32>
    %iota3A = tpu.iota {dimensions = array<i32: 0>} : vector<16xi32>
    %parallel_loop3A_43 = arith.constant 0 : i32
    %parallel_loop3A_44 = arith.constant 2048 : i32
    %parallel_loop3A_45 = arith.constant 1 : i32
    scf.for %parallel_loop3A_440 = %parallel_loop3A_43 to %parallel_loop3A_44 step %parallel_loop3A_45  : i32 {
      %parallel_loop3A_441 = arith.constant 16 : i32
      %parallel_loop3A_442 = arith.muli %parallel_loop3A_440, %parallel_loop3A_441 : i32
      %parallel_loop3A_443 = arith.index_cast %parallel_loop3A_442 : i32 to index
      %parallel_loop3A_444 = tpu.vector_load %arg5[%parallel_loop3A_443] {strides = array<i32>} : memref<32768xf32, #tpu.memory_space<vmem>>, vector<16xf32>,
      %parallel_loop3A_445 = vector.bitcast %parallel_loop3A_444 : vector<16xf32> to vector<16xi32>
      %parallel_loop3A_446 = arith.constant 31 : i32
      %parallel_loop3A_447 = vector.broadcast %parallel_loop3A_446 : i32 to vector<16xi32>
      %parallel_loop3A_448 = arith.shrsi %parallel_loop3A_445, %parallel_loop3A_447 : vector<16xi32>
      %parallel_loop3A_449 = arith.constant -2147483648 : i32
      %parallel_loop3A_450 = vector.broadcast %parallel_loop3A_449 : i32 to vector<16xi32>
      %parallel_loop3A_451 = arith.ori %parallel_loop3A_448, %parallel_loop3A_450 : vector<16xi32>
      %parallel_loop3A_452 = arith.xori %parallel_loop3A_445, %parallel_loop3A_451 : vector<16xi32>
      %parallel_loop3A_453 = arith.constant 21 : i32
      %parallel_loop3A_454 = vector.broadcast %parallel_loop3A_453 : i32 to vector<16xi32>
      %parallel_loop3A_455 = arith.shrui %parallel_loop3A_452, %parallel_loop3A_454 : vector<16xi32>
      tpu.vector_store_idx %arg7[%parallel_loop3A_455], %broadcast_in_dim3A_40 {add = true} : memref<2048xi32, #tpu.memory_space<vmem>>[vector<16xi32>], vector<16xi32>,
      %parallel_loop3A_456 = vector.bitcast %parallel_loop3A_452 : vector<16xi32> to vector<16xf32>
      %parallel_loop3A_457 = arith.constant 16 : i32
      %parallel_loop3A_458 = arith.muli %parallel_loop3A_440, %parallel_loop3A_457 : i32
      %parallel_loop3A_459 = arith.index_cast %parallel_loop3A_458 : i32 to index
      %parallel_loop3A_460 = tpu.vector_load %arg5[%parallel_loop3A_459] {strides = array<i32>} : memref<32768xf32, #tpu.memory_space<vmem>>, vector<16xf32>,
      tpu.vector_store %arg5[%parallel_loop3A_459], %parallel_loop3A_456 {strides = array<i32>} : memref<32768xf32, #tpu.memory_space<vmem>>, vector<16xf32>,
    } {sc.loop_unroll_factor = 8 : i64, sc.parallel_access}
    %parallel_loop3A_46 = arith.constant 0 : i32
    %parallel_loop3A_47 = arith.constant 128 : i32
    %parallel_loop3A_48 = arith.constant 1 : i32
    scf.for %parallel_loop3A_440 = %parallel_loop3A_46 to %parallel_loop3A_47 step %parallel_loop3A_48  : i32 {
      %parallel_loop3A_441 = arith.constant 16 : i32
      %parallel_loop3A_442 = arith.muli %parallel_loop3A_440, %parallel_loop3A_441 : i32
      %parallel_loop3A_443 = arith.index_cast %parallel_loop3A_442 : i32 to index
      %parallel_loop3A_444 = tpu.vector_load %arg7[%parallel_loop3A_443] {strides = array<i32>} : memref<2048xi32, #tpu.memory_space<vmem>>, vector<16xi32>,
      %parallel_loop3A_445 = arith.constant true
      %parallel_loop3A_446 = vector.broadcast %parallel_loop3A_445 : i1 to vector<16xi1>
      %parallel_loop3A_447 = tpu.scan <sum>, %parallel_loop3A_444 masked %parallel_loop3A_446 : vector<16xi32>, vector<16xi1> -> vector<16xi32>
      %parallel_loop3A_448 = vector.extract %parallel_loop3A_447[15] : i32 from vector<16xi32>
      %parallel_loop3A_449 = vector.broadcast %parallel_loop3A_448 : i32 to vector<16xi32>
      %parallel_loop3A_450 = vector.broadcast %parallel_loop3A_440 : i32 to vector<16xi32>
      %parallel_loop3A_451 = arith.constant 0 : i32
      %parallel_loop3A_452 = vector.broadcast %parallel_loop3A_451 : i32 to vector<16xi32>
      %parallel_loop3A_453 = arith.cmpi eq, %iota3A, %parallel_loop3A_452 : vector<16xi32>
      tpu.vector_store_idx %arg8[%parallel_loop3A_450], %parallel_loop3A_449 masked %parallel_loop3A_453 : memref<128xi32, #tpu.memory_space<vmem>>[vector<16xi32>], vector<16xi32>, vector<16xi1>
    } {sc.loop_unroll_factor = 8 : i64, sc.parallel_access}
    %scan3A = arith.constant 0 : i32
    %scan3A_49 = arith.constant 8 : i32
    %scan3A_50 = arith.addi %scan3A, %scan3A_49 : i32
    %scan3A_51 = arith.constant 1 : i32
    %scan3A_52:3 = scf.for %scan3A_440 = %scan3A to %scan3A_50 step %scan3A_51 iter_args(%scan3A_441 = %broadcast_in_dim3A_42, %scan3A_442 = %broadcast_in_dim3A_42, %scan3A_443 = %broadcast_in_dim3A_42) -> (vector<16xi32>, vector<16xi32>, vector<16xi32>)  : i32 {
      %mul3A_444 = arith.constant 16 : i32
      %mul3A_445 = arith.muli %scan3A_440, %mul3A_444 : i32
      %get3A_446 = arith.index_cast %mul3A_445 : i32 to index
      %get3A_447 = tpu.vector_load %arg8[%get3A_446] {strides = array<i32>} : memref<128xi32, #tpu.memory_space<vmem>>, vector<16xi32>,
      %broadcast_in_dim3A_448 = arith.constant true
      %broadcast_in_dim3A_449 = vector.broadcast %broadcast_in_dim3A_448 : i1 to vector<16xi1>
      %masked_cumsum3A_450 = tpu.scan <sum>, %get3A_447 masked %broadcast_in_dim3A_449 : vector<16xi32>, vector<16xi1> -> vector<16xi32>
      %add3A_451 = arith.addi %scan3A_443, %masked_cumsum3A_450 : vector<16xi32>
      %le3A_452 = arith.cmpi sle, %add3A_451, %sub3A_16 : vector<16xi32>
      %select_n3A_453 = arith.select %le3A_452, %broadcast_in_dim3A_40, %broadcast_in_dim3A_42 : vector<16xi1>, vector<16xi32>
      %add3A_454 = arith.addi %scan3A_441, %select_n3A_453 : vector<16xi32>
      %select_n3A_455 = arith.select %le3A_452, %add3A_451, %broadcast_in_dim3A_42 : vector<16xi1>, vector<16xi32>
      %max3A_456 = arith.maxsi %scan3A_442, %select_n3A_455 : vector<16xi32>
      %reduce_max3A_457 = arith.constant true
      %reduce_max3A_458 = vector.broadcast %reduce_max3A_457 : i1 to vector<16xi1>
      %reduce_max3A_459 = arith.constant -2147483648 : i32
      %reduce_max3A_460 = vector.broadcast %reduce_max3A_459 : i32 to vector<16xi32>
      %reduce_max3A_461 = arith.xori %add3A_451, %reduce_max3A_460 : vector<16xi32>
      %reduce_max3A_462 = tpu.scan <max>, %reduce_max3A_461 masked %reduce_max3A_458 : vector<16xi32>, vector<16xi1> -> vector<16xi32>
      %reduce_max3A_463 = arith.xori %reduce_max3A_462, %reduce_max3A_460 : vector<16xi32>
      %reduce_max3A_464 = vector.extract %reduce_max3A_463[15] : i32 from vector<16xi32>
      %broadcast_in_dim3A_465 = vector.broadcast %reduce_max3A_464 : i32 to vector<16xi32>
      scf.yield %add3A_454, %max3A_456, %broadcast_in_dim3A_465 : vector<16xi32>, vector<16xi32>, vector<16xi32>
    }
    %scan3A_53 = arith.constant 8 : i32
    %reduce_sum3A = arith.constant true
    %reduce_sum3A_54 = vector.broadcast %reduce_sum3A : i1 to vector<16xi1>
    %reduce_sum3A_55 = tpu.scan <sum>, %scan3A_52#0 masked %reduce_sum3A_54 : vector<16xi32>, vector<16xi1> -> vector<16xi32>
    %reduce_sum3A_56 = vector.extract %reduce_sum3A_55[15] : i32 from vector<16xi32>
    %reduce_max3A = arith.constant true
    %reduce_max3A_57 = vector.broadcast %reduce_max3A : i1 to vector<16xi1>
    %reduce_max3A_58 = arith.constant -2147483648 : i32
    %reduce_max3A_59 = vector.broadcast %reduce_max3A_58 : i32 to vector<16xi32>
    %reduce_max3A_60 = arith.xori %scan3A_52#1, %reduce_max3A_59 : vector<16xi32>
    %reduce_max3A_61 = tpu.scan <max>, %reduce_max3A_60 masked %reduce_max3A_57 : vector<16xi32>, vector<16xi1> -> vector<16xi32>
    %reduce_max3A_62 = arith.xori %reduce_max3A_61, %reduce_max3A_59 : vector<16xi32>
    %reduce_max3A_63 = vector.extract %reduce_max3A_62[15] : i32 from vector<16xi32>
    %broadcast_in_dim3A_64 = vector.broadcast %reduce_max3A_63 : i32 to vector<16xi32>
    %mul3A_65 = arith.constant 16 : i32
    %mul3A_66 = arith.muli %reduce_sum3A_56, %mul3A_65 : i32
    %get3A = arith.index_cast %mul3A_66 : i32 to index
    %get3A_67 = tpu.vector_load %arg7[%get3A] {strides = array<i32>} : memref<2048xi32, #tpu.memory_space<vmem>>, vector<16xi32>,
    %broadcast_in_dim3A_68 = arith.constant true
    %broadcast_in_dim3A_69 = vector.broadcast %broadcast_in_dim3A_68 : i1 to vector<16xi1>
    %masked_cumsum3A = tpu.scan <sum>, %get3A_67 masked %broadcast_in_dim3A_69 : vector<16xi32>, vector<16xi1> -> vector<16xi32>
    %add3A_70 = arith.addi %broadcast_in_dim3A_64, %masked_cumsum3A : vector<16xi32>
    %le3A = arith.cmpi sle, %add3A_70, %sub3A_16 : vector<16xi32>
    %select_n3A = arith.select %le3A, %broadcast_in_dim3A_40, %broadcast_in_dim3A_42 : vector<16xi1>, vector<16xi32>
    %reduce_sum3A_71 = arith.constant true
    %reduce_sum3A_72 = vector.broadcast %reduce_sum3A_71 : i1 to vector<16xi1>
    %reduce_sum3A_73 = tpu.scan <sum>, %select_n3A masked %reduce_sum3A_72 : vector<16xi32>, vector<16xi1> -> vector<16xi32>
    %reduce_sum3A_74 = vector.extract %reduce_sum3A_73[15] : i32 from vector<16xi32>
    %select_n3A_75 = arith.select %le3A, %add3A_70, %broadcast_in_dim3A_42 : vector<16xi1>, vector<16xi32>
    %reduce_max3A_76 = arith.constant true
    %reduce_max3A_77 = vector.broadcast %reduce_max3A_76 : i1 to vector<16xi1>
    %reduce_max3A_78 = arith.constant -2147483648 : i32
    %reduce_max3A_79 = vector.broadcast %reduce_max3A_78 : i32 to vector<16xi32>
    %reduce_max3A_80 = arith.xori %select_n3A_75, %reduce_max3A_79 : vector<16xi32>
    %reduce_max3A_81 = tpu.scan <max>, %reduce_max3A_80 masked %reduce_max3A_77 : vector<16xi32>, vector<16xi1> -> vector<16xi32>
    %reduce_max3A_82 = arith.xori %reduce_max3A_81, %reduce_max3A_79 : vector<16xi32>
    %reduce_max3A_83 = vector.extract %reduce_max3A_82[15] : i32 from vector<16xi32>
    %broadcast_in_dim3A_84 = vector.broadcast %reduce_max3A_83 : i32 to vector<16xi32>
    %max3A_85 = arith.maxsi %broadcast_in_dim3A_64, %broadcast_in_dim3A_84 : vector<16xi32>
    %parallel_loop3A_86 = arith.constant 0 : i32
    %parallel_loop3A_87 = arith.constant 128 : i32
    %parallel_loop3A_88 = arith.constant 1 : i32
    scf.for %parallel_loop3A_440 = %parallel_loop3A_86 to %parallel_loop3A_87 step %parallel_loop3A_88  : i32 {
      %parallel_loop3A_441 = arith.constant 16 : i32
      %parallel_loop3A_442 = arith.muli %parallel_loop3A_440, %parallel_loop3A_441 : i32
      %parallel_loop3A_443 = arith.index_cast %parallel_loop3A_442 : i32 to index
      %parallel_loop3A_444 = tpu.vector_load %arg7[%parallel_loop3A_443] {strides = array<i32>} : memref<2048xi32, #tpu.memory_space<vmem>>, vector<16xi32>,
      tpu.vector_store %arg7[%parallel_loop3A_443], %broadcast_in_dim3A_42 {strides = array<i32>} : memref<2048xi32, #tpu.memory_space<vmem>>, vector<16xi32>,
    } {sc.loop_unroll_factor = 8 : i64, sc.parallel_access}
    %mul3A_89 = arith.constant 16 : i32
    %mul3A_90 = arith.muli %reduce_sum3A_56, %mul3A_89 : i32
    %add3A_91 = arith.addi %mul3A_90, %reduce_sum3A_74 : i32
    %broadcast_in_dim3A_92 = vector.broadcast %add3A_91 : i32 to vector<16xi32>
    %sub3A_93 = arith.subi %sub3A_16, %max3A_85 : vector<16xi32>
    %parallel_loop3A_94 = arith.constant 0 : i32
    %parallel_loop3A_95 = arith.constant 2048 : i32
    %parallel_loop3A_96 = arith.constant 1 : i32
    scf.for %parallel_loop3A_440 = %parallel_loop3A_94 to %parallel_loop3A_95 step %parallel_loop3A_96  : i32 {
      %parallel_loop3A_441 = arith.constant 16 : i32
      %parallel_loop3A_442 = arith.muli %parallel_loop3A_440, %parallel_loop3A_441 : i32
      %parallel_loop3A_443 = arith.index_cast %parallel_loop3A_442 : i32 to index
      %parallel_loop3A_444 = tpu.vector_load %arg5[%parallel_loop3A_443] {strides = array<i32>} : memref<32768xf32, #tpu.memory_space<vmem>>, vector<16xf32>,
      %parallel_loop3A_445 = vector.bitcast %parallel_loop3A_444 : vector<16xf32> to vector<16xi32>
      %parallel_loop3A_446 = arith.constant 21 : i32
      %parallel_loop3A_447 = vector.broadcast %parallel_loop3A_446 : i32 to vector<16xi32>
      %parallel_loop3A_448 = arith.shrui %parallel_loop3A_445, %parallel_loop3A_447 : vector<16xi32>
      %parallel_loop3A_449 = arith.cmpi eq, %parallel_loop3A_448, %broadcast_in_dim3A_92 : vector<16xi32>
      %parallel_loop3A_450 = arith.constant 10 : i32
      %parallel_loop3A_451 = vector.broadcast %parallel_loop3A_450 : i32 to vector<16xi32>
      %parallel_loop3A_452 = arith.shrui %parallel_loop3A_445, %parallel_loop3A_451 : vector<16xi32>
      %parallel_loop3A_453 = arith.constant 2047 : i32
      %parallel_loop3A_454 = vector.broadcast %parallel_loop3A_453 : i32 to vector<16xi32>
      %parallel_loop3A_455 = arith.andi %parallel_loop3A_452, %parallel_loop3A_454 : vector<16xi32>
      tpu.vector_store_idx %arg7[%parallel_loop3A_455], %broadcast_in_dim3A_40 masked %parallel_loop3A_449 {add = true} : memref<2048xi32, #tpu.memory_space<vmem>>[vector<16xi32>], vector<16xi32>, vector<16xi1>
    } {sc.loop_unroll_factor = 8 : i64, sc.parallel_access}
    %parallel_loop3A_97 = arith.constant 0 : i32
    %parallel_loop3A_98 = arith.constant 128 : i32
    %parallel_loop3A_99 = arith.constant 1 : i32
    scf.for %parallel_loop3A_440 = %parallel_loop3A_97 to %parallel_loop3A_98 step %parallel_loop3A_99  : i32 {
      %parallel_loop3A_441 = arith.constant 16 : i32
      %parallel_loop3A_442 = arith.muli %parallel_loop3A_440, %parallel_loop3A_441 : i32
      %parallel_loop3A_443 = arith.index_cast %parallel_loop3A_442 : i32 to index
      %parallel_loop3A_444 = tpu.vector_load %arg7[%parallel_loop3A_443] {strides = array<i32>} : memref<2048xi32, #tpu.memory_space<vmem>>, vector<16xi32>,
      %parallel_loop3A_445 = arith.constant true
      %parallel_loop3A_446 = vector.broadcast %parallel_loop3A_445 : i1 to vector<16xi1>
      %parallel_loop3A_447 = tpu.scan <sum>, %parallel_loop3A_444 masked %parallel_loop3A_446 : vector<16xi32>, vector<16xi1> -> vector<16xi32>
      %parallel_loop3A_448 = vector.extract %parallel_loop3A_447[15] : i32 from vector<16xi32>
      %parallel_loop3A_449 = vector.broadcast %parallel_loop3A_448 : i32 to vector<16xi32>
      %parallel_loop3A_450 = vector.broadcast %parallel_loop3A_440 : i32 to vector<16xi32>
      %parallel_loop3A_451 = arith.constant 0 : i32
      %parallel_loop3A_452 = vector.broadcast %parallel_loop3A_451 : i32 to vector<16xi32>
      %parallel_loop3A_453 = arith.cmpi eq, %iota3A, %parallel_loop3A_452 : vector<16xi32>
      tpu.vector_store_idx %arg8[%parallel_loop3A_450], %parallel_loop3A_449 masked %parallel_loop3A_453 : memref<128xi32, #tpu.memory_space<vmem>>[vector<16xi32>], vector<16xi32>, vector<16xi1>
    } {sc.loop_unroll_factor = 8 : i64, sc.parallel_access}
    %scan3A_100 = arith.constant 0 : i32
    %scan3A_101 = arith.constant 8 : i32
    %scan3A_102 = arith.addi %scan3A_100, %scan3A_101 : i32
    %scan3A_103 = arith.constant 1 : i32
    %scan3A_104:3 = scf.for %scan3A_440 = %scan3A_100 to %scan3A_102 step %scan3A_103 iter_args(%scan3A_441 = %broadcast_in_dim3A_42, %scan3A_442 = %broadcast_in_dim3A_42, %scan3A_443 = %broadcast_in_dim3A_42) -> (vector<16xi32>, vector<16xi32>, vector<16xi32>)  : i32 {
      %mul3A_444 = arith.constant 16 : i32
      %mul3A_445 = arith.muli %scan3A_440, %mul3A_444 : i32
      %get3A_446 = arith.index_cast %mul3A_445 : i32 to index
      %get3A_447 = tpu.vector_load %arg8[%get3A_446] {strides = array<i32>} : memref<128xi32, #tpu.memory_space<vmem>>, vector<16xi32>,
      %broadcast_in_dim3A_448 = arith.constant true
      %broadcast_in_dim3A_449 = vector.broadcast %broadcast_in_dim3A_448 : i1 to vector<16xi1>
      %masked_cumsum3A_450 = tpu.scan <sum>, %get3A_447 masked %broadcast_in_dim3A_449 : vector<16xi32>, vector<16xi1> -> vector<16xi32>
      %add3A_451 = arith.addi %scan3A_443, %masked_cumsum3A_450 : vector<16xi32>
      %le3A_452 = arith.cmpi sle, %add3A_451, %sub3A_93 : vector<16xi32>
      %select_n3A_453 = arith.select %le3A_452, %broadcast_in_dim3A_40, %broadcast_in_dim3A_42 : vector<16xi1>, vector<16xi32>
      %add3A_454 = arith.addi %scan3A_441, %select_n3A_453 : vector<16xi32>
      %select_n3A_455 = arith.select %le3A_452, %add3A_451, %broadcast_in_dim3A_42 : vector<16xi1>, vector<16xi32>
      %max3A_456 = arith.maxsi %scan3A_442, %select_n3A_455 : vector<16xi32>
      %reduce_max3A_457 = arith.constant true
      %reduce_max3A_458 = vector.broadcast %reduce_max3A_457 : i1 to vector<16xi1>
      %reduce_max3A_459 = arith.constant -2147483648 : i32
      %reduce_max3A_460 = vector.broadcast %reduce_max3A_459 : i32 to vector<16xi32>
      %reduce_max3A_461 = arith.xori %add3A_451, %reduce_max3A_460 : vector<16xi32>
      %reduce_max3A_462 = tpu.scan <max>, %reduce_max3A_461 masked %reduce_max3A_458 : vector<16xi32>, vector<16xi1> -> vector<16xi32>
      %reduce_max3A_463 = arith.xori %reduce_max3A_462, %reduce_max3A_460 : vector<16xi32>
      %reduce_max3A_464 = vector.extract %reduce_max3A_463[15] : i32 from vector<16xi32>
      %broadcast_in_dim3A_465 = vector.broadcast %reduce_max3A_464 : i32 to vector<16xi32>
      scf.yield %add3A_454, %max3A_456, %broadcast_in_dim3A_465 : vector<16xi32>, vector<16xi32>, vector<16xi32>
    }
    %scan3A_105 = arith.constant 8 : i32
    %reduce_sum3A_106 = arith.constant true
    %reduce_sum3A_107 = vector.broadcast %reduce_sum3A_106 : i1 to vector<16xi1>
    %reduce_sum3A_108 = tpu.scan <sum>, %scan3A_104#0 masked %reduce_sum3A_107 : vector<16xi32>, vector<16xi1> -> vector<16xi32>
    %reduce_sum3A_109 = vector.extract %reduce_sum3A_108[15] : i32 from vector<16xi32>
    %reduce_max3A_110 = arith.constant true
    %reduce_max3A_111 = vector.broadcast %reduce_max3A_110 : i1 to vector<16xi1>
    %reduce_max3A_112 = arith.constant -2147483648 : i32
    %reduce_max3A_113 = vector.broadcast %reduce_max3A_112 : i32 to vector<16xi32>
    %reduce_max3A_114 = arith.xori %scan3A_104#1, %reduce_max3A_113 : vector<16xi32>
    %reduce_max3A_115 = tpu.scan <max>, %reduce_max3A_114 masked %reduce_max3A_111 : vector<16xi32>, vector<16xi1> -> vector<16xi32>
    %reduce_max3A_116 = arith.xori %reduce_max3A_115, %reduce_max3A_113 : vector<16xi32>
    %reduce_max3A_117 = vector.extract %reduce_max3A_116[15] : i32 from vector<16xi32>
    %broadcast_in_dim3A_118 = vector.broadcast %reduce_max3A_117 : i32 to vector<16xi32>
    %mul3A_119 = arith.constant 16 : i32
    %mul3A_120 = arith.muli %reduce_sum3A_109, %mul3A_119 : i32
    %get3A_121 = arith.index_cast %mul3A_120 : i32 to index
    %get3A_122 = tpu.vector_load %arg7[%get3A_121] {strides = array<i32>} : memref<2048xi32, #tpu.memory_space<vmem>>, vector<16xi32>,
    %broadcast_in_dim3A_123 = arith.constant true
    %broadcast_in_dim3A_124 = vector.broadcast %broadcast_in_dim3A_123 : i1 to vector<16xi1>
    %masked_cumsum3A_125 = tpu.scan <sum>, %get3A_122 masked %broadcast_in_dim3A_124 : vector<16xi32>, vector<16xi1> -> vector<16xi32>
    %add3A_126 = arith.addi %broadcast_in_dim3A_118, %masked_cumsum3A_125 : vector<16xi32>
    %le3A_127 = arith.cmpi sle, %add3A_126, %sub3A_93 : vector<16xi32>
    %select_n3A_128 = arith.select %le3A_127, %broadcast_in_dim3A_40, %broadcast_in_dim3A_42 : vector<16xi1>, vector<16xi32>
    %reduce_sum3A_129 = arith.constant true
    %reduce_sum3A_130 = vector.broadcast %reduce_sum3A_129 : i1 to vector<16xi1>
    %reduce_sum3A_131 = tpu.scan <sum>, %select_n3A_128 masked %reduce_sum3A_130 : vector<16xi32>, vector<16xi1> -> vector<16xi32>
    %reduce_sum3A_132 = vector.extract %reduce_sum3A_131[15] : i32 from vector<16xi32>
    %select_n3A_133 = arith.select %le3A_127, %add3A_126, %broadcast_in_dim3A_42 : vector<16xi1>, vector<16xi32>
    %reduce_max3A_134 = arith.constant true
    %reduce_max3A_135 = vector.broadcast %reduce_max3A_134 : i1 to vector<16xi1>
    %reduce_max3A_136 = arith.constant -2147483648 : i32
    %reduce_max3A_137 = vector.broadcast %reduce_max3A_136 : i32 to vector<16xi32>
    %reduce_max3A_138 = arith.xori %select_n3A_133, %reduce_max3A_137 : vector<16xi32>
    %reduce_max3A_139 = tpu.scan <max>, %reduce_max3A_138 masked %reduce_max3A_135 : vector<16xi32>, vector<16xi1> -> vector<16xi32>
    %reduce_max3A_140 = arith.xori %reduce_max3A_139, %reduce_max3A_137 : vector<16xi32>
    %reduce_max3A_141 = vector.extract %reduce_max3A_140[15] : i32 from vector<16xi32>
    %broadcast_in_dim3A_142 = vector.broadcast %reduce_max3A_141 : i32 to vector<16xi32>
    %max3A_143 = arith.maxsi %broadcast_in_dim3A_118, %broadcast_in_dim3A_142 : vector<16xi32>
    %parallel_loop3A_144 = arith.constant 0 : i32
    %parallel_loop3A_145 = arith.constant 128 : i32
    %parallel_loop3A_146 = arith.constant 1 : i32
    scf.for %parallel_loop3A_440 = %parallel_loop3A_144 to %parallel_loop3A_145 step %parallel_loop3A_146  : i32 {
      %parallel_loop3A_441 = arith.constant 16 : i32
      %parallel_loop3A_442 = arith.muli %parallel_loop3A_440, %parallel_loop3A_441 : i32
      %parallel_loop3A_443 = arith.index_cast %parallel_loop3A_442 : i32 to index
      %parallel_loop3A_444 = tpu.vector_load %arg7[%parallel_loop3A_443] {strides = array<i32>} : memref<2048xi32, #tpu.memory_space<vmem>>, vector<16xi32>,
      tpu.vector_store %arg7[%parallel_loop3A_443], %broadcast_in_dim3A_42 {strides = array<i32>} : memref<2048xi32, #tpu.memory_space<vmem>>, vector<16xi32>,
    } {sc.loop_unroll_factor = 8 : i64, sc.parallel_access}
    %mul3A_147 = arith.constant 16 : i32
    %mul3A_148 = arith.muli %reduce_sum3A_109, %mul3A_147 : i32
    %add3A_149 = arith.addi %mul3A_148, %reduce_sum3A_132 : i32
    %broadcast_in_dim3A_150 = vector.broadcast %add3A_149 : i32 to vector<16xi32>
    %sub3A_151 = arith.subi %sub3A_93, %max3A_143 : vector<16xi32>
    %shift_left3A = arith.constant 11 : i32
    %shift_left3A_152 = vector.broadcast %shift_left3A : i32 to vector<16xi32>
    %shift_left3A_153 = arith.shli %broadcast_in_dim3A_92, %shift_left3A_152 : vector<16xi32>
    %or3A = arith.ori %shift_left3A_153, %broadcast_in_dim3A_150 : vector<16xi32>
    %parallel_loop3A_154 = arith.constant 0 : i32
    %parallel_loop3A_155 = arith.constant 2048 : i32
    %parallel_loop3A_156 = arith.constant 1 : i32
    scf.for %parallel_loop3A_440 = %parallel_loop3A_154 to %parallel_loop3A_155 step %parallel_loop3A_156  : i32 {
      %parallel_loop3A_441 = arith.constant 16 : i32
      %parallel_loop3A_442 = arith.muli %parallel_loop3A_440, %parallel_loop3A_441 : i32
      %parallel_loop3A_443 = arith.index_cast %parallel_loop3A_442 : i32 to index
      %parallel_loop3A_444 = tpu.vector_load %arg5[%parallel_loop3A_443] {strides = array<i32>} : memref<32768xf32, #tpu.memory_space<vmem>>, vector<16xf32>,
      %parallel_loop3A_445 = vector.bitcast %parallel_loop3A_444 : vector<16xf32> to vector<16xi32>
      %parallel_loop3A_446 = arith.constant 10 : i32
      %parallel_loop3A_447 = vector.broadcast %parallel_loop3A_446 : i32 to vector<16xi32>
      %parallel_loop3A_448 = arith.shrui %parallel_loop3A_445, %parallel_loop3A_447 : vector<16xi32>
      %parallel_loop3A_449 = arith.cmpi eq, %parallel_loop3A_448, %or3A : vector<16xi32>
      %parallel_loop3A_450 = arith.constant 1023 : i32
      %parallel_loop3A_451 = vector.broadcast %parallel_loop3A_450 : i32 to vector<16xi32>
      %parallel_loop3A_452 = arith.andi %parallel_loop3A_445, %parallel_loop3A_451 : vector<16xi32>
      tpu.vector_store_idx %arg7[%parallel_loop3A_452], %broadcast_in_dim3A_40 masked %parallel_loop3A_449 {add = true} : memref<2048xi32, #tpu.memory_space<vmem>>[vector<16xi32>], vector<16xi32>, vector<16xi1>
    } {sc.loop_unroll_factor = 8 : i64, sc.parallel_access}
    %parallel_loop3A_157 = arith.constant 0 : i32
    %parallel_loop3A_158 = arith.constant 64 : i32
    %parallel_loop3A_159 = arith.constant 1 : i32
    scf.for %parallel_loop3A_440 = %parallel_loop3A_157 to %parallel_loop3A_158 step %parallel_loop3A_159  : i32 {
      %parallel_loop3A_441 = arith.constant 16 : i32
      %parallel_loop3A_442 = arith.muli %parallel_loop3A_440, %parallel_loop3A_441 : i32
      %parallel_loop3A_443 = arith.index_cast %parallel_loop3A_442 : i32 to index
      %parallel_loop3A_444 = tpu.vector_load %arg7[%parallel_loop3A_443] {strides = array<i32>} : memref<2048xi32, #tpu.memory_space<vmem>>, vector<16xi32>,
      %parallel_loop3A_445 = arith.constant true
      %parallel_loop3A_446 = vector.broadcast %parallel_loop3A_445 : i1 to vector<16xi1>
      %parallel_loop3A_447 = tpu.scan <sum>, %parallel_loop3A_444 masked %parallel_loop3A_446 : vector<16xi32>, vector<16xi1> -> vector<16xi32>
      %parallel_loop3A_448 = vector.extract %parallel_loop3A_447[15] : i32 from vector<16xi32>
      %parallel_loop3A_449 = vector.broadcast %parallel_loop3A_448 : i32 to vector<16xi32>
      %parallel_loop3A_450 = vector.broadcast %parallel_loop3A_440 : i32 to vector<16xi32>
      %parallel_loop3A_451 = arith.constant 0 : i32
      %parallel_loop3A_452 = vector.broadcast %parallel_loop3A_451 : i32 to vector<16xi32>
      %parallel_loop3A_453 = arith.cmpi eq, %iota3A, %parallel_loop3A_452 : vector<16xi32>
      tpu.vector_store_idx %arg8[%parallel_loop3A_450], %parallel_loop3A_449 masked %parallel_loop3A_453 : memref<128xi32, #tpu.memory_space<vmem>>[vector<16xi32>], vector<16xi32>, vector<16xi1>
    } {sc.loop_unroll_factor = 8 : i64, sc.parallel_access}
    %scan3A_160 = arith.constant 0 : i32
    %scan3A_161 = arith.constant 4 : i32
    %scan3A_162 = arith.addi %scan3A_160, %scan3A_161 : i32
    %scan3A_163 = arith.constant 1 : i32
    %scan3A_164:3 = scf.for %scan3A_440 = %scan3A_160 to %scan3A_162 step %scan3A_163 iter_args(%scan3A_441 = %broadcast_in_dim3A_42, %scan3A_442 = %broadcast_in_dim3A_42, %scan3A_443 = %broadcast_in_dim3A_42) -> (vector<16xi32>, vector<16xi32>, vector<16xi32>)  : i32 {
      %mul3A_444 = arith.constant 16 : i32
      %mul3A_445 = arith.muli %scan3A_440, %mul3A_444 : i32
      %get3A_446 = arith.index_cast %mul3A_445 : i32 to index
      %get3A_447 = tpu.vector_load %arg8[%get3A_446] {strides = array<i32>} : memref<128xi32, #tpu.memory_space<vmem>>, vector<16xi32>,
      %broadcast_in_dim3A_448 = arith.constant true
      %broadcast_in_dim3A_449 = vector.broadcast %broadcast_in_dim3A_448 : i1 to vector<16xi1>
      %masked_cumsum3A_450 = tpu.scan <sum>, %get3A_447 masked %broadcast_in_dim3A_449 : vector<16xi32>, vector<16xi1> -> vector<16xi32>
      %add3A_451 = arith.addi %scan3A_443, %masked_cumsum3A_450 : vector<16xi32>
      %le3A_452 = arith.cmpi sle, %add3A_451, %sub3A_151 : vector<16xi32>
      %select_n3A_453 = arith.select %le3A_452, %broadcast_in_dim3A_40, %broadcast_in_dim3A_42 : vector<16xi1>, vector<16xi32>
      %add3A_454 = arith.addi %scan3A_441, %select_n3A_453 : vector<16xi32>
      %select_n3A_455 = arith.select %le3A_452, %add3A_451, %broadcast_in_dim3A_42 : vector<16xi1>, vector<16xi32>
      %max3A_456 = arith.maxsi %scan3A_442, %select_n3A_455 : vector<16xi32>
      %reduce_max3A_457 = arith.constant true
      %reduce_max3A_458 = vector.broadcast %reduce_max3A_457 : i1 to vector<16xi1>
      %reduce_max3A_459 = arith.constant -2147483648 : i32
      %reduce_max3A_460 = vector.broadcast %reduce_max3A_459 : i32 to vector<16xi32>
      %reduce_max3A_461 = arith.xori %add3A_451, %reduce_max3A_460 : vector<16xi32>
      %reduce_max3A_462 = tpu.scan <max>, %reduce_max3A_461 masked %reduce_max3A_458 : vector<16xi32>, vector<16xi1> -> vector<16xi32>
      %reduce_max3A_463 = arith.xori %reduce_max3A_462, %reduce_max3A_460 : vector<16xi32>
      %reduce_max3A_464 = vector.extract %reduce_max3A_463[15] : i32 from vector<16xi32>
      %broadcast_in_dim3A_465 = vector.broadcast %reduce_max3A_464 : i32 to vector<16xi32>
      scf.yield %add3A_454, %max3A_456, %broadcast_in_dim3A_465 : vector<16xi32>, vector<16xi32>, vector<16xi32>
    }
    %scan3A_165 = arith.constant 4 : i32
    %reduce_sum3A_166 = arith.constant true
    %reduce_sum3A_167 = vector.broadcast %reduce_sum3A_166 : i1 to vector<16xi1>
    %reduce_sum3A_168 = tpu.scan <sum>, %scan3A_164#0 masked %reduce_sum3A_167 : vector<16xi32>, vector<16xi1> -> vector<16xi32>
    %reduce_sum3A_169 = vector.extract %reduce_sum3A_168[15] : i32 from vector<16xi32>
    %reduce_max3A_170 = arith.constant true
    %reduce_max3A_171 = vector.broadcast %reduce_max3A_170 : i1 to vector<16xi1>
    %reduce_max3A_172 = arith.constant -2147483648 : i32
    %reduce_max3A_173 = vector.broadcast %reduce_max3A_172 : i32 to vector<16xi32>
    %reduce_max3A_174 = arith.xori %scan3A_164#1, %reduce_max3A_173 : vector<16xi32>
    %reduce_max3A_175 = tpu.scan <max>, %reduce_max3A_174 masked %reduce_max3A_171 : vector<16xi32>, vector<16xi1> -> vector<16xi32>
    %reduce_max3A_176 = arith.xori %reduce_max3A_175, %reduce_max3A_173 : vector<16xi32>
    %reduce_max3A_177 = vector.extract %reduce_max3A_176[15] : i32 from vector<16xi32>
    %broadcast_in_dim3A_178 = vector.broadcast %reduce_max3A_177 : i32 to vector<16xi32>
    %mul3A_179 = arith.constant 16 : i32
    %mul3A_180 = arith.muli %reduce_sum3A_169, %mul3A_179 : i32
    %get3A_181 = arith.index_cast %mul3A_180 : i32 to index
    %get3A_182 = tpu.vector_load %arg7[%get3A_181] {strides = array<i32>} : memref<2048xi32, #tpu.memory_space<vmem>>, vector<16xi32>,
    %broadcast_in_dim3A_183 = arith.constant true
    %broadcast_in_dim3A_184 = vector.broadcast %broadcast_in_dim3A_183 : i1 to vector<16xi1>
    %masked_cumsum3A_185 = tpu.scan <sum>, %get3A_182 masked %broadcast_in_dim3A_184 : vector<16xi32>, vector<16xi1> -> vector<16xi32>
    %add3A_186 = arith.addi %broadcast_in_dim3A_178, %masked_cumsum3A_185 : vector<16xi32>
    %le3A_187 = arith.cmpi sle, %add3A_186, %sub3A_151 : vector<16xi32>
    %select_n3A_188 = arith.select %le3A_187, %broadcast_in_dim3A_40, %broadcast_in_dim3A_42 : vector<16xi1>, vector<16xi32>
    %reduce_sum3A_189 = arith.constant true
    %reduce_sum3A_190 = vector.broadcast %reduce_sum3A_189 : i1 to vector<16xi1>
    %reduce_sum3A_191 = tpu.scan <sum>, %select_n3A_188 masked %reduce_sum3A_190 : vector<16xi32>, vector<16xi1> -> vector<16xi32>
    %reduce_sum3A_192 = vector.extract %reduce_sum3A_191[15] : i32 from vector<16xi32>
    %select_n3A_193 = arith.select %le3A_187, %add3A_186, %broadcast_in_dim3A_42 : vector<16xi1>, vector<16xi32>
    %reduce_max3A_194 = arith.constant true
    %reduce_max3A_195 = vector.broadcast %reduce_max3A_194 : i1 to vector<16xi1>
    %reduce_max3A_196 = arith.constant -2147483648 : i32
    %reduce_max3A_197 = vector.broadcast %reduce_max3A_196 : i32 to vector<16xi32>
    %reduce_max3A_198 = arith.xori %select_n3A_193, %reduce_max3A_197 : vector<16xi32>
    %reduce_max3A_199 = tpu.scan <max>, %reduce_max3A_198 masked %reduce_max3A_195 : vector<16xi32>, vector<16xi1> -> vector<16xi32>
    %reduce_max3A_200 = arith.xori %reduce_max3A_199, %reduce_max3A_197 : vector<16xi32>
    %reduce_max3A_201 = vector.extract %reduce_max3A_200[15] : i32 from vector<16xi32>
    %broadcast_in_dim3A_202 = vector.broadcast %reduce_max3A_201 : i32 to vector<16xi32>
    %max3A_203 = arith.maxsi %broadcast_in_dim3A_178, %broadcast_in_dim3A_202 : vector<16xi32>
    %parallel_loop3A_204 = arith.constant 0 : i32
    %parallel_loop3A_205 = arith.constant 64 : i32
    %parallel_loop3A_206 = arith.constant 1 : i32
    scf.for %parallel_loop3A_440 = %parallel_loop3A_204 to %parallel_loop3A_205 step %parallel_loop3A_206  : i32 {
      %parallel_loop3A_441 = arith.constant 16 : i32
      %parallel_loop3A_442 = arith.muli %parallel_loop3A_440, %parallel_loop3A_441 : i32
      %parallel_loop3A_443 = arith.index_cast %parallel_loop3A_442 : i32 to index
      %parallel_loop3A_444 = tpu.vector_load %arg7[%parallel_loop3A_443] {strides = array<i32>} : memref<2048xi32, #tpu.memory_space<vmem>>, vector<16xi32>,
      tpu.vector_store %arg7[%parallel_loop3A_443], %broadcast_in_dim3A_42 {strides = array<i32>} : memref<2048xi32, #tpu.memory_space<vmem>>, vector<16xi32>,
    } {sc.loop_unroll_factor = 8 : i64, sc.parallel_access}
    %mul3A_207 = arith.constant 16 : i32
    %mul3A_208 = arith.muli %reduce_sum3A_169, %mul3A_207 : i32
    %add3A_209 = arith.addi %mul3A_208, %reduce_sum3A_192 : i32
    %broadcast_in_dim3A_210 = vector.broadcast %add3A_209 : i32 to vector<16xi32>
    %shift_left3A_211 = arith.constant 21 : i32
    %shift_left3A_212 = vector.broadcast %shift_left3A_211 : i32 to vector<16xi32>
    %shift_left3A_213 = arith.shli %broadcast_in_dim3A_92, %shift_left3A_212 : vector<16xi32>
    %shift_left3A_214 = arith.constant 10 : i32
    %shift_left3A_215 = vector.broadcast %shift_left3A_214 : i32 to vector<16xi32>
    %shift_left3A_216 = arith.shli %broadcast_in_dim3A_150, %shift_left3A_215 : vector<16xi32>
    %or3A_217 = arith.ori %shift_left3A_213, %shift_left3A_216 : vector<16xi32>
    %or3A_218 = arith.ori %or3A_217, %broadcast_in_dim3A_210 : vector<16xi32>
    %lt3A = arith.constant 0 : i32
    %lt3A_219 = vector.broadcast %lt3A : i32 to vector<16xi32>
    %lt3A_220 = arith.cmpi slt, %or3A_218, %lt3A_219 : vector<16xi32>
    %xor3A = arith.constant -2147483648 : i32
    %xor3A_221 = vector.broadcast %xor3A : i32 to vector<16xi32>
    %xor3A_222 = arith.xori %or3A_218, %xor3A_221 : vector<16xi32>
    %not3A = arith.constant dense<-1> : vector<16xi32>
    %not3A_223 = arith.xori %or3A_218, %not3A : vector<16xi32>
    %select_n3A_224 = arith.select %lt3A_220, %xor3A_222, %not3A_223 : vector<16xi1>, vector<16xi32>
    %bitcast3A = vector.bitcast %select_n3A_224 : vector<16xi32> to vector<16xf32>
    %select_n3A_225 = arith.select %ge3A_11, %broadcast_in_dim3A_18, %bitcast3A : vector<16xi1>, vector<16xf32>
    %swap3A = arith.constant 0 : index
    %swap3A_226 = tpu.vector_load %arg10[%swap3A] {strides = array<i32>} : memref<16xf32, #tpu.memory_space<vmem>>, vector<16xf32>,
    tpu.vector_store %arg10[%swap3A], %select_n3A_225 {strides = array<i32>} : memref<16xf32, #tpu.memory_space<vmem>>, vector<16xf32>,
    %add3A_227 = arith.constant 0 : i32
    %add3A_228 = arith.addi %mul3A_2, %add3A_227 : i32
    "tpu.region"() ({
      %run_scoped3A = tpu.sem_alloc : memref<!tpu.dma_semaphore, #tpu.memory_space<semaphore_mem>>
      %dma_start3A_440 = arith.constant 0 : i32
      %dma_start3A_441 = tpu.memref_slice %arg4[%add3A_228, %dma_start3A_440] : memref<64x16xf32, #tpu.memory_space<hbm>> -> memref<1x16xf32, #tpu.memory_space<hbm>>
      %dma_start3A_442 = tpu.memref_squeeze %dma_start3A_441 : memref<1x16xf32, #tpu.memory_space<hbm>> -> memref<16xf32, #tpu.memory_space<hbm>>
      %dma_start3A_443 = arith.constant 0 : i32
      %dma_start3A_444 = tpu.memref_slice %arg4[%add3A_228, %dma_start3A_443] : memref<64x16xf32, #tpu.memory_space<hbm>> -> memref<1x16xf32, #tpu.memory_space<hbm>>
      %dma_start3A_445 = tpu.memref_squeeze %dma_start3A_444 : memref<1x16xf32, #tpu.memory_space<hbm>> -> memref<16xf32, #tpu.memory_space<hbm>>
      tpu.enqueue_dma source(%arg10 : memref<16xf32, #tpu.memory_space<vmem>>) target(%dma_start3A_445 : memref<16xf32, #tpu.memory_space<hbm>>) target_semaphore(%run_scoped3A : memref<!tpu.dma_semaphore, #tpu.memory_space<semaphore_mem>>)
      %dma_wait3A_446 = arith.constant 0 : i32
      %dma_wait3A_447 = tpu.memref_slice %arg4[%add3A_228, %dma_wait3A_446] : memref<64x16xf32, #tpu.memory_space<hbm>> -> memref<1x16xf32, #tpu.memory_space<hbm>>
      %dma_wait3A_448 = tpu.memref_squeeze %dma_wait3A_447 : memref<1x16xf32, #tpu.memory_space<hbm>> -> memref<16xf32, #tpu.memory_space<hbm>>
      %dma_wait3A_449 = arith.constant 0 : i32
      %dma_wait3A_450 = tpu.memref_slice %arg4[%add3A_228, %dma_wait3A_449] : memref<64x16xf32, #tpu.memory_space<hbm>> -> memref<1x16xf32, #tpu.memory_space<hbm>>
      %dma_wait3A_451 = tpu.memref_squeeze %dma_wait3A_450 : memref<1x16xf32, #tpu.memory_space<hbm>> -> memref<16xf32, #tpu.memory_space<hbm>>
      tpu.wait_dma2 semaphore(%run_scoped3A : memref<!tpu.dma_semaphore, #tpu.memory_space<semaphore_mem>>) src(%arg10 : memref<16xf32, #tpu.memory_space<vmem>>) dst(%dma_wait3A_451 : memref<16xf32, #tpu.memory_space<hbm>>)
      tpu.yield
    }) : () -> ()
    %dma_wait3A_229 = arith.constant 0 : i32
    %dma_wait3A_230 = tpu.memref_slice %arg2[%add3A_25, %dma_wait3A_229] : memref<64x32768xf32, #tpu.memory_space<hbm>> -> memref<1x32768xf32, #tpu.memory_space<hbm>>
    %dma_wait3A_231 = tpu.memref_squeeze %dma_wait3A_230 : memref<1x32768xf32, #tpu.memory_space<hbm>> -> memref<32768xf32, #tpu.memory_space<hbm>>
    %dma_wait3A_232 = arith.constant 0 : i32
    %dma_wait3A_233 = tpu.memref_slice %arg2[%add3A_25, %dma_wait3A_232] : memref<64x32768xf32, #tpu.memory_space<hbm>> -> memref<1x32768xf32, #tpu.memory_space<hbm>>
    %dma_wait3A_234 = tpu.memref_squeeze %dma_wait3A_233 : memref<1x32768xf32, #tpu.memory_space<hbm>> -> memref<32768xf32, #tpu.memory_space<hbm>>
    tpu.wait_dma2 semaphore(%arg12 : memref<!tpu.dma_semaphore, #tpu.memory_space<semaphore_mem>>) src(%dma_wait3A_234 : memref<32768xf32, #tpu.memory_space<hbm>>) dst(%arg6 : memref<32768xf32, #tpu.memory_space<vmem>>)
    %broadcast_in_dim3A_235 = arith.constant 1 : i32
    %broadcast_in_dim3A_236 = vector.broadcast %broadcast_in_dim3A_235 : i32 to vector<16xi32>
    %broadcast_in_dim3A_237 = arith.constant 0 : i32
    %broadcast_in_dim3A_238 = vector.broadcast %broadcast_in_dim3A_237 : i32 to vector<16xi32>
    %iota3A_239 = tpu.iota {dimensions = array<i32: 0>} : vector<16xi32>
    %parallel_loop3A_240 = arith.constant 0 : i32
    %parallel_loop3A_241 = arith.constant 2048 : i32
    %parallel_loop3A_242 = arith.constant 1 : i32
    scf.for %parallel_loop3A_440 = %parallel_loop3A_240 to %parallel_loop3A_241 step %parallel_loop3A_242  : i32 {
      %parallel_loop3A_441 = arith.constant 16 : i32
      %parallel_loop3A_442 = arith.muli %parallel_loop3A_440, %parallel_loop3A_441 : i32
      %parallel_loop3A_443 = arith.index_cast %parallel_loop3A_442 : i32 to index
      %parallel_loop3A_444 = tpu.vector_load %arg6[%parallel_loop3A_443] {strides = array<i32>} : memref<32768xf32, #tpu.memory_space<vmem>>, vector<16xf32>,
      %parallel_loop3A_445 = vector.bitcast %parallel_loop3A_444 : vector<16xf32> to vector<16xi32>
      %parallel_loop3A_446 = arith.constant 31 : i32
      %parallel_loop3A_447 = vector.broadcast %parallel_loop3A_446 : i32 to vector<16xi32>
      %parallel_loop3A_448 = arith.shrsi %parallel_loop3A_445, %parallel_loop3A_447 : vector<16xi32>
      %parallel_loop3A_449 = arith.constant -2147483648 : i32
      %parallel_loop3A_450 = vector.broadcast %parallel_loop3A_449 : i32 to vector<16xi32>
      %parallel_loop3A_451 = arith.ori %parallel_loop3A_448, %parallel_loop3A_450 : vector<16xi32>
      %parallel_loop3A_452 = arith.xori %parallel_loop3A_445, %parallel_loop3A_451 : vector<16xi32>
      %parallel_loop3A_453 = arith.constant 21 : i32
      %parallel_loop3A_454 = vector.broadcast %parallel_loop3A_453 : i32 to vector<16xi32>
      %parallel_loop3A_455 = arith.shrui %parallel_loop3A_452, %parallel_loop3A_454 : vector<16xi32>
      tpu.vector_store_idx %arg7[%parallel_loop3A_455], %broadcast_in_dim3A_236 {add = true} : memref<2048xi32, #tpu.memory_space<vmem>>[vector<16xi32>], vector<16xi32>,
      %parallel_loop3A_456 = vector.bitcast %parallel_loop3A_452 : vector<16xi32> to vector<16xf32>
      %parallel_loop3A_457 = arith.constant 16 : i32
      %parallel_loop3A_458 = arith.muli %parallel_loop3A_440, %parallel_loop3A_457 : i32
      %parallel_loop3A_459 = arith.index_cast %parallel_loop3A_458 : i32 to index
      %parallel_loop3A_460 = tpu.vector_load %arg6[%parallel_loop3A_459] {strides = array<i32>} : memref<32768xf32, #tpu.memory_space<vmem>>, vector<16xf32>,
      tpu.vector_store %arg6[%parallel_loop3A_459], %parallel_loop3A_456 {strides = array<i32>} : memref<32768xf32, #tpu.memory_space<vmem>>, vector<16xf32>,
    } {sc.loop_unroll_factor = 8 : i64, sc.parallel_access}
    %parallel_loop3A_243 = arith.constant 0 : i32
    %parallel_loop3A_244 = arith.constant 128 : i32
    %parallel_loop3A_245 = arith.constant 1 : i32
    scf.for %parallel_loop3A_440 = %parallel_loop3A_243 to %parallel_loop3A_244 step %parallel_loop3A_245  : i32 {
      %parallel_loop3A_441 = arith.constant 16 : i32
      %parallel_loop3A_442 = arith.muli %parallel_loop3A_440, %parallel_loop3A_441 : i32
      %parallel_loop3A_443 = arith.index_cast %parallel_loop3A_442 : i32 to index
      %parallel_loop3A_444 = tpu.vector_load %arg7[%parallel_loop3A_443] {strides = array<i32>} : memref<2048xi32, #tpu.memory_space<vmem>>, vector<16xi32>,
      %parallel_loop3A_445 = arith.constant true
      %parallel_loop3A_446 = vector.broadcast %parallel_loop3A_445 : i1 to vector<16xi1>
      %parallel_loop3A_447 = tpu.scan <sum>, %parallel_loop3A_444 masked %parallel_loop3A_446 : vector<16xi32>, vector<16xi1> -> vector<16xi32>
      %parallel_loop3A_448 = vector.extract %parallel_loop3A_447[15] : i32 from vector<16xi32>
      %parallel_loop3A_449 = vector.broadcast %parallel_loop3A_448 : i32 to vector<16xi32>
      %parallel_loop3A_450 = vector.broadcast %parallel_loop3A_440 : i32 to vector<16xi32>
      %parallel_loop3A_451 = arith.constant 0 : i32
      %parallel_loop3A_452 = vector.broadcast %parallel_loop3A_451 : i32 to vector<16xi32>
      %parallel_loop3A_453 = arith.cmpi eq, %iota3A_239, %parallel_loop3A_452 : vector<16xi32>
      tpu.vector_store_idx %arg8[%parallel_loop3A_450], %parallel_loop3A_449 masked %parallel_loop3A_453 : memref<128xi32, #tpu.memory_space<vmem>>[vector<16xi32>], vector<16xi32>, vector<16xi1>
    } {sc.loop_unroll_factor = 8 : i64, sc.parallel_access}
    %scan3A_246 = arith.constant 0 : i32
    %scan3A_247 = arith.constant 8 : i32
    %scan3A_248 = arith.addi %scan3A_246, %scan3A_247 : i32
    %scan3A_249 = arith.constant 1 : i32
    %scan3A_250:3 = scf.for %scan3A_440 = %scan3A_246 to %scan3A_248 step %scan3A_249 iter_args(%scan3A_441 = %broadcast_in_dim3A_238, %scan3A_442 = %broadcast_in_dim3A_238, %scan3A_443 = %broadcast_in_dim3A_238) -> (vector<16xi32>, vector<16xi32>, vector<16xi32>)  : i32 {
      %mul3A_444 = arith.constant 16 : i32
      %mul3A_445 = arith.muli %scan3A_440, %mul3A_444 : i32
      %get3A_446 = arith.index_cast %mul3A_445 : i32 to index
      %get3A_447 = tpu.vector_load %arg8[%get3A_446] {strides = array<i32>} : memref<128xi32, #tpu.memory_space<vmem>>, vector<16xi32>,
      %broadcast_in_dim3A_448 = arith.constant true
      %broadcast_in_dim3A_449 = vector.broadcast %broadcast_in_dim3A_448 : i1 to vector<16xi1>
      %masked_cumsum3A_450 = tpu.scan <sum>, %get3A_447 masked %broadcast_in_dim3A_449 : vector<16xi32>, vector<16xi1> -> vector<16xi32>
      %add3A_451 = arith.addi %scan3A_443, %masked_cumsum3A_450 : vector<16xi32>
      %le3A_452 = arith.cmpi sle, %add3A_451, %sub3A_16 : vector<16xi32>
      %select_n3A_453 = arith.select %le3A_452, %broadcast_in_dim3A_236, %broadcast_in_dim3A_238 : vector<16xi1>, vector<16xi32>
      %add3A_454 = arith.addi %scan3A_441, %select_n3A_453 : vector<16xi32>
      %select_n3A_455 = arith.select %le3A_452, %add3A_451, %broadcast_in_dim3A_238 : vector<16xi1>, vector<16xi32>
      %max3A_456 = arith.maxsi %scan3A_442, %select_n3A_455 : vector<16xi32>
      %reduce_max3A_457 = arith.constant true
      %reduce_max3A_458 = vector.broadcast %reduce_max3A_457 : i1 to vector<16xi1>
      %reduce_max3A_459 = arith.constant -2147483648 : i32
      %reduce_max3A_460 = vector.broadcast %reduce_max3A_459 : i32 to vector<16xi32>
      %reduce_max3A_461 = arith.xori %add3A_451, %reduce_max3A_460 : vector<16xi32>
      %reduce_max3A_462 = tpu.scan <max>, %reduce_max3A_461 masked %reduce_max3A_458 : vector<16xi32>, vector<16xi1> -> vector<16xi32>
      %reduce_max3A_463 = arith.xori %reduce_max3A_462, %reduce_max3A_460 : vector<16xi32>
      %reduce_max3A_464 = vector.extract %reduce_max3A_463[15] : i32 from vector<16xi32>
      %broadcast_in_dim3A_465 = vector.broadcast %reduce_max3A_464 : i32 to vector<16xi32>
      scf.yield %add3A_454, %max3A_456, %broadcast_in_dim3A_465 : vector<16xi32>, vector<16xi32>, vector<16xi32>
    }
    %scan3A_251 = arith.constant 8 : i32
    %reduce_sum3A_252 = arith.constant true
    %reduce_sum3A_253 = vector.broadcast %reduce_sum3A_252 : i1 to vector<16xi1>
    %reduce_sum3A_254 = tpu.scan <sum>, %scan3A_250#0 masked %reduce_sum3A_253 : vector<16xi32>, vector<16xi1> -> vector<16xi32>
    %reduce_sum3A_255 = vector.extract %reduce_sum3A_254[15] : i32 from vector<16xi32>
    %reduce_max3A_256 = arith.constant true
    %reduce_max3A_257 = vector.broadcast %reduce_max3A_256 : i1 to vector<16xi1>
    %reduce_max3A_258 = arith.constant -2147483648 : i32
    %reduce_max3A_259 = vector.broadcast %reduce_max3A_258 : i32 to vector<16xi32>
    %reduce_max3A_260 = arith.xori %scan3A_250#1, %reduce_max3A_259 : vector<16xi32>
    %reduce_max3A_261 = tpu.scan <max>, %reduce_max3A_260 masked %reduce_max3A_257 : vector<16xi32>, vector<16xi1> -> vector<16xi32>
    %reduce_max3A_262 = arith.xori %reduce_max3A_261, %reduce_max3A_259 : vector<16xi32>
    %reduce_max3A_263 = vector.extract %reduce_max3A_262[15] : i32 from vector<16xi32>
    %broadcast_in_dim3A_264 = vector.broadcast %reduce_max3A_263 : i32 to vector<16xi32>
    %mul3A_265 = arith.constant 16 : i32
    %mul3A_266 = arith.muli %reduce_sum3A_255, %mul3A_265 : i32
    %get3A_267 = arith.index_cast %mul3A_266 : i32 to index
    %get3A_268 = tpu.vector_load %arg7[%get3A_267] {strides = array<i32>} : memref<2048xi32, #tpu.memory_space<vmem>>, vector<16xi32>,
    %broadcast_in_dim3A_269 = arith.constant true
    %broadcast_in_dim3A_270 = vector.broadcast %broadcast_in_dim3A_269 : i1 to vector<16xi1>
    %masked_cumsum3A_271 = tpu.scan <sum>, %get3A_268 masked %broadcast_in_dim3A_270 : vector<16xi32>, vector<16xi1> -> vector<16xi32>
    %add3A_272 = arith.addi %broadcast_in_dim3A_264, %masked_cumsum3A_271 : vector<16xi32>
    %le3A_273 = arith.cmpi sle, %add3A_272, %sub3A_16 : vector<16xi32>
    %select_n3A_274 = arith.select %le3A_273, %broadcast_in_dim3A_236, %broadcast_in_dim3A_238 : vector<16xi1>, vector<16xi32>
    %reduce_sum3A_275 = arith.constant true
    %reduce_sum3A_276 = vector.broadcast %reduce_sum3A_275 : i1 to vector<16xi1>
    %reduce_sum3A_277 = tpu.scan <sum>, %select_n3A_274 masked %reduce_sum3A_276 : vector<16xi32>, vector<16xi1> -> vector<16xi32>
    %reduce_sum3A_278 = vector.extract %reduce_sum3A_277[15] : i32 from vector<16xi32>
    %select_n3A_279 = arith.select %le3A_273, %add3A_272, %broadcast_in_dim3A_238 : vector<16xi1>, vector<16xi32>
    %reduce_max3A_280 = arith.constant true
    %reduce_max3A_281 = vector.broadcast %reduce_max3A_280 : i1 to vector<16xi1>
    %reduce_max3A_282 = arith.constant -2147483648 : i32
    %reduce_max3A_283 = vector.broadcast %reduce_max3A_282 : i32 to vector<16xi32>
    %reduce_max3A_284 = arith.xori %select_n3A_279, %reduce_max3A_283 : vector<16xi32>
    %reduce_max3A_285 = tpu.scan <max>, %reduce_max3A_284 masked %reduce_max3A_281 : vector<16xi32>, vector<16xi1> -> vector<16xi32>
    %reduce_max3A_286 = arith.xori %reduce_max3A_285, %reduce_max3A_283 : vector<16xi32>
    %reduce_max3A_287 = vector.extract %reduce_max3A_286[15] : i32 from vector<16xi32>
    %broadcast_in_dim3A_288 = vector.broadcast %reduce_max3A_287 : i32 to vector<16xi32>
    %max3A_289 = arith.maxsi %broadcast_in_dim3A_264, %broadcast_in_dim3A_288 : vector<16xi32>
    %parallel_loop3A_290 = arith.constant 0 : i32
    %parallel_loop3A_291 = arith.constant 128 : i32
    %parallel_loop3A_292 = arith.constant 1 : i32
    scf.for %parallel_loop3A_440 = %parallel_loop3A_290 to %parallel_loop3A_291 step %parallel_loop3A_292  : i32 {
      %parallel_loop3A_441 = arith.constant 16 : i32
      %parallel_loop3A_442 = arith.muli %parallel_loop3A_440, %parallel_loop3A_441 : i32
      %parallel_loop3A_443 = arith.index_cast %parallel_loop3A_442 : i32 to index
      %parallel_loop3A_444 = tpu.vector_load %arg7[%parallel_loop3A_443] {strides = array<i32>} : memref<2048xi32, #tpu.memory_space<vmem>>, vector<16xi32>,
      tpu.vector_store %arg7[%parallel_loop3A_443], %broadcast_in_dim3A_238 {strides = array<i32>} : memref<2048xi32, #tpu.memory_space<vmem>>, vector<16xi32>,
    } {sc.loop_unroll_factor = 8 : i64, sc.parallel_access}
    %mul3A_293 = arith.constant 16 : i32
    %mul3A_294 = arith.muli %reduce_sum3A_255, %mul3A_293 : i32
    %add3A_295 = arith.addi %mul3A_294, %reduce_sum3A_278 : i32
    %broadcast_in_dim3A_296 = vector.broadcast %add3A_295 : i32 to vector<16xi32>
    %sub3A_297 = arith.subi %sub3A_16, %max3A_289 : vector<16xi32>
    %parallel_loop3A_298 = arith.constant 0 : i32
    %parallel_loop3A_299 = arith.constant 2048 : i32
    %parallel_loop3A_300 = arith.constant 1 : i32
    scf.for %parallel_loop3A_440 = %parallel_loop3A_298 to %parallel_loop3A_299 step %parallel_loop3A_300  : i32 {
      %parallel_loop3A_441 = arith.constant 16 : i32
      %parallel_loop3A_442 = arith.muli %parallel_loop3A_440, %parallel_loop3A_441 : i32
      %parallel_loop3A_443 = arith.index_cast %parallel_loop3A_442 : i32 to index
      %parallel_loop3A_444 = tpu.vector_load %arg6[%parallel_loop3A_443] {strides = array<i32>} : memref<32768xf32, #tpu.memory_space<vmem>>, vector<16xf32>,
      %parallel_loop3A_445 = vector.bitcast %parallel_loop3A_444 : vector<16xf32> to vector<16xi32>
      %parallel_loop3A_446 = arith.constant 21 : i32
      %parallel_loop3A_447 = vector.broadcast %parallel_loop3A_446 : i32 to vector<16xi32>
      %parallel_loop3A_448 = arith.shrui %parallel_loop3A_445, %parallel_loop3A_447 : vector<16xi32>
      %parallel_loop3A_449 = arith.cmpi eq, %parallel_loop3A_448, %broadcast_in_dim3A_296 : vector<16xi32>
      %parallel_loop3A_450 = arith.constant 10 : i32
      %parallel_loop3A_451 = vector.broadcast %parallel_loop3A_450 : i32 to vector<16xi32>
      %parallel_loop3A_452 = arith.shrui %parallel_loop3A_445, %parallel_loop3A_451 : vector<16xi32>
      %parallel_loop3A_453 = arith.constant 2047 : i32
      %parallel_loop3A_454 = vector.broadcast %parallel_loop3A_453 : i32 to vector<16xi32>
      %parallel_loop3A_455 = arith.andi %parallel_loop3A_452, %parallel_loop3A_454 : vector<16xi32>
      tpu.vector_store_idx %arg7[%parallel_loop3A_455], %broadcast_in_dim3A_236 masked %parallel_loop3A_449 {add = true} : memref<2048xi32, #tpu.memory_space<vmem>>[vector<16xi32>], vector<16xi32>, vector<16xi1>
    } {sc.loop_unroll_factor = 8 : i64, sc.parallel_access}
    %parallel_loop3A_301 = arith.constant 0 : i32
    %parallel_loop3A_302 = arith.constant 128 : i32
    %parallel_loop3A_303 = arith.constant 1 : i32
    scf.for %parallel_loop3A_440 = %parallel_loop3A_301 to %parallel_loop3A_302 step %parallel_loop3A_303  : i32 {
      %parallel_loop3A_441 = arith.constant 16 : i32
      %parallel_loop3A_442 = arith.muli %parallel_loop3A_440, %parallel_loop3A_441 : i32
      %parallel_loop3A_443 = arith.index_cast %parallel_loop3A_442 : i32 to index
      %parallel_loop3A_444 = tpu.vector_load %arg7[%parallel_loop3A_443] {strides = array<i32>} : memref<2048xi32, #tpu.memory_space<vmem>>, vector<16xi32>,
      %parallel_loop3A_445 = arith.constant true
      %parallel_loop3A_446 = vector.broadcast %parallel_loop3A_445 : i1 to vector<16xi1>
      %parallel_loop3A_447 = tpu.scan <sum>, %parallel_loop3A_444 masked %parallel_loop3A_446 : vector<16xi32>, vector<16xi1> -> vector<16xi32>
      %parallel_loop3A_448 = vector.extract %parallel_loop3A_447[15] : i32 from vector<16xi32>
      %parallel_loop3A_449 = vector.broadcast %parallel_loop3A_448 : i32 to vector<16xi32>
      %parallel_loop3A_450 = vector.broadcast %parallel_loop3A_440 : i32 to vector<16xi32>
      %parallel_loop3A_451 = arith.constant 0 : i32
      %parallel_loop3A_452 = vector.broadcast %parallel_loop3A_451 : i32 to vector<16xi32>
      %parallel_loop3A_453 = arith.cmpi eq, %iota3A_239, %parallel_loop3A_452 : vector<16xi32>
      tpu.vector_store_idx %arg8[%parallel_loop3A_450], %parallel_loop3A_449 masked %parallel_loop3A_453 : memref<128xi32, #tpu.memory_space<vmem>>[vector<16xi32>], vector<16xi32>, vector<16xi1>
    } {sc.loop_unroll_factor = 8 : i64, sc.parallel_access}
    %scan3A_304 = arith.constant 0 : i32
    %scan3A_305 = arith.constant 8 : i32
    %scan3A_306 = arith.addi %scan3A_304, %scan3A_305 : i32
    %scan3A_307 = arith.constant 1 : i32
    %scan3A_308:3 = scf.for %scan3A_440 = %scan3A_304 to %scan3A_306 step %scan3A_307 iter_args(%scan3A_441 = %broadcast_in_dim3A_238, %scan3A_442 = %broadcast_in_dim3A_238, %scan3A_443 = %broadcast_in_dim3A_238) -> (vector<16xi32>, vector<16xi32>, vector<16xi32>)  : i32 {
      %mul3A_444 = arith.constant 16 : i32
      %mul3A_445 = arith.muli %scan3A_440, %mul3A_444 : i32
      %get3A_446 = arith.index_cast %mul3A_445 : i32 to index
      %get3A_447 = tpu.vector_load %arg8[%get3A_446] {strides = array<i32>} : memref<128xi32, #tpu.memory_space<vmem>>, vector<16xi32>,
      %broadcast_in_dim3A_448 = arith.constant true
      %broadcast_in_dim3A_449 = vector.broadcast %broadcast_in_dim3A_448 : i1 to vector<16xi1>
      %masked_cumsum3A_450 = tpu.scan <sum>, %get3A_447 masked %broadcast_in_dim3A_449 : vector<16xi32>, vector<16xi1> -> vector<16xi32>
      %add3A_451 = arith.addi %scan3A_443, %masked_cumsum3A_450 : vector<16xi32>
      %le3A_452 = arith.cmpi sle, %add3A_451, %sub3A_297 : vector<16xi32>
      %select_n3A_453 = arith.select %le3A_452, %broadcast_in_dim3A_236, %broadcast_in_dim3A_238 : vector<16xi1>, vector<16xi32>
      %add3A_454 = arith.addi %scan3A_441, %select_n3A_453 : vector<16xi32>
      %select_n3A_455 = arith.select %le3A_452, %add3A_451, %broadcast_in_dim3A_238 : vector<16xi1>, vector<16xi32>
      %max3A_456 = arith.maxsi %scan3A_442, %select_n3A_455 : vector<16xi32>
      %reduce_max3A_457 = arith.constant true
      %reduce_max3A_458 = vector.broadcast %reduce_max3A_457 : i1 to vector<16xi1>
      %reduce_max3A_459 = arith.constant -2147483648 : i32
      %reduce_max3A_460 = vector.broadcast %reduce_max3A_459 : i32 to vector<16xi32>
      %reduce_max3A_461 = arith.xori %add3A_451, %reduce_max3A_460 : vector<16xi32>
      %reduce_max3A_462 = tpu.scan <max>, %reduce_max3A_461 masked %reduce_max3A_458 : vector<16xi32>, vector<16xi1> -> vector<16xi32>
      %reduce_max3A_463 = arith.xori %reduce_max3A_462, %reduce_max3A_460 : vector<16xi32>
      %reduce_max3A_464 = vector.extract %reduce_max3A_463[15] : i32 from vector<16xi32>
      %broadcast_in_dim3A_465 = vector.broadcast %reduce_max3A_464 : i32 to vector<16xi32>
      scf.yield %add3A_454, %max3A_456, %broadcast_in_dim3A_465 : vector<16xi32>, vector<16xi32>, vector<16xi32>
    }
    %scan3A_309 = arith.constant 8 : i32
    %reduce_sum3A_310 = arith.constant true
    %reduce_sum3A_311 = vector.broadcast %reduce_sum3A_310 : i1 to vector<16xi1>
    %reduce_sum3A_312 = tpu.scan <sum>, %scan3A_308#0 masked %reduce_sum3A_311 : vector<16xi32>, vector<16xi1> -> vector<16xi32>
    %reduce_sum3A_313 = vector.extract %reduce_sum3A_312[15] : i32 from vector<16xi32>
    %reduce_max3A_314 = arith.constant true
    %reduce_max3A_315 = vector.broadcast %reduce_max3A_314 : i1 to vector<16xi1>
    %reduce_max3A_316 = arith.constant -2147483648 : i32
    %reduce_max3A_317 = vector.broadcast %reduce_max3A_316 : i32 to vector<16xi32>
    %reduce_max3A_318 = arith.xori %scan3A_308#1, %reduce_max3A_317 : vector<16xi32>
    %reduce_max3A_319 = tpu.scan <max>, %reduce_max3A_318 masked %reduce_max3A_315 : vector<16xi32>, vector<16xi1> -> vector<16xi32>
    %reduce_max3A_320 = arith.xori %reduce_max3A_319, %reduce_max3A_317 : vector<16xi32>
    %reduce_max3A_321 = vector.extract %reduce_max3A_320[15] : i32 from vector<16xi32>
    %broadcast_in_dim3A_322 = vector.broadcast %reduce_max3A_321 : i32 to vector<16xi32>
    %mul3A_323 = arith.constant 16 : i32
    %mul3A_324 = arith.muli %reduce_sum3A_313, %mul3A_323 : i32
    %get3A_325 = arith.index_cast %mul3A_324 : i32 to index
    %get3A_326 = tpu.vector_load %arg7[%get3A_325] {strides = array<i32>} : memref<2048xi32, #tpu.memory_space<vmem>>, vector<16xi32>,
    %broadcast_in_dim3A_327 = arith.constant true
    %broadcast_in_dim3A_328 = vector.broadcast %broadcast_in_dim3A_327 : i1 to vector<16xi1>
    %masked_cumsum3A_329 = tpu.scan <sum>, %get3A_326 masked %broadcast_in_dim3A_328 : vector<16xi32>, vector<16xi1> -> vector<16xi32>
    %add3A_330 = arith.addi %broadcast_in_dim3A_322, %masked_cumsum3A_329 : vector<16xi32>
    %le3A_331 = arith.cmpi sle, %add3A_330, %sub3A_297 : vector<16xi32>
    %select_n3A_332 = arith.select %le3A_331, %broadcast_in_dim3A_236, %broadcast_in_dim3A_238 : vector<16xi1>, vector<16xi32>
    %reduce_sum3A_333 = arith.constant true
    %reduce_sum3A_334 = vector.broadcast %reduce_sum3A_333 : i1 to vector<16xi1>
    %reduce_sum3A_335 = tpu.scan <sum>, %select_n3A_332 masked %reduce_sum3A_334 : vector<16xi32>, vector<16xi1> -> vector<16xi32>
    %reduce_sum3A_336 = vector.extract %reduce_sum3A_335[15] : i32 from vector<16xi32>
    %select_n3A_337 = arith.select %le3A_331, %add3A_330, %broadcast_in_dim3A_238 : vector<16xi1>, vector<16xi32>
    %reduce_max3A_338 = arith.constant true
    %reduce_max3A_339 = vector.broadcast %reduce_max3A_338 : i1 to vector<16xi1>
    %reduce_max3A_340 = arith.constant -2147483648 : i32
    %reduce_max3A_341 = vector.broadcast %reduce_max3A_340 : i32 to vector<16xi32>
    %reduce_max3A_342 = arith.xori %select_n3A_337, %reduce_max3A_341 : vector<16xi32>
    %reduce_max3A_343 = tpu.scan <max>, %reduce_max3A_342 masked %reduce_max3A_339 : vector<16xi32>, vector<16xi1> -> vector<16xi32>
    %reduce_max3A_344 = arith.xori %reduce_max3A_343, %reduce_max3A_341 : vector<16xi32>
    %reduce_max3A_345 = vector.extract %reduce_max3A_344[15] : i32 from vector<16xi32>
    %broadcast_in_dim3A_346 = vector.broadcast %reduce_max3A_345 : i32 to vector<16xi32>
    %max3A_347 = arith.maxsi %broadcast_in_dim3A_322, %broadcast_in_dim3A_346 : vector<16xi32>
    %parallel_loop3A_348 = arith.constant 0 : i32
    %parallel_loop3A_349 = arith.constant 128 : i32
    %parallel_loop3A_350 = arith.constant 1 : i32
    scf.for %parallel_loop3A_440 = %parallel_loop3A_348 to %parallel_loop3A_349 step %parallel_loop3A_350  : i32 {
      %parallel_loop3A_441 = arith.constant 16 : i32
      %parallel_loop3A_442 = arith.muli %parallel_loop3A_440, %parallel_loop3A_441 : i32
      %parallel_loop3A_443 = arith.index_cast %parallel_loop3A_442 : i32 to index
      %parallel_loop3A_444 = tpu.vector_load %arg7[%parallel_loop3A_443] {strides = array<i32>} : memref<2048xi32, #tpu.memory_space<vmem>>, vector<16xi32>,
      tpu.vector_store %arg7[%parallel_loop3A_443], %broadcast_in_dim3A_238 {strides = array<i32>} : memref<2048xi32, #tpu.memory_space<vmem>>, vector<16xi32>,
    } {sc.loop_unroll_factor = 8 : i64, sc.parallel_access}
    %mul3A_351 = arith.constant 16 : i32
    %mul3A_352 = arith.muli %reduce_sum3A_313, %mul3A_351 : i32
    %add3A_353 = arith.addi %mul3A_352, %reduce_sum3A_336 : i32
    %broadcast_in_dim3A_354 = vector.broadcast %add3A_353 : i32 to vector<16xi32>
    %sub3A_355 = arith.subi %sub3A_297, %max3A_347 : vector<16xi32>
    %shift_left3A_356 = arith.constant 11 : i32
    %shift_left3A_357 = vector.broadcast %shift_left3A_356 : i32 to vector<16xi32>
    %shift_left3A_358 = arith.shli %broadcast_in_dim3A_296, %shift_left3A_357 : vector<16xi32>
    %or3A_359 = arith.ori %shift_left3A_358, %broadcast_in_dim3A_354 : vector<16xi32>
    %parallel_loop3A_360 = arith.constant 0 : i32
    %parallel_loop3A_361 = arith.constant 2048 : i32
    %parallel_loop3A_362 = arith.constant 1 : i32
    scf.for %parallel_loop3A_440 = %parallel_loop3A_360 to %parallel_loop3A_361 step %parallel_loop3A_362  : i32 {
      %parallel_loop3A_441 = arith.constant 16 : i32
      %parallel_loop3A_442 = arith.muli %parallel_loop3A_440, %parallel_loop3A_441 : i32
      %parallel_loop3A_443 = arith.index_cast %parallel_loop3A_442 : i32 to index
      %parallel_loop3A_444 = tpu.vector_load %arg6[%parallel_loop3A_443] {strides = array<i32>} : memref<32768xf32, #tpu.memory_space<vmem>>, vector<16xf32>,
      %parallel_loop3A_445 = vector.bitcast %parallel_loop3A_444 : vector<16xf32> to vector<16xi32>
      %parallel_loop3A_446 = arith.constant 10 : i32
      %parallel_loop3A_447 = vector.broadcast %parallel_loop3A_446 : i32 to vector<16xi32>
      %parallel_loop3A_448 = arith.shrui %parallel_loop3A_445, %parallel_loop3A_447 : vector<16xi32>
      %parallel_loop3A_449 = arith.cmpi eq, %parallel_loop3A_448, %or3A_359 : vector<16xi32>
      %parallel_loop3A_450 = arith.constant 1023 : i32
      %parallel_loop3A_451 = vector.broadcast %parallel_loop3A_450 : i32 to vector<16xi32>
      %parallel_loop3A_452 = arith.andi %parallel_loop3A_445, %parallel_loop3A_451 : vector<16xi32>
      tpu.vector_store_idx %arg7[%parallel_loop3A_452], %broadcast_in_dim3A_236 masked %parallel_loop3A_449 {add = true} : memref<2048xi32, #tpu.memory_space<vmem>>[vector<16xi32>], vector<16xi32>, vector<16xi1>
    } {sc.loop_unroll_factor = 8 : i64, sc.parallel_access}
    %parallel_loop3A_363 = arith.constant 0 : i32
    %parallel_loop3A_364 = arith.constant 64 : i32
    %parallel_loop3A_365 = arith.constant 1 : i32
    scf.for %parallel_loop3A_440 = %parallel_loop3A_363 to %parallel_loop3A_364 step %parallel_loop3A_365  : i32 {
      %parallel_loop3A_441 = arith.constant 16 : i32
      %parallel_loop3A_442 = arith.muli %parallel_loop3A_440, %parallel_loop3A_441 : i32
      %parallel_loop3A_443 = arith.index_cast %parallel_loop3A_442 : i32 to index
      %parallel_loop3A_444 = tpu.vector_load %arg7[%parallel_loop3A_443] {strides = array<i32>} : memref<2048xi32, #tpu.memory_space<vmem>>, vector<16xi32>,
      %parallel_loop3A_445 = arith.constant true
      %parallel_loop3A_446 = vector.broadcast %parallel_loop3A_445 : i1 to vector<16xi1>
      %parallel_loop3A_447 = tpu.scan <sum>, %parallel_loop3A_444 masked %parallel_loop3A_446 : vector<16xi32>, vector<16xi1> -> vector<16xi32>
      %parallel_loop3A_448 = vector.extract %parallel_loop3A_447[15] : i32 from vector<16xi32>
      %parallel_loop3A_449 = vector.broadcast %parallel_loop3A_448 : i32 to vector<16xi32>
      %parallel_loop3A_450 = vector.broadcast %parallel_loop3A_440 : i32 to vector<16xi32>
      %parallel_loop3A_451 = arith.constant 0 : i32
      %parallel_loop3A_452 = vector.broadcast %parallel_loop3A_451 : i32 to vector<16xi32>
      %parallel_loop3A_453 = arith.cmpi eq, %iota3A_239, %parallel_loop3A_452 : vector<16xi32>
      tpu.vector_store_idx %arg8[%parallel_loop3A_450], %parallel_loop3A_449 masked %parallel_loop3A_453 : memref<128xi32, #tpu.memory_space<vmem>>[vector<16xi32>], vector<16xi32>, vector<16xi1>
    } {sc.loop_unroll_factor = 8 : i64, sc.parallel_access}
    %scan3A_366 = arith.constant 0 : i32
    %scan3A_367 = arith.constant 4 : i32
    %scan3A_368 = arith.addi %scan3A_366, %scan3A_367 : i32
    %scan3A_369 = arith.constant 1 : i32
    %scan3A_370:3 = scf.for %scan3A_440 = %scan3A_366 to %scan3A_368 step %scan3A_369 iter_args(%scan3A_441 = %broadcast_in_dim3A_238, %scan3A_442 = %broadcast_in_dim3A_238, %scan3A_443 = %broadcast_in_dim3A_238) -> (vector<16xi32>, vector<16xi32>, vector<16xi32>)  : i32 {
      %mul3A_444 = arith.constant 16 : i32
      %mul3A_445 = arith.muli %scan3A_440, %mul3A_444 : i32
      %get3A_446 = arith.index_cast %mul3A_445 : i32 to index
      %get3A_447 = tpu.vector_load %arg8[%get3A_446] {strides = array<i32>} : memref<128xi32, #tpu.memory_space<vmem>>, vector<16xi32>,
      %broadcast_in_dim3A_448 = arith.constant true
      %broadcast_in_dim3A_449 = vector.broadcast %broadcast_in_dim3A_448 : i1 to vector<16xi1>
      %masked_cumsum3A_450 = tpu.scan <sum>, %get3A_447 masked %broadcast_in_dim3A_449 : vector<16xi32>, vector<16xi1> -> vector<16xi32>
      %add3A_451 = arith.addi %scan3A_443, %masked_cumsum3A_450 : vector<16xi32>
      %le3A_452 = arith.cmpi sle, %add3A_451, %sub3A_355 : vector<16xi32>
      %select_n3A_453 = arith.select %le3A_452, %broadcast_in_dim3A_236, %broadcast_in_dim3A_238 : vector<16xi1>, vector<16xi32>
      %add3A_454 = arith.addi %scan3A_441, %select_n3A_453 : vector<16xi32>
      %select_n3A_455 = arith.select %le3A_452, %add3A_451, %broadcast_in_dim3A_238 : vector<16xi1>, vector<16xi32>
      %max3A_456 = arith.maxsi %scan3A_442, %select_n3A_455 : vector<16xi32>
      %reduce_max3A_457 = arith.constant true
      %reduce_max3A_458 = vector.broadcast %reduce_max3A_457 : i1 to vector<16xi1>
      %reduce_max3A_459 = arith.constant -2147483648 : i32
      %reduce_max3A_460 = vector.broadcast %reduce_max3A_459 : i32 to vector<16xi32>
      %reduce_max3A_461 = arith.xori %add3A_451, %reduce_max3A_460 : vector<16xi32>
      %reduce_max3A_462 = tpu.scan <max>, %reduce_max3A_461 masked %reduce_max3A_458 : vector<16xi32>, vector<16xi1> -> vector<16xi32>
      %reduce_max3A_463 = arith.xori %reduce_max3A_462, %reduce_max3A_460 : vector<16xi32>
      %reduce_max3A_464 = vector.extract %reduce_max3A_463[15] : i32 from vector<16xi32>
      %broadcast_in_dim3A_465 = vector.broadcast %reduce_max3A_464 : i32 to vector<16xi32>
      scf.yield %add3A_454, %max3A_456, %broadcast_in_dim3A_465 : vector<16xi32>, vector<16xi32>, vector<16xi32>
    }
    %scan3A_371 = arith.constant 4 : i32
    %reduce_sum3A_372 = arith.constant true
    %reduce_sum3A_373 = vector.broadcast %reduce_sum3A_372 : i1 to vector<16xi1>
    %reduce_sum3A_374 = tpu.scan <sum>, %scan3A_370#0 masked %reduce_sum3A_373 : vector<16xi32>, vector<16xi1> -> vector<16xi32>
    %reduce_sum3A_375 = vector.extract %reduce_sum3A_374[15] : i32 from vector<16xi32>
    %reduce_max3A_376 = arith.constant true
    %reduce_max3A_377 = vector.broadcast %reduce_max3A_376 : i1 to vector<16xi1>
    %reduce_max3A_378 = arith.constant -2147483648 : i32
    %reduce_max3A_379 = vector.broadcast %reduce_max3A_378 : i32 to vector<16xi32>
    %reduce_max3A_380 = arith.xori %scan3A_370#1, %reduce_max3A_379 : vector<16xi32>
    %reduce_max3A_381 = tpu.scan <max>, %reduce_max3A_380 masked %reduce_max3A_377 : vector<16xi32>, vector<16xi1> -> vector<16xi32>
    %reduce_max3A_382 = arith.xori %reduce_max3A_381, %reduce_max3A_379 : vector<16xi32>
    %reduce_max3A_383 = vector.extract %reduce_max3A_382[15] : i32 from vector<16xi32>
    %broadcast_in_dim3A_384 = vector.broadcast %reduce_max3A_383 : i32 to vector<16xi32>
    %mul3A_385 = arith.constant 16 : i32
    %mul3A_386 = arith.muli %reduce_sum3A_375, %mul3A_385 : i32
    %get3A_387 = arith.index_cast %mul3A_386 : i32 to index
    %get3A_388 = tpu.vector_load %arg7[%get3A_387] {strides = array<i32>} : memref<2048xi32, #tpu.memory_space<vmem>>, vector<16xi32>,
    %broadcast_in_dim3A_389 = arith.constant true
    %broadcast_in_dim3A_390 = vector.broadcast %broadcast_in_dim3A_389 : i1 to vector<16xi1>
    %masked_cumsum3A_391 = tpu.scan <sum>, %get3A_388 masked %broadcast_in_dim3A_390 : vector<16xi32>, vector<16xi1> -> vector<16xi32>
    %add3A_392 = arith.addi %broadcast_in_dim3A_384, %masked_cumsum3A_391 : vector<16xi32>
    %le3A_393 = arith.cmpi sle, %add3A_392, %sub3A_355 : vector<16xi32>
    %select_n3A_394 = arith.select %le3A_393, %broadcast_in_dim3A_236, %broadcast_in_dim3A_238 : vector<16xi1>, vector<16xi32>
    %reduce_sum3A_395 = arith.constant true
    %reduce_sum3A_396 = vector.broadcast %reduce_sum3A_395 : i1 to vector<16xi1>
    %reduce_sum3A_397 = tpu.scan <sum>, %select_n3A_394 masked %reduce_sum3A_396 : vector<16xi32>, vector<16xi1> -> vector<16xi32>
    %reduce_sum3A_398 = vector.extract %reduce_sum3A_397[15] : i32 from vector<16xi32>
    %select_n3A_399 = arith.select %le3A_393, %add3A_392, %broadcast_in_dim3A_238 : vector<16xi1>, vector<16xi32>
    %reduce_max3A_400 = arith.constant true
    %reduce_max3A_401 = vector.broadcast %reduce_max3A_400 : i1 to vector<16xi1>
    %reduce_max3A_402 = arith.constant -2147483648 : i32
    %reduce_max3A_403 = vector.broadcast %reduce_max3A_402 : i32 to vector<16xi32>
    %reduce_max3A_404 = arith.xori %select_n3A_399, %reduce_max3A_403 : vector<16xi32>
    %reduce_max3A_405 = tpu.scan <max>, %reduce_max3A_404 masked %reduce_max3A_401 : vector<16xi32>, vector<16xi1> -> vector<16xi32>
    %reduce_max3A_406 = arith.xori %reduce_max3A_405, %reduce_max3A_403 : vector<16xi32>
    %reduce_max3A_407 = vector.extract %reduce_max3A_406[15] : i32 from vector<16xi32>
    %broadcast_in_dim3A_408 = vector.broadcast %reduce_max3A_407 : i32 to vector<16xi32>
    %max3A_409 = arith.maxsi %broadcast_in_dim3A_384, %broadcast_in_dim3A_408 : vector<16xi32>
    %parallel_loop3A_410 = arith.constant 0 : i32
    %parallel_loop3A_411 = arith.constant 64 : i32
    %parallel_loop3A_412 = arith.constant 1 : i32
    scf.for %parallel_loop3A_440 = %parallel_loop3A_410 to %parallel_loop3A_411 step %parallel_loop3A_412  : i32 {
      %parallel_loop3A_441 = arith.constant 16 : i32
      %parallel_loop3A_442 = arith.muli %parallel_loop3A_440, %parallel_loop3A_441 : i32
      %parallel_loop3A_443 = arith.index_cast %parallel_loop3A_442 : i32 to index
      %parallel_loop3A_444 = tpu.vector_load %arg7[%parallel_loop3A_443] {strides = array<i32>} : memref<2048xi32, #tpu.memory_space<vmem>>, vector<16xi32>,
      tpu.vector_store %arg7[%parallel_loop3A_443], %broadcast_in_dim3A_238 {strides = array<i32>} : memref<2048xi32, #tpu.memory_space<vmem>>, vector<16xi32>,
    } {sc.loop_unroll_factor = 8 : i64, sc.parallel_access}
    %mul3A_413 = arith.constant 16 : i32
    %mul3A_414 = arith.muli %reduce_sum3A_375, %mul3A_413 : i32
    %add3A_415 = arith.addi %mul3A_414, %reduce_sum3A_398 : i32
    %broadcast_in_dim3A_416 = vector.broadcast %add3A_415 : i32 to vector<16xi32>
    %shift_left3A_417 = arith.constant 21 : i32
    %shift_left3A_418 = vector.broadcast %shift_left3A_417 : i32 to vector<16xi32>
    %shift_left3A_419 = arith.shli %broadcast_in_dim3A_296, %shift_left3A_418 : vector<16xi32>
    %shift_left3A_420 = arith.constant 10 : i32
    %shift_left3A_421 = vector.broadcast %shift_left3A_420 : i32 to vector<16xi32>
    %shift_left3A_422 = arith.shli %broadcast_in_dim3A_354, %shift_left3A_421 : vector<16xi32>
    %or3A_423 = arith.ori %shift_left3A_419, %shift_left3A_422 : vector<16xi32>
    %or3A_424 = arith.ori %or3A_423, %broadcast_in_dim3A_416 : vector<16xi32>
    %lt3A_425 = arith.constant 0 : i32
    %lt3A_426 = vector.broadcast %lt3A_425 : i32 to vector<16xi32>
    %lt3A_427 = arith.cmpi slt, %or3A_424, %lt3A_426 : vector<16xi32>
    %xor3A_428 = arith.constant -2147483648 : i32
    %xor3A_429 = vector.broadcast %xor3A_428 : i32 to vector<16xi32>
    %xor3A_430 = arith.xori %or3A_424, %xor3A_429 : vector<16xi32>
    %not3A_431 = arith.constant dense<-1> : vector<16xi32>
    %not3A_432 = arith.xori %or3A_424, %not3A_431 : vector<16xi32>
    %select_n3A_433 = arith.select %lt3A_427, %xor3A_430, %not3A_432 : vector<16xi1>, vector<16xi32>
    %bitcast3A_434 = vector.bitcast %select_n3A_433 : vector<16xi32> to vector<16xf32>
    %select_n3A_435 = arith.select %ge3A_11, %broadcast_in_dim3A_18, %bitcast3A_434 : vector<16xi1>, vector<16xf32>
    %swap3A_436 = arith.constant 0 : index
    %swap3A_437 = tpu.vector_load %arg10[%swap3A_436] {strides = array<i32>} : memref<16xf32, #tpu.memory_space<vmem>>, vector<16xf32>,
    tpu.vector_store %arg10[%swap3A_436], %select_n3A_435 {strides = array<i32>} : memref<16xf32, #tpu.memory_space<vmem>>, vector<16xf32>,
    %add3A_438 = arith.constant 1 : i32
    %add3A_439 = arith.addi %mul3A_2, %add3A_438 : i32
    "tpu.region"() ({
      %run_scoped3A = tpu.sem_alloc : memref<!tpu.dma_semaphore, #tpu.memory_space<semaphore_mem>>
      %dma_start3A_440 = arith.constant 0 : i32
      %dma_start3A_441 = tpu.memref_slice %arg4[%add3A_439, %dma_start3A_440] : memref<64x16xf32, #tpu.memory_space<hbm>> -> memref<1x16xf32, #tpu.memory_space<hbm>>
      %dma_start3A_442 = tpu.memref_squeeze %dma_start3A_441 : memref<1x16xf32, #tpu.memory_space<hbm>> -> memref<16xf32, #tpu.memory_space<hbm>>
      %dma_start3A_443 = arith.constant 0 : i32
      %dma_start3A_444 = tpu.memref_slice %arg4[%add3A_439, %dma_start3A_443] : memref<64x16xf32, #tpu.memory_space<hbm>> -> memref<1x16xf32, #tpu.memory_space<hbm>>
      %dma_start3A_445 = tpu.memref_squeeze %dma_start3A_444 : memref<1x16xf32, #tpu.memory_space<hbm>> -> memref<16xf32, #tpu.memory_space<hbm>>
      tpu.enqueue_dma source(%arg10 : memref<16xf32, #tpu.memory_space<vmem>>) target(%dma_start3A_445 : memref<16xf32, #tpu.memory_space<hbm>>) target_semaphore(%run_scoped3A : memref<!tpu.dma_semaphore, #tpu.memory_space<semaphore_mem>>)
      %dma_wait3A_446 = arith.constant 0 : i32
      %dma_wait3A_447 = tpu.memref_slice %arg4[%add3A_439, %dma_wait3A_446] : memref<64x16xf32, #tpu.memory_space<hbm>> -> memref<1x16xf32, #tpu.memory_space<hbm>>
      %dma_wait3A_448 = tpu.memref_squeeze %dma_wait3A_447 : memref<1x16xf32, #tpu.memory_space<hbm>> -> memref<16xf32, #tpu.memory_space<hbm>>
      %dma_wait3A_449 = arith.constant 0 : i32
      %dma_wait3A_450 = tpu.memref_slice %arg4[%add3A_439, %dma_wait3A_449] : memref<64x16xf32, #tpu.memory_space<hbm>> -> memref<1x16xf32, #tpu.memory_space<hbm>>
      %dma_wait3A_451 = tpu.memref_squeeze %dma_wait3A_450 : memref<1x16xf32, #tpu.memory_space<hbm>> -> memref<16xf32, #tpu.memory_space<hbm>>
      tpu.wait_dma2 semaphore(%run_scoped3A : memref<!tpu.dma_semaphore, #tpu.memory_space<semaphore_mem>>) src(%arg10 : memref<16xf32, #tpu.memory_space<vmem>>) dst(%dma_wait3A_451 : memref<16xf32, #tpu.memory_space<hbm>>)
      tpu.yield
    }) : () -> ()
    return
  }
}

module attributes {stable_mosaic.version = 14 : i64} {
  func.func @_tc_body(%arg0: i32, %arg1: memref<32x32768xf32, #tpu.memory_space<vmem>>, %arg2: memref<32x16xf32, #tpu.memory_space<vmem>>, %arg3: memref<32x32768xf32, #tpu.memory_space<vmem>>) attributes {dimension_semantics = [#tpu.dimension_semantics<arbitrary>], iteration_bounds = array<i64: 2>, scalar_prefetch = 0 : i64, scratch_operands = 0 : i64, tpu.core_type = #tpu.core_type<tc>, window_params = [{transform_indices = @transform_0, window_bounds = array<i64: 32, 32768>}, {transform_indices = @transform_1, window_bounds = array<i64: 32, 16>}, {transform_indices = @transform_2, window_bounds = array<i64: 32, 32768>}]} {
    %get3A = arith.constant 0 : index
    %get3A_0 = arith.constant 0 : index
    %get3A_1 = vector.load %arg1[%get3A, %get3A_0] : memref<32x32768xf32, #tpu.memory_space<vmem>>, vector<32x32768xf32>
    %get3A_2 = arith.constant 0 : index
    %get3A_3 = arith.constant 0 : index
    %get3A_4 = vector.load %arg2[%get3A_2, %get3A_3] : memref<32x16xf32, #tpu.memory_space<vmem>>, vector<32x16xf32>
    %slice3A = vector.extract_strided_slice %get3A_4 {offsets = [0, 0], sizes = [32, 1], strides = [1, 1]} : vector<32x16xf32> to vector<32x1xf32>
    %reduce_max3A = arith.constant dense<0xFF800000> : vector<32xf32>
    %reduce_max3A_5 = vector.multi_reduction <maximumf>, %get3A_1, %reduce_max3A [1] : vector<32x32768xf32> to vector<32xf32>
    %broadcast_in_dim3A = vector.shape_cast %reduce_max3A_5 : vector<32xf32> to vector<32x1xf32>
    %sub3A = arith.subf %broadcast_in_dim3A, %slice3A : vector<32x1xf32>
    %add3A = vector.broadcast %sub3A : vector<32x1xf32> to vector<32x32768xf32>
    %add3A_6 = arith.addf %get3A_1, %add3A : vector<32x32768xf32>
    %sub3A_7 = vector.broadcast %broadcast_in_dim3A : vector<32x1xf32> to vector<32x32768xf32>
    %sub3A_8 = arith.subf %add3A_6, %sub3A_7 : vector<32x32768xf32>
    %max3A = arith.constant 0.000000e+00 : f32
    %max3A_9 = vector.broadcast %max3A : f32 to vector<32x32768xf32>
    %max3A_10 = arith.maximumf %sub3A_8, %max3A_9 : vector<32x32768xf32>
    %exp3A = math.exp %get3A_1 : vector<32x32768xf32>
    %mul3A = arith.mulf %max3A_10, %exp3A : vector<32x32768xf32>
    %reduce_sum3A = arith.constant dense<0.000000e+00> : vector<32xf32>
    %reduce_sum3A_11 = vector.multi_reduction <add>, %mul3A, %reduce_sum3A [1] : vector<32x32768xf32> to vector<32xf32>
    %broadcast_in_dim3A_12 = vector.shape_cast %reduce_sum3A_11 : vector<32xf32> to vector<32x1xf32>
    %div3A = vector.broadcast %broadcast_in_dim3A_12 : vector<32x1xf32> to vector<32x32768xf32>
    %div3A_13 = arith.divf %mul3A, %div3A : vector<32x32768xf32>
    %swap3A = arith.constant 0 : index
    %swap3A_14 = arith.constant 0 : index
    %swap3A_15 = vector.load %arg3[%swap3A, %swap3A_14] : memref<32x32768xf32, #tpu.memory_space<vmem>>, vector<32x32768xf32>
    tpu.vector_store %arg3[%swap3A, %swap3A_14], %div3A_13 {strides = array<i32>} : memref<32x32768xf32, #tpu.memory_space<vmem>>, vector<32x32768xf32>,
    return
  }
  func.func @transform_0(%arg0: i32) -> (i32, i32) {
    %c0_i32 = arith.constant 0 : i32
    %c0_i32_0 = arith.constant 0 : i32
    return %arg0, %c0_i32 : i32, i32
  }
  func.func @transform_1(%arg0: i32) -> (i32, i32) {
    %c0_i32 = arith.constant 0 : i32
    %c0_i32_0 = arith.constant 0 : i32
    return %arg0, %c0_i32 : i32, i32
  }
  func.func @transform_2(%arg0: i32) -> (i32, i32) {
    %c0_i32 = arith.constant 0 : i32
    %c0_i32_0 = arith.constant 0 : i32
    return %arg0, %c0_i32 : i32, i32
  }
}

</mosaic_0001>

<sc_bundles>
// kernel: kernel.4.cloned.1.call-start
scs
__scs_entry_jumppad:
0x0: {  	(pc) =	sbr.rel $0x88, $3  }
0x1: {  	(tag) =	ssettag $0x0;
	lr =	simm.s32 $0x1  }
0x2: {  	[smem:$0x3F9F] =	sst lr;
	_ =	strace $0xD0000000  }
0x3: {  	_ = 	snop  }
0x4: {  	_ = 	snop  }
0x5: {  	_ = 	snop  }
0x6: {  	_ = 	snop  }
0x7: {  	_ = 	snop  }
__scs_overlays_trampoline_lowered:
0x8: {  	[smem:$0x3FAE] =	sst s0  }
0x9: {  	[smem:$0x3FAF] =	sst s1  }
0xa: {  	[smem:$0x3FB0] =	sst s2  }
0xb: {  	[smem:$0x3FB1] =	sst s3  }
0xc: {  	[smem:$0x3FB2] =	sst s4  }
0xd: {  	[smem:$0x3FB3] =	sst s5  }
0xe: {  	[smem:$0x3FB4] =	sst s6  }
0xf: {  	[smem:$0x3FB5] =	sst s7  }
0x10: {  	[smem:$0x3FB6] =	sst s8  }
0x11: {  	[smem:$0x3FB7] =	sst s9;
	s0 =	simm.s32 @!p0 $0x0  }
0x12: {  	s1 =	sld [smem:$0x3F9D];
	s0 =	simm.s32 @p0 $0x1  }
0x13: {  	[smem:$0x3FB8] =	sst s0;
	s0 =	simm.s32 @!p1 $0x0  }
0x14: {  	s2 =	sld [smem:$0x3F9C];
	s0 =	simm.s32 @p1 $0x1  }
0x15: {  	[smem:$0x3FB9] =	sst s0;
	s0 =	simm.s32 @!p2 $0x0  }
0x16: {  	s3 =	sld [smem:$0x3FDB];
	s0 =	simm.s32 @p2 $0x1  }
0x17: {  	s4 =	simm.s32 $0x1BF5;
	[smem:$0x3FBB] =	sst s0  }
0x18: {  	s0 =	sld [smem:$0x3F9E];
	_ =	swait.ge [sflag:s4], $0x0  }
0x19: {  	s7 =	sld [smem:$0x3F9F]  }
0x1a: {  	s8 =	sadd.s32 $0xFFFFE003, lr  }
0x1b: {  	s9 =	sadd.s32 $0xFFFFFEF7, lr;
	s5 =	simm.s32 $0xFFFFFFFF;
	p2 =	slt.u32 s8, $0xFFFFF086  }
0x1c: {  	p1 =	slt.u32 s9, $0xF7A;
	s5 =	simm.s32 @!p2 $0x0  }
0x1d: {  	s5 =	simm.s32 @p1 $0x1;
	p0 =	seq.s32 s7, s2  }
0x1e: {  	s7 =	smul.u32 @!p0 $0xF7A, s2;
	p2 =	seq.s32 @!p0 s5, $0x0  }
0x1f: {  	s9 =	smul.u32 $0xF7A, s1;
	s8 =	simm.s32 @!p0 $0x1BF5;
	p2 =	por !p2, p0  }
0x20: {  	[sflag:s8] =	ssyncset.s32 @!p0 $0xFFFFF086;
	s6 =	sadd.s32 @!p0 s3, s7;
	s7 =	simm.s32 @!p0 $0x108  }
0x21: {  	s3 =	sadd.s32 s3, s9;
	s6 =	sadd.s32 @!p0 $0x88, s6;
	s7 =	simm.s32 @p2 $0x1082  }
0x22: {  	[simem:s7], [sflag:s8] =	dma.local @!p0 [hbm:s6], $0xF7A  }
0x23: {  	s9 =	sor.u32 $0xD0000000, s2;
	s6 =	simm.s32 $0x108;
	_ =	swait.ge @!p0 [sflag:s8], $0x0  }
0x24: {  	s3 =	sadd.s32 $0x88, s3;
	s6 =	simm.s32 @!p1 $0x1082;
	[sflag:s4] =	ssyncset.s32 $0xFFFFF086  }
0x25: {  	[simem:s6], [sflag:s4] =	dma.local [hbm:s3], $0xF7A  }
0x26: {  	[smem:$0x3F9F] =	sst s1;
	(tag) =	ssettag s2;
	_ =	strace s9  }
0x27: {  	s1 =	sld [smem:$0x3FAF]  }
0x28: {  	s2 =	sld [smem:$0x3FB0]  }
0x29: {  	s4 =	sld [smem:$0x3FB2]  }
0x2a: {  	p0 =	seq.s32 s5, $0x0;
	s5 =	sld [smem:$0x3FB3]  }
0x2b: {  	s6 =	sld [smem:$0x3FB4]  }
0x2c: {  	s7 =	sld [smem:$0x3FB5]  }
0x2d: {  	s3 =	simm.s32 $0x108;
	s8 =	sld [smem:$0x3FB6]  }
0x2e: {  	s3 =	simm.s32 @!p0 $0x1082;
	s9 =	sld [smem:$0x3FB7]  }
0x2f: {  	lr =	sadd.s32 s0, s3;
	s0 =	sld [smem:$0x3FAE]  }
0x30: {  	s3 =	sld [smem:$0x3FB1]  }
0x31: {  	[smem:$0x3FBA] =	sst s10  }
0x32: {  	s10 =	sld [smem:$0x3FB8];
	_ =	sdelay $0x3  }
0x33: {  	p0 =	seq.s32 s10, $0x1;
	s10 =	sld [smem:$0x3FBA];
	_ =	sdelay $0x3  }
0x34: {  	[smem:$0x3FBA] =	sst s10  }
0x35: {  	s10 =	sld [smem:$0x3FB9];
	_ =	sdelay $0x3  }
0x36: {  	p1 =	seq.s32 s10, $0x1;
	s10 =	sld [smem:$0x3FBA];
	_ =	sdelay $0x3  }
0x37: {  	[smem:$0x3FBA] =	sst s10  }
0x38: {  	s10 =	sld [smem:$0x3FBB]  }
0x39: {  	_ = 	snop;
	(pc) =	sbr.ind lr, $3  }
0x3a: {  	_ = 	snop  }
0x3b: {  	_ = 	snop  }
0x3c: {  	p2 =	seq.s32 s10, $0x1;
	s10 =	sld [smem:$0x3FBA]  }
0x3d: {  	_ =	shalt  }
0x3e: {  	_ =	shalt  }
0x3f: {  	_ =	shalt  }
0x40: {  	_ =	shalt  }
0x41: {  	_ =	shalt  }
0x42: {  	_ =	shalt  }
0x43: {  	_ =	shalt  }
0x44: {  	_ =	shalt  }
0x45: {  	_ =	shalt  }
0x46: {  	_ =	shalt  }
0x47: {  	_ =	shalt  }
0x48: {  	_ =	shalt  }
0x49: {  	_ =	shalt  }
0x4a: {  	_ =	shalt  }
0x4b: {  	_ =	shalt  }
0x4c: {  	_ =	shalt  }
0x4d: {  	_ =	shalt  }
0x4e: {  	_ =	shalt  }
0x4f: {  	_ =	shalt  }
0x50: {  	_ =	shalt  }
0x51: {  	_ =	shalt  }
0x52: {  	_ =	shalt  }
0x53: {  	_ =	shalt  }
0x54: {  	_ =	shalt  }
0x55: {  	_ =	shalt  }
0x56: {  	_ =	shalt  }
0x57: {  	_ =	shalt  }
0x58: {  	_ =	shalt  }
0x59: {  	_ =	shalt  }
0x5a: {  	_ =	shalt  }
0x5b: {  	_ =	shalt  }
0x5c: {  	_ =	shalt  }
0x5d: {  	_ =	shalt  }
0x5e: {  	_ =	shalt  }
0x5f: {  	_ =	shalt  }
0x60: {  	_ =	shalt  }
0x61: {  	_ =	shalt  }
0x62: {  	_ =	shalt  }
0x63: {  	_ =	shalt  }
0x64: {  	_ =	shalt  }
0x65: {  	_ =	shalt  }
0x66: {  	_ =	shalt  }
0x67: {  	_ =	shalt  }
0x68: {  	_ =	shalt  }
0x69: {  	_ =	shalt  }
0x6a: {  	_ =	shalt  }
0x6b: {  	_ =	shalt  }
0x6c: {  	_ =	shalt  }
0x6d: {  	_ =	shalt  }
0x6e: {  	_ =	shalt  }
0x6f: {  	_ =	shalt  }
0x70: {  	_ =	shalt  }
0x71: {  	_ =	shalt  }
0x72: {  	_ =	shalt  }
0x73: {  	_ =	shalt  }
0x74: {  	_ =	shalt  }
0x75: {  	_ =	shalt  }
0x76: {  	_ =	shalt  }
0x77: {  	_ =	shalt  }
0x78: {  	_ =	shalt  }
0x79: {  	_ =	shalt  }
0x7a: {  	_ =	shalt  }
0x7b: {  	_ =	shalt  }
0x7c: {  	_ =	shalt  }
0x7d: {  	_ =	shalt  }
0x7e: {  	_ =	shalt  }
0x7f: {  	_ =	shalt  }
0x80: {  	_ =	shalt  }
0x81: {  	_ =	shalt  }
0x82: {  	_ =	shalt  }
0x83: {  	_ =	shalt  }
0x84: {  	_ =	shalt  }
0x85: {  	_ =	shalt  }
0x86: {  	_ =	shalt  }
0x87: {  	_ =	shalt  }
.Lfunc_end0:
.L_simem_size_0:
called_computation_lowered:
.L_overlay_start_0:
0x88: {  	s2 =	sld [smem:$0x3FD9]  }
0x89: {  	s3 =	sld [smem:$0x3FFE];
	_ =	sdelay $0x1  }
0x8a: {  	s1 =	srdreg.scid  }
0x8b: {  	s0 =	sand.u32 $0x1, s1  }
0x8c: {  	s18 =	sshll.u32 s0, $0xA;
	s2 =	sadd.s32 s3, s2  }
0x8d: {  	s2 =	sadd.s32 s2, s18  }
0x8e: {  	[smem:$0x3FC6] =	sst s2  }
0x8f: {  	_ = 	snop  }
0x90: {  	s2 =	sld [smem:$0x3FC9]  }
0x91: {  	s19 =	sld [smem:$0x3FC8]  }
0x92: {  	s4 =	sld [smem:$0x3FD0];
	(tm) =	ssettm $0x1  }
0x93: {  	s5 =	sld [smem:$0x3FFB];
	_ =	sdelay $0x3  }
0x94: {  	_ =	strace s5  }
0x95: {  	s5 =	sld [smem:$0x3FFC];
	_ =	sdelay $0x3  }
0x96: {  	_ =	strace s5  }
0x97: {  	s5 =	sld [smem:$0x3FFD];
	_ =	sdelay $0x3  }
0x98: {  	_ =	strace s5  }
0x99: {  	_ =	strace $0x8FFFFFFF  }
0x9a: {  	s20 =	sld [smem:$0x3FDB];
	_ =	sdelay $0x1  }
0x9b: {  	s6 =	simm.s32 $_scs_section_size  }
0x9c: {  	s7 =	simm.s32 $_size__tile_overlayer_lowered;
	s8 =	simm.s32 $_tile_overlayer_lowered  }
0x9d: {  	s23 =	simm.s32 $0x1BFF;
	s22 =	sshll.u32 s8, $0x1;
	s5 =	sadd.s32 s6, s20  }
0x9e: {  	s9 =	simm.s32 $0x0;
	s21 =	sshll.u32 s7, $0x1;
	s7 =	sadd.s32 s22, s5  }
0x9f: {  	[timem:s9], [sflag:s23] =	dma.local [hbm:s7], s21  }
0xa0: {  	_ =	swait.ge [sflag:s23], s21  }
0xa1: {  	s6 =	ssub.s32 $0x0, s21;
	[sflag:s23] =	ssyncset.done $0x0  }
0xa2: {  	[sflag:s23] =	ssyncadd.s32 s6;
	_ =	sdelay $0x1  }
0xa3: {  	s24 =	simm.s32 $0x1B8B  }
0xa4: {  	_ =	swait.ge [sflag:s24], $0x1  }
0xa5: {  	[sflag:s24] =	ssyncset.done $0x0  }
0xa6: {  	s25 =	simm.s32 $0x1B8E;
	[sflag:s24] =	ssyncadd.s32 $0xFFFFFFFF  }
0xa7: {  	s26 =	simm.s32 $execute0_lowered;
	[smem:$0x3FD2] =	sst s25  }
0xa8: {  	s6 =	sshll.u32 s26, $0x1;
	_ =	strace $0x80000046;
	[dreg:$0x1] =	wrdreg $0xFFFFFFFF  }
0xa9: {  	s28 =	simm.s32 $_size_execute0_lowered;
	s5 =	sadd.s32 s5, s6;
	[dreg:$0x0] =	wrdreg $0x0  }
0xaa: {  	s6 =	sshll.u32 s28, $0x1;
	[dreg:$0x2] =	wrdreg s5  }
0xab: {  	[dreg:$0x3] =	wrdreg s6  }
0xac: {  	[dreg:$0x4] =	wrdreg $0xC0  }
0xad: {  	_ =	task [dreg:s9], $0x5FFFF  }
0xae: {  	[dreg:$0x1] =	wrdreg $0xFFFFFFFF  }
0xaf: {  	[dreg:$0x0] =	wrdreg $0x60  }
0xb0: {  	[dreg:$0x2] =	wrdreg s2  }
0xb1: {  	[dreg:$0x3] =	wrdreg s19  }
0xb2: {  	[dreg:$0x4] =	wrdreg s4  }
0xb3: {  	[dreg:$0x5] =	wrdreg $0x9  }
0xb4: {  	_ =	task.clear_ibuf [dreg:s9], $0x6FFFF;
	_ =	strace $0x90000046  }
0xb5: {  	s29 =	simm.s32 $0x9;
	_ =	strace $0x80000048  }
0xb6: {  	_ =	swait.ge [sflag:s29], $0x1  }
0xb7: {  	[sflag:s29] =	ssyncadd.s32 $0xFFFFFFFF  }
0xb8: {  	_ =	strace $0x90000048  }
0xb9: {  	_ =	sfence  }
0xba: {  	s30 =	sld [smem:$0x0];
	_ =	sdelay $0x2  }
0xbb: {  	s31 =	sshll.u32 s1, $0xD;
	s1 =	sshrl.u32 s1, $0x2  }
0xbc: {  	s3 =	sand.u32 $0x4000, s31;
	s1 =	sadd.s32 s1, s30  }
0xbd: {  	s0 =	sor.u32 s3, s0;
	s1 =	sshll.u32 s1, $0x11  }
0xbe: {  	s0 =	sor.u32 s1, s0  }
0xbf: {  	s0 =	sadd.s32 $0x8F2B, s0  }
0xc0: {  	[sflag:s0] =	ssyncadd.remote.s32 $0x1  }
0xc1: {  	_ =	sfence.sel $0xFFFF  }
0xc2: {  	[dreg:$0x0] =	wrdreg $0xFFFFFFFF;
	(pc) =	sbr.abs _section_cstart, $3  }
0xc3: {  	[dreg:$0x1] =	wrdreg $0xFFFFFFFF  }
0xc4: {  	_ =	task.clear_ibuf [dreg:s9], $0x2FFFF;
	_ =	strace $0x9FFFFFFF  }
0xc5: {  	(tm) =	ssettm $0x7FFFFFFF  }
tec
execute0_lowered:
.L_overlay_start_1:
0x0: {  	(tag) =	ssettag $0x1  }
0x1: {  	s5 =	rddreg [dreg:$0x0];
	s1 =	srdreg.scid  }
0x2: {  	s2 =	rddreg [dreg:$0x1];
	s0 =	stileid.u32  }
0x3: {  	s7 =	rddreg [dreg:$0x2];
	s12 =	simm.s32 $0x400;
	s13 =	simm.s32 $0x8000  }
0x4: {  	s14 =	simm.s32 $0x1;
	s15 =	simm.s32 $0x10000;
	s16 =	simm.s32 $0x10800  }
0x5: {  	s17 =	simm.s32 $0x10900;
	s18 =	simm.s32 $0x2;
	s19 =	simm.s32 $0x0  }
0x6: {  	s4 =	sand.u32 $0x1, s1;
	s6 =	sshll.u32 s0, $0x1;
	s1 =	rddreg [dreg:$0x3]  }
0x7: {  	s8 =	sshll.u32 s0, $0x8;
	s3 =	sshll.u32 s4, $0x5;
	s4 =	ssub.s32 $0x2, s4  }
0x8: {  	s8 =	sand.u32 $0x300, s8;
	s6 =	sor.u32 s6, s3;
	s3 =	simm.s32 $0x0  }
0x9: {  	s10 =	sshrl.u32 s4, $0x1;
	s31 =	sor.u32 $0x80, s8;
	s6 =	sshrl.u32 s6, $0x3  }
0xa: {  	[smem:$0x7FF] =	sst s3;
	s10 =	ssub.s32 s4, s10;
	s9 =	sshll.u32 s6, $0x12  }
0xb: {  	_ =	strace $0x80000047;
	s6 =	sshll.u32 s6, $0xA;
	s11 =	sor.u32 s8, s9  }
0xc: {  	s9 =	sor.u32 s31, s9;
	s8 =	sor.u32 s8, s6;
	s6 =	sor.u32 s31, s6  }
0xd: {  	s30 =	sshrl.u32 s11, $0x3;
	s9 =	sshrl.u32 s9, $0x3;
	s8 =	sshrl.u32 s8, $0x3  }
0xe: {  	s11 =	sshrl.u32 s6, $0x3;
	s4 =	sadd.s32 s5, s30;
	s5 =	sadd.s32 s5, s9  }
0xf: {  	s6 =	sadd.s32 s7, s8;
	s7 =	sadd.s32 s7, s11;
	s8 =	smax.u32 s10, $0x1  }
0x10: {  	v0 =	vimm.s32 $0x0;
	v1 =	vimm.s32 $0x1;
	v2 =	vimm.s32 $0x80000000;
	s9 =	simm.s32 $0x10880;
	s10 =	simm.s32 $0x3;
	s11 =	simm.s32 $0x80  }
.LBB2_1:
0x11: {  	[tilespmem:s9], [sflag:$0x3] =	stream.linear.gather [hbm4b:s2+s3], $0x80, $0x38;
	[tilespmem:$0x10980] =	vst v63  }
0x12: {  	_ =	swait.ge [sflag:s10], $0x80  }
0x13: {  	[sflag:s10] =	ssyncset.done $0x0  }
0x14: {  	[sflag:s10] =	ssyncadd.s32 $0xFFFFFF80  }
0x15: {  	v3 =	vld.msk [tilespmem:s9+$0x0], $0xffff;
	[tilespmem:s3], [sflag:$0x1] =	stream.strided.gather [hbm4b:s4+s11], $0x8000, s12, s11, $0x38  }
0x16: {  	s20 =	simm.s32 $0x10040  }
0x17: {  	[tilespmem:s13], [sflag:$0x2] =	stream.strided.gather [hbm4b:s5+s11], $0x8000, s12, s11, $0x38;
	[tilespmem:$0x10980] =	vst v63  }
0x18: {  	[tilespmem:s20+$0xFFFFFFC0] =	vst v0  }
0x19: {  	[tilespmem:s20+$0x30] =	vst v0  }
0x1a: {  	[tilespmem:s20+$0x20] =	vst v0  }
0x1b: {  	[tilespmem:s20+$0x10] =	vst v0  }
0x1c: {  	[tilespmem:s20+$0x0] =	vst v0  }
0x1d: {  	[tilespmem:s20+$0xFFFFFFF0] =	vst v0  }
0x1e: {  	s21 =	simm.s32 $0x0;
	[tilespmem:s20+$0xFFFFFFE0] =	vst v0  }
.LBB2_2:
0x1f: {  	s21 =	sadd.s32 $0x8, s21;
	[tilespmem:s20+$0xFFFFFFD0] =	vst v0;
	s20 =	sadd.s32 $0x80, s20  }
0x20: {  	[tilespmem:s20+$0xFFFFFFC0] =	vst v0;
	p0 =	slt.u32 s21, $0x78  }
0x21: {  	[tilespmem:s20+$0x30] =	vst v0  }
.Ltmp0:
0x22: {  	[tilespmem:s20+$0x20] =	vst v0;
	(pc) =	sbr.rel @p0 .LBB2_2-.Ltmp0, $4  }
0x23: {  	[tilespmem:s20+$0x10] =	vst v0  }
0x24: {  	[tilespmem:s20+$0x0] =	vst v0  }
0x25: {  	[tilespmem:s20+$0xFFFFFFF0] =	vst v0  }
0x26: {  	[tilespmem:s20+$0xFFFFFFE0] =	vst v0  }
0x27: {  	[tilespmem:s20+$0xFFFFFFD0] =	vst v0  }
0x28: {  	_ =	swait.ge [sflag:s14], $0x8000  }
0x29: {  	[sflag:s14] =	ssyncset.done $0x0  }
0x2a: {  	s20 =	simm.s32 $0x40;
	[sflag:s14] =	ssyncadd.s32 $0xFFFF8000  }
0x2b: {  	v4 =	vld [tilespmem:s20+$0xFFFFFFC0];
	_ =	sdelay $0x1  }
0x2c: {  	v5 =	vld [tilespmem:s20+$0x30];
	_ =	sdelay $0x1  }
0x2d: {  	v6 =	vld [tilespmem:s20+$0xFFFFFFF0]  }
0x2e: {  	v7 =	vld [tilespmem:s20+$0x20];
	v8 =	vshra.s32 v4, $0x1F  }
0x2f: {  	v9 =	vld [tilespmem:s20+$0xFFFFFFD0];
	v8 =	vor.u32 $0x80000000, v8  }
0x30: {  	v11 =	vld [tilespmem:s20+$0x0];
	v10 =	vshra.s32 v5, $0x1F;
	v4 =	vxor.u32 v4, v8  }
0x31: {  	v8 =	vor.u32 $0x80000000, v10;
	v10 =	vld [tilespmem:s20+$0x10];
	v12 =	vshrl.u32 v4, $0x15  }
0x32: {  	s21 =	simm.s32 $0xC0;
	v13 =	vld [tilespmem:s20+$0xFFFFFFE0];
	v8 =	vxor.u32 v5, v8;
	v5 =	vshra.s32 v6, $0x1F  }
0x33: {  	v15 =	vld [tilespmem:s21+$0x30];
	v14 =	vshrl.u32 v8, $0x15;
	v5 =	vor.u32 $0x80000000, v5  }
0x34: {  	v18 =	vld [tilespmem:s21+$0xFFFFFFC0];
	v16 =	vshra.s32 v7, $0x1F;
	v17 =	vxor.u32 v6, v5  }
0x35: {  	v19 =	vld [tilespmem:s21+$0x20];
	v5 =	vor.u32 $0x80000000, v16;
	v6 =	vshra.s32 v11, $0x1F;
	v16 =	vshrl.u32 v17, $0x15  }
0x36: {  	v7 =	vxor.u32 v7, v5;
	v5 =	vor.u32 $0x80000000, v6;
	[tilespmem:v12+s15+$0x0] =	vst.idx.add.s32.msk $0xffff, v1;
	v12 =	vshra.s32 v10, $0x1F  }
0x37: {  	v21 =	vld [tilespmem:s21+$0xFFFFFFF0];
	v20 =	vshrl.u32 v7, $0x15;
	v6 =	vxor.u32 v11, v5;
	[tilespmem:s20+$0xFFFFFFC0] =	vst v4;
	v4 =	vor.u32 $0x80000000, v12  }
0x38: {  	v11 =	vshrl.u32 v6, $0x15;
	[tilespmem:v14+s15+$0x0] =	vst.idx.add.s32.msk $0xffff, v1;
	v12 =	vxor.u32 v10, v4  }
0x39: {  	v5 =	vld [tilespmem:s21+$0xFFFFFFD0];
	v10 =	vshra.s32 v9, $0x1F;
	[tilespmem:s20+$0x30] =	vst v8;
	v14 =	vshrl.u32 v12, $0x15  }
0x3a: {  	v8 =	vshra.s32 v13, $0x1F;
	v10 =	vor.u32 $0x80000000, v10;
	[tilespmem:v16+s15+$0x0] =	vst.idx.add.s32.msk $0xffff, v1  }
0x3b: {  	v4 =	vld [tilespmem:s21+$0xFFFFFFE0];
	v8 =	vor.u32 $0x80000000, v8;
	v10 =	vxor.u32 v9, v10;
	[tilespmem:s20+$0xFFFFFFF0] =	vst v17  }
0x3c: {  	v9 =	vxor.u32 v13, v8;
	[tilespmem:v20+s15+$0x0] =	vst.idx.add.s32.msk $0xffff, v1;
	v16 =	vshrl.u32 v10, $0x15  }
0x3d: {  	v8 =	vshra.s32 v15, $0x1F;
	v63 =	vshrl.u32 v9, $0x15;
	[tilespmem:v11+s15+$0x0] =	vst.idx.add.s32.msk $0xffff, v1  }
0x3e: {  	v13 =	vshra.s32 v18, $0x1F;
	v17 =	vshra.s32 v21, $0x1F;
	v8 =	vor.u32 $0x80000000, v8;
	[tilespmem:v14+s15+$0x0] =	vst.idx.add.s32.msk $0xffff, v1  }
0x3f: {  	v13 =	vor.u32 $0x80000000, v13;
	[tilespmem:s20+$0x20] =	vst v7;
	v8 =	vxor.u32 v15, v8;
	v15 =	vshra.s32 v19, $0x1F;
	v14 =	vld [tilespmem:s21+$0x0]  }
0x40: {  	v11 =	vshrl.u32 v8, $0x15;
	v7 =	vor.u32 $0x80000000, v15;
	v15 =	vxor.u32 v18, v13;
	v13 =	vld [tilespmem:s21+$0x10];
	[tilespmem:s20+$0x10] =	vst v12  }
0x41: {  	v18 =	vor.u32 $0x80000000, v17;
	v17 =	vshrl.u32 v15, $0x15;
	v12 =	vshra.s32 v4, $0x1F;
	[tilespmem:v16+s15+$0x0] =	vst.idx.add.s32.msk $0xffff, v1  }
0x42: {  	s22 =	simm.s32 $0x8;
	s23 =	simm.s32 $0x140;
	v7 =	vxor.u32 v19, v7;
	v16 =	vor.u32 $0x80000000, v12;
	v12 =	vxor.u32 v21, v18;
	[tilespmem:v63+s15+$0x0] =	vst.idx.add.s32.msk $0xffff, v1  }
.LBB2_4:
0x43: {  	v18 =	vld [tilespmem:s23+$0x30];
	s22 =	sadd.s32 $0x8, s22;
	v19 =	vshrl.u32 v12, $0x15;
	[tilespmem:s20+$0x0] =	vst v6  }
0x44: {  	v20 =	vld [tilespmem:s23+$0xFFFFFFC0];
	p0 =	slt.u32 s22, $0x7F8;
	v6 =	vshra.s32 v14, $0x1F;
	[tilespmem:s20+$0xFFFFFFD0] =	vst v10  }
0x45: {  	v22 =	vshrl.u32 v7, $0x15;
	v21 =	vld [tilespmem:s23+$0x20];
	v6 =	vor.u32 $0x80000000, v6;
	[tilespmem:s20+$0xFFFFFFE0] =	vst v9;
	s20 =	smov.u32 s21;
	s21 =	smov.u32 s23  }
0x46: {  	v9 =	vshra.s32 v13, $0x1F;
	[tilespmem:v17+s15+$0x0] =	vst.idx.add.s32.msk $0xffff, v1;
	v6 =	vxor.u32 v14, v6  }
0x47: {  	v10 =	vshra.s32 v5, $0x1F;
	v17 =	vor.u32 $0x80000000, v9;
	v14 =	vld [tilespmem:s23+$0xFFFFFFD0];
	[tilespmem:s20+$0xFFFFFFC0] =	vst v15;
	v15 =	vshrl.u32 v6, $0x15  }
0x48: {  	v10 =	vor.u32 $0x80000000, v10;
	v9 =	vxor.u32 v4, v16;
	v16 =	vxor.u32 v13, v17;
	[tilespmem:v11+s15+$0x0] =	vst.idx.add.s32.msk $0xffff, v1  }
0x49: {  	v10 =	vxor.u32 v5, v10;
	v23 =	vshrl.u32 v9, $0x15;
	v13 =	vshrl.u32 v16, $0x15;
	v4 =	vld [tilespmem:s23+$0xFFFFFFE0];
	[tilespmem:s20+$0x30] =	vst v8  }
0x4a: {  	v24 =	vshrl.u32 v10, $0x15;
	[tilespmem:v19+s15+$0x0] =	vst.idx.add.s32.msk $0xffff, v1  }
0x4b: {  	v11 =	vshra.s32 v18, $0x1F;
	v19 =	vld [tilespmem:s23+$0xFFFFFFF0];
	[tilespmem:s20+$0xFFFFFFF0] =	vst v12  }
0x4c: {  	v8 =	vor.u32 $0x80000000, v11;
	[tilespmem:v22+s15+$0x0] =	vst.idx.add.s32.msk $0xffff, v1;
	v5 =	vmov v14  }
0x4d: {  	v8 =	vxor.u32 v18, v8;
	v12 =	vshra.s32 v20, $0x1F;
	[tilespmem:v15+s15+$0x0] =	vst.idx.add.s32.msk $0xffff, v1  }
.Ltmp1:
0x4e: {  	v11 =	vshrl.u32 v8, $0x15;
	v15 =	vshra.s32 v21, $0x1F;
	[tilespmem:v13+s15+$0x0] =	vst.idx.add.s32.msk $0xffff, v1;
	(pc) =	sbr.rel @p0 .LBB2_4-.Ltmp1, $4  }
0x4f: {  	v12 =	vor.u32 $0x80000000, v12;
	v17 =	vor.u32 $0x80000000, v15;
	v14 =	vld [tilespmem:s23+$0x0];
	[tilespmem:s20+$0x20] =	vst v7  }
0x50: {  	v15 =	vxor.u32 v20, v12;
	v7 =	vxor.u32 v21, v17;
	v12 =	vshra.s32 v19, $0x1F;
	v13 =	vld [tilespmem:s23+$0x10];
	[tilespmem:s20+$0x10] =	vst v16  }
0x51: {  	v17 =	vshrl.u32 v15, $0x15;
	v16 =	vshra.s32 v4, $0x1F;
	v12 =	vor.u32 $0x80000000, v12;
	[tilespmem:v24+s15+$0x0] =	vst.idx.add.s32.msk $0xffff, v1  }
0x52: {  	s23 =	sadd.s32 $0x80, s23;
	v16 =	vor.u32 $0x80000000, v16;
	v12 =	vxor.u32 v19, v12;
	[tilespmem:v23+s15+$0x0] =	vst.idx.add.s32.msk $0xffff, v1  }
0x53: {  	_ = 	snop  }
0x54: {  	[tilespmem:s20+$0x0] =	vst v6  }
0x55: {  	[tilespmem:s20+$0xFFFFFFD0] =	vst v10  }
0x56: {  	v6 =	vshrl.u32 v12, $0x15;
	[tilespmem:s20+$0xFFFFFFE0] =	vst v9  }
0x57: {  	[tilespmem:v17+s15+$0x0] =	vst.idx.add.s32.msk $0xffff, v1;
	v60 =	vshrl.u32 v7, $0x15  }
0x58: {  	[tilespmem:v11+s15+$0x0] =	vst.idx.add.s32.msk $0xffff, v1  }
0x59: {  	v4 =	vxor.u32 v4, v16;
	v57 =	vshra.s32 v14, $0x1F;
	[tilespmem:s21+$0xFFFFFFC0] =	vst v15  }
0x5a: {  	[tilespmem:s21+$0x30] =	vst v8;
	v63 =	vshrl.u32 v4, $0x15;
	v58 =	vor.u32 $0x80000000, v57;
	v59 =	vshra.s32 v13, $0x1F  }
0x5b: {  	v61 =	vshra.s32 v5, $0x1F;
	v9 =	vxor.u32 v14, v58;
	v10 =	vor.u32 $0x80000000, v59;
	[tilespmem:v6+s15+$0x0] =	vst.idx.add.s32.msk $0xffff, v1  }
0x5c: {  	v62 =	vor.u32 $0x80000000, v61;
	v14 =	vshrl.u32 v9, $0x15;
	v10 =	vxor.u32 v13, v10;
	[tilespmem:v60+s15+$0x0] =	vst.idx.add.s32.msk $0xffff, v1  }
0x5d: {  	v5 =	vxor.u32 v5, v62;
	v13 =	vshrl.u32 v10, $0x15;
	[tilespmem:s21+$0xFFFFFFF0] =	vst v12  }
0x5e: {  	v6 =	vshrl.u32 v5, $0x15;
	[tilespmem:s21+$0x20] =	vst v7  }
0x5f: {  	[tilespmem:v63+s15+$0x0] =	vst.idx.add.s32.msk $0xffff, v1  }
0x60: {  	[tilespmem:s21+$0xFFFFFFE0] =	vst v4  }
0x61: {  	[tilespmem:v14+s15+$0x0] =	vst.idx.add.s32.msk $0xffff, v1  }
0x62: {  	p1 =	por $0x1, $0x1;
	[tilespmem:v13+s15+$0x0] =	vst.idx.add.s32.msk $0xffff, v1  }
.Ltmp2:
0x63: {  	[tilespmem:v6+s15+$0x0] =	vst.idx.add.s32.msk $0xffff, v1;
	(pc) =	sbr.rel @!p1 .LBB2_6-.Ltmp2, $4  }
0x64: {  	[tilespmem:s21+$0x0] =	vst v9  }
0x65: {  	[tilespmem:s21+$0x10] =	vst v10  }
0x66: {  	s20 =	simm.s32 $0x10040;
	[tilespmem:s21+$0xFFFFFFD0] =	vst v5  }
0x67: {  	s22 =	simm.s32 $0x0;
	p0 =	por $0x0, $0x0;
	s21 =	simm.s32 $0x8;
	v5 =	vld [tilespmem:s20+$0x30]  }
0x68: {  	v4 =	vld [tilespmem:s20+$0xFFFFFFD0]  }
0x69: {  	v6 =	vld [tilespmem:s20+$0xFFFFFFE0]  }
0x6a: {  	v7 =	vld [tilespmem:s20+$0xFFFFFFF0]  }
0x6b: {  	v9 =	vld [tilespmem:s20+$0x0]  }
0x6c: {  	v11 =	vld [tilespmem:s20+$0x10];
	s23 =	simm.s32 $0x1;
	(xrf0) =	vadd.scan.msk.s32 $0xffff, v5  }
0x6d: {  	s24 =	simm.s32 $0x2;
	v8 =	vmov s23;
	v5 =	vld [tilespmem:s20+$0x20];
	(xrf0) =	vadd.scan.msk.s32 $0xffff, v4  }
0x6e: {  	s28 =	simm.s32 $0x4;
	v14 =	vld [tilespmem:s20+$0xFFFFFFC0];
	s30 =	simm.s32 $0x5;
	p1 =	por $0x1, $0x1;
	v10 =	vmov s24;
	v8 =	vand.u32 $0xFFFFFFF9, v8;
	(xrf0) =	vadd.scan.msk.s32 $0xffff, v6  }
.Ltmp3:
0x6f: {  	s26 =	simm.s32 $0x3;
	s29 =	simm.s32 $0x7;
	v12 =	vmov s28;
	v13 =	vmov s30;
	v8 =	vbroadcast v8, $0x0;
	(xrf0) =	vadd.scan.msk.s32 $0xffff, v7;
	(pc) =	sbr.rel @!p1 .LBB2_8-.Ltmp3, $4  }
0x70: {  	v6 =	vmov s26;
	v7 =	vand.u32 $0xFFFFFFFA, v10;
	v10 =	vmov s29;
	(xrf0) =	vadd.scan.msk.s32 $0xffff, v9  }
0x71: {  	v13 =	vand.u32 $0xFFFFFFFD, v13;
	v6 =	vand.u32 $0xFFFFFFFB, v6;
	v7 =	vbroadcast v7, $0x0;
	(xrf0) =	vadd.scan.msk.s32 $0xffff, v11  }
0x72: {  	s31 =	simm.s32 $0x6;
	s20 =	simm.s32 $0x100C0;
	v4 =	vmov s22;
	v6 =	vbroadcast v6, $0x0;
	v9 =	vand.u32 $0xFFFFFFFC, v12;
	(xrf0) =	vadd.scan.msk.s32 $0xffff, v5;
	v12, _, _ =	vpop (xrf0)  }
0x73: {  	p0 =	por $0x1, $0x1;
	s22 =	simm.s32 $0x10;
	v11 =	vmov s31;
	v9 =	vbroadcast v9, $0x0;
	v5 =	vld [tilespmem:s20+$0x30];
	v12 =	vbroadcast v12, $0xF;
	(xrf0) =	vadd.scan.msk.s32 $0xffff, v14;
	v14, _, _ =	vpop (xrf0)  }
.LBB2_9:
0x74: {  	p1 =	slt.u32 s22, $0x78;
	v15 =	vld [tilespmem:s20+$0xFFFFFFD0];
	v14 =	vbroadcast v14, $0xF;
	v13 =	vbroadcast v13, $0x0;
	v11 =	vand.u32 $0xFFFFFFFE, v11;
	v16, _, _ =	vpop (xrf0)  }
0x75: {  	v4 =	vand.u32 $0xFFFFFFF8, v4;
	v17 =	vld [tilespmem:s20+$0xFFFFFFE0];
	v16 =	vbroadcast v16, $0xF;
	v11 =	vbroadcast v11, $0x0;
	[tilespmem:v10+s16+$0x0] =	vst.idx.msk $0x1, v12;
	v10, _, _ =	vpop (xrf0)  }
0x76: {  	s23 =	sadd.s32 $0x1, s21;
	v18 =	vbroadcast v4, $0x0;
	v12 =	vld [tilespmem:s20+$0xFFFFFFF0];
	[tilespmem:v8+s16+$0x0] =	vst.idx.msk $0x1, v14;
	v8 =	vbroadcast v10, $0xF;
	v10, _, _ =	vpop (xrf0)  }
0x77: {  	v4 =	vmov s21;
	v14 =	vmov s23;
	s23 =	sadd.s32 $0x2, s21;
	v19 =	vld [tilespmem:s20+$0x0];
	[tilespmem:v7+s16+$0x0] =	vst.idx.msk $0x1, v16;
	v23 =	vbroadcast v10, $0xF;
	v10, _, _ =	vpop (xrf0)  }
0x78: {  	v16 =	vmov s23;
	s23 =	sadd.s32 $0x3, s21;
	v20 =	vld [tilespmem:s20+$0x10];
	(xrf0) =	vadd.scan.msk.s32 $0xffff, v5;
	[tilespmem:v6+s16+$0x0] =	vst.idx.msk $0x1, v8;
	v5 =	vbroadcast v10, $0xF;
	v6, _, _ =	vpop (xrf0)  }
0x79: {  	v21 =	vmov s23;
	s23 =	sadd.s32 $0x4, s21;
	v22 =	vld [tilespmem:s20+$0x20];
	(xrf0) =	vadd.scan.msk.s32 $0xffff, v15;
	[tilespmem:v9+s16+$0x0] =	vst.idx.msk $0x1, v23;
	v6 =	vbroadcast v6, $0xF;
	v7, _, _ =	vpop (xrf0)  }
0x7a: {  	v9 =	vmov s23;
	v15 =	vld [tilespmem:s20+$0xFFFFFFC0];
	(xrf0) =	vadd.scan.msk.s32 $0xffff, v17;
	v7 =	vbroadcast v7, $0xF;
	[tilespmem:v13+s16+$0x0] =	vst.idx.msk $0x1, v5  }
.Ltmp4:
0x7b: {  	s23 =	sadd.s32 $0x7, s21;
	v5 =	vand.u32 $0xFFFFFFF9, v14;
	v13 =	vand.u32 $0xFFFFFFFA, v16;
	(xrf0) =	vadd.scan.msk.s32 $0xffff, v12;
	[tilespmem:v11+s16+$0x0] =	vst.idx.msk $0x1, v6;
	(pc) =	sbr.rel @p1 .LBB2_9-.Ltmp4, $4  }
0x7c: {  	s24 =	sadd.s32 $0x5, s21;
	v10 =	vmov s23;
	v8 =	vbroadcast v5, $0x0;
	(xrf0) =	vadd.scan.msk.s32 $0xffff, v19;
	[tilespmem:v18+s16+$0x0] =	vst.idx.msk $0x1, v7  }
0x7d: {  	s23 =	sadd.s32 $0x6, s21;
	s21 =	smov.u32 s22;
	v5 =	vand.u32 $0xFFFFFFFB, v21;
	v12 =	vmov s24;
	v7 =	vbroadcast v13, $0x0;
	(xrf0) =	vadd.scan.msk.s32 $0xffff, v20  }
0x7e: {  	v9 =	vand.u32 $0xFFFFFFFC, v9;
	s20 =	sadd.s32 $0x80, s20;
	v11 =	vmov s23;
	v6 =	vbroadcast v5, $0x0;
	(xrf0) =	vadd.scan.msk.s32 $0xffff, v22;
	v14, _, _ =	vpop (xrf0)  }
0x7f: {  	s22 =	sadd.s32 $0x8, s22;
	v9 =	vbroadcast v9, $0x0;
	v13 =	vand.u32 $0xFFFFFFFD, v12;
	v5 =	vld [tilespmem:s20+$0x30];
	v12 =	vbroadcast v14, $0xF;
	(xrf0) =	vadd.scan.msk.s32 $0xffff, v15;
	v14, _, _ =	vpop (xrf0)  }
0x80: {  	s22 =	smov.u32 s21  }
.LBB2_11:
0x81: {  	_ =	sdelay $0x1  }
0x82: {  	v15 =	vld [tilespmem:s20+$0xFFFFFFD0];
	v14 =	vbroadcast @p0 v14, $0xF;
	v16, _, _ =	vpop @p0 (xrf0);
	v13 =	vbroadcast @p0 v13, $0x0  }
0x83: {  	v11 =	vand.u32 @p0 $0xFFFFFFFE, v11;
	v17 =	vld [tilespmem:s20+$0xFFFFFFE0];
	v4 =	vand.u32 @p0 $0xFFFFFFF8, v4;
	v16 =	vbroadcast @p0 v16, $0xF  }
0x84: {  	[tilespmem:v10+s16+$0x0] =	vst.idx.msk @p0 $0x1, v12;
	s21 =	sadd.s32 $0x1, s22;
	v47 =	vld [tilespmem:s20+$0xFFFFFFF0];
	s31 =	sadd.s32 $0x2, s22;
	v49 =	vmov s22;
	v10, _, _ =	vpop @p0 (xrf0);
	v11 =	vbroadcast @p0 v11, $0x0;
	v4 =	vbroadcast @p0 v4, $0x0  }
0x85: {  	v18 =	vld [tilespmem:s20+$0x0];
	s24 =	sadd.s32 $0x4, s22;
	v48 =	vmov s21;
	v19 =	vmov s31;
	[tilespmem:v8+s16+$0x0] =	vst.idx.msk @p0 $0x1, v14;
	v8 =	vbroadcast @p0 v10, $0xF;
	v10, _, _ =	vpop @p0 (xrf0)  }
0x86: {  	v20 =	vld [tilespmem:s20+$0x10];
	s26 =	sadd.s32 $0x5, s22;
	v52 =	vmov s24;
	[tilespmem:v7+s16+$0x0] =	vst.idx.msk @p0 $0x1, v16;
	v7 =	vbroadcast @p0 v10, $0xF;
	v10, _, _ =	vpop @p0 (xrf0);
	(xrf0) =	vadd.scan.msk.s32 $0xffff, v5  }
0x87: {  	v50 =	vld [tilespmem:s20+$0x20];
	s28 =	sadd.s32 $0x6, s22;
	v55 =	vmov s26;
	[tilespmem:v6+s16+$0x0] =	vst.idx.msk @p0 $0x1, v8;
	v5, _, _ =	vpop @p0 (xrf0);
	v6 =	vbroadcast @p0 v10, $0xF;
	(xrf0) =	vadd.scan.msk.s32 $0xffff, v15  }
0x88: {  	s23 =	sadd.s32 $0x3, s22;
	v51 =	vld [tilespmem:s20+$0xFFFFFFC0];
	v57 =	vmov s28;
	v53 =	vand.u32 $0xFFFFFFFA, v19;
	v5 =	vbroadcast @p0 v5, $0xF;
	(xrf0) =	vadd.scan.msk.s32 $0xffff, v17  }
0x89: {  	s25 =	sadd.s32 $0x7, s22;
	v8 =	vmov s23;
	[tilespmem:v13+s16+$0x0] =	vst.idx.msk @p0 $0x1, v6;
	v6 =	vand.u32 $0xFFFFFFF9, v48;
	(xrf0) =	vadd.scan.msk.s32 $0xffff, v47  }
0x8a: {  	[tilespmem:v11+s16+$0x0] =	vst.idx.msk @p0 $0x1, v5;
	v5 =	vbroadcast v6, $0x0;
	v6 =	vmov s25;
	(xrf0) =	vadd.scan.msk.s32 $0xffff, v18  }
0x8b: {  	v54 =	vbroadcast v53, $0x0;
	[tilespmem:v9+s16+$0x0] =	vst.idx.msk @p0 $0x1, v7;
	v8 =	vand.u32 $0xFFFFFFFB, v8;
	v7, _, _ =	vpop @p0 (xrf0);
	(xrf0) =	vadd.scan.msk.s32 $0xffff, v20  }
0x8c: {  	v56 =	vand.u32 $0xFFFFFFFC, v52;
	v8 =	vbroadcast v8, $0x0;
	v7 =	vbroadcast @p0 v7, $0xF;
	v58, _, _ =	vpop (xrf0);
	(xrf0) =	vadd.scan.msk.s32 $0xffff, v50  }
0x8d: {  	v12 =	vand.u32 $0xFFFFFFFD, v55;
	v13 =	vbroadcast v56, $0x0;
	v10 =	vbroadcast v58, $0xF;
	(xrf0) =	vadd.scan.msk.s32 $0xffff, v51;
	v59, _, _ =	vpop (xrf0)  }
0x8e: {  	v60 =	vand.u32 $0xFFFFFFFE, v57;
	[tilespmem:v4+s16+$0x0] =	vst.idx.msk @p0 $0x1, v7;
	v7 =	vbroadcast v12, $0x0;
	v4 =	vbroadcast v59, $0xF;
	v61, _, _ =	vpop (xrf0)  }
0x8f: {  	v62 =	vand.u32 $0xFFFFFFF8, v49;
	v9 =	vbroadcast v60, $0x0;
	[tilespmem:v6+s16+$0x0] =	vst.idx.msk $0x1, v10;
	v12 =	vbroadcast v61, $0xF;
	v6, _, _ =	vpop (xrf0)  }
0x90: {  	v63 =	vbroadcast v62, $0x0;
	[tilespmem:v5+s16+$0x0] =	vst.idx.msk $0x1, v4;
	v4 =	vbroadcast v6, $0xF;
	v5, _, _ =	vpop (xrf0)  }
0x91: {  	[tilespmem:v54+s16+$0x0] =	vst.idx.msk $0x1, v12;
	v5 =	vbroadcast v5, $0xF;
	v6, _, _ =	vpop (xrf0)  }
0x92: {  	[tilespmem:v8+s16+$0x0] =	vst.idx.msk $0x1, v4;
	v4 =	vbroadcast v6, $0xF;
	v6, _, _ =	vpop (xrf0)  }
0x93: {  	[tilespmem:v13+s16+$0x0] =	vst.idx.msk $0x1, v5;
	v5 =	vbroadcast v6, $0xF;
	v6, _, _ =	vpop (xrf0)  }
0x94: {  	v6 =	vbroadcast v6, $0xF;
	[tilespmem:v7+s16+$0x0] =	vst.idx.msk $0x1, v4  }
0x95: {  	[tilespmem:v9+s16+$0x0] =	vst.idx.msk $0x1, v5  }
0x96: {  	s29 =	simm.s32 $0x0;
	[tilespmem:v63+s16+$0x0] =	vst.idx.msk $0x1, v6  }
0x97: {  	v4 =	vld [tilespmem:s29+$0x10800];
	_ =	sdelay $0x4  }
0x98: {  	(xrf0) =	vadd.scan.msk.s32 $0xffff, v4;
	_ =	sdelay $0x5  }
0x99: {  	v5 =	vimm.s32 $0x0;
	v4, _, _ =	vpop (xrf0)  }
0x9a: {  	v6 =	vadd.s32 v5, v4  }
0x9b: {  	v4 =	vxor.u32 $0x80000000, v6  }
0x9c: {  	(xrf0) =	vmax.scan.msk.u32 $0xffff, v4;
	_ =	sdelay $0x5  }
0x9d: {  	v4, _, _ =	vpop (xrf0)  }
0x9e: {  	(v2sf) =	vpush v4, $0xF;
	_ =	sdelay $0x2  }
0x9f: {  	v3 =	vmax.f32 v3, $0.0e+00  }
0xa0: {  	v3 =	vmin.f32 v3, $1.000000000e+00  }
0xa1: {  	s30 =	simm.s32 $0x10;
	v3 =	vmul.f32 $3.276800000e+04, v3  }
0xa2: {  	v7 =	vld [tilespmem:s30+$0x10800]  }
0xa3: {  	v3 =	vtrunc.f32 v3  }
0xa4: {  	v4 =	vcvt.f32.s32 v3;
	_ =	sdelay $0x1  }
0xa5: {  	vm0 =	vlt.s32 v4, $0x7FFF  }
0xa6: {  	(xrf0) =	vadd.scan.msk.s32 $0xffff, v7;
	v3 =	vnsel vm0, $0x7FFF, v4  }
0xa7: {  	v3 =	vsub.s32 $0x7FFF, v3  }
0xa8: {  	vm14 =	vle.s32 v6, v3  }
0xa9: {  	v8 =	vnsel vm14, $0x0, v6  }
0xaa: {  	v6 =	vsel vm14, $0x1, v0;
	vm15 =	vgt.s32 v5, v8;
	s31 =	spop (v2sf)  }
0xab: {  	s20 =	simm.s32 $0x80;
	v6 =	vadd.s32 v6, v5;
	v5 =	vsel vm15, v5, v8;
	s21 =	sxor.u32 $0x80000000, s31  }
.LBB2_12:
0xac: {  	p0 =	sne.s32 s20, $0x1C0;
	v7, _, _ =	vpop (xrf0);
	v8 =	vmov s21;
	s21 =	smov.u32 s20;
	s20 =	sadd.s32 $0x40, s20  }
0xad: {  	v7 =	vadd.s32 v8, v7  }
0xae: {  	vm0 =	vle.s32 v7, v3;
	v8 =	vxor.u32 $0x80000000, v7  }
0xaf: {  	v9 =	vsel vm0, $0x1, v0;
	v7 =	vnsel vm0, $0x0, v7;
	(xrf0) =	vmax.scan.msk.u32 $0xffff, v8  }
0xb0: {  	v6 =	vadd.s32 v9, v6;
	vm0 =	vgt.s32 v5, v7  }
0xb1: {  	v5 =	vsel vm0, v5, v7;
	_ =	sdelay $0x3  }
0xb2: {  	v7, _, _ =	vpop (xrf0)  }
0xb3: {  	(v2sf) =	vpush v7, $0xF;
	_ =	sdelay $0x4  }
0xb4: {  	s21 =	sshra.s32 s21, $0x2  }
0xb5: {  	v7 =	vld [tilespmem:s21+$0x10800];
	_ =	sdelay $0x4  }
0xb6: {  	(xrf0) =	vadd.scan.msk.s32 $0xffff, v7  }
.Ltmp5:
0xb7: {  	(pc) =	sbr.rel @p0 .LBB2_12-.Ltmp5, $3  }
0xb8: {  	_ =	sdelay $0x1  }
0xb9: {  	s21 =	spop (v2sf)  }
0xba: {  	s21 =	sxor.u32 $0x80000000, s21  }
0xbb: {  	v7, _, _ =	vpop (xrf0);
	v8 =	vmov s21  }
0xbc: {  	v7 =	vadd.s32 v8, v7  }
0xbd: {  	vm0 =	vle.s32 v7, v3  }
0xbe: {  	v8 =	vxor.u32 $0x80000000, v7;
	v9 =	vsel vm0, $0x1, v0  }
0xbf: {  	(xrf0) =	vmax.scan.msk.u32 $0xffff, v8;
	v6 =	vadd.s32 v9, v6  }
0xc0: {  	(xrf0) =	vadd.scan.msk.s32 $0xffff, v6;
	_ =	sdelay $0x4  }
0xc1: {  	v6, _, _ =	vpop (xrf0)  }
0xc2: {  	(v2sf) =	vpush v6, $0xF;
	v6, _, _ =	vpop (xrf0)  }
0xc3: {  	(v2sf) =	vpush v6, $0xF;
	_ =	sdelay $0xd  }
0xc4: {  	s20 =	spop (v2sf)  }
0xc5: {  	s20 =	spop (v2sf)  }
0xc6: {  	s21 =	simm.s32 $0x10040;
	s20 =	sshll.u32 s20, $0x4  }
0xc7: {  	v6 =	vld [tilespmem:s20+$0x10000];
	[tilespmem:s21+$0xFFFFFFC0] =	vst v0  }
0xc8: {  	[tilespmem:s21+$0x30] =	vst v0  }
0xc9: {  	[tilespmem:s21+$0x20] =	vst v0  }
0xca: {  	[tilespmem:s21+$0x10] =	vst v0  }
0xcb: {  	v7 =	vnsel vm0, $0x0, v7;
	[tilespmem:s21+$0x0] =	vst v0  }
0xcc: {  	vm0 =	vgt.s32 v5, v7;
	[tilespmem:s21+$0xFFFFFFF0] =	vst v0  }
0xcd: {  	s22 =	simm.s32 $0x0;
	v5 =	vsel vm0, v5, v7;
	[tilespmem:s21+$0xFFFFFFE0] =	vst v0  }
.LBB2_14:
0xce: {  	s22 =	sadd.s32 $0x8, s22;
	[tilespmem:s21+$0xFFFFFFD0] =	vst v0;
	s21 =	sadd.s32 $0x80, s21  }
0xcf: {  	[tilespmem:s21+$0xFFFFFFC0] =	vst v0;
	p0 =	slt.u32 s22, $0x78  }
0xd0: {  	[tilespmem:s21+$0x30] =	vst v0  }
.Ltmp6:
0xd1: {  	[tilespmem:s21+$0x20] =	vst v0;
	(pc) =	sbr.rel @p0 .LBB2_14-.Ltmp6, $4  }
0xd2: {  	[tilespmem:s21+$0x10] =	vst v0  }
0xd3: {  	[tilespmem:s21+$0x0] =	vst v0  }
0xd4: {  	[tilespmem:s21+$0xFFFFFFF0] =	vst v0  }
0xd5: {  	[tilespmem:s21+$0xFFFFFFE0] =	vst v0  }
0xd6: {  	v5 =	vxor.u32 $0x80000000, v5  }
0xd7: {  	(xrf0) =	vmax.scan.msk.u32 $0xffff, v5;
	_ =	sdelay $0x5  }
0xd8: {  	v5, _, _ =	vpop (xrf0)  }
0xd9: {  	(v2sf) =	vpush v5, $0xF;
	_ =	sdelay $0x9  }
0xda: {  	(xrf0) =	vadd.scan.msk.s32 $0xffff, v6;
	_ =	sdelay $0x4  }
0xdb: {  	s22 =	spop (v2sf)  }
0xdc: {  	v5, _, _ =	vpop (xrf0);
	s22 =	sxor.u32 $0x80000000, s22  }
0xdd: {  	v6 =	vadd.s32 s22, v5  }
0xde: {  	vm0 =	vle.s32 v6, v3  }
0xdf: {  	v5 =	vsel vm0, $0x1, v0  }
0xe0: {  	(xrf0) =	vadd.scan.msk.s32 $0xffff, v5;
	_ =	sdelay $0x5  }
0xe1: {  	v5, _, _ =	vpop (xrf0)  }
0xe2: {  	(v2sf) =	vpush v5, $0xF;
	_ =	sdelay $0xa  }
0xe3: {  	[tilespmem:s21+$0xFFFFFFD0] =	vst v0;
	s31 =	simm.s32 $0x40  }
0xe4: {  	v7 =	vld [tilespmem:s31+$0xFFFFFFC0]  }
0xe5: {  	v10 =	vld [tilespmem:s31+$0xFFFFFFE0];
	_ =	sdelay $0x1  }
0xe6: {  	s23 =	spop (v2sf)  }
0xe7: {  	v12 =	vld [tilespmem:s31+$0xFFFFFFF0];
	s20 =	sadd.s32 s20, s23  }
0xe8: {  	v14 =	vld [tilespmem:s31+$0x20];
	v8 =	vshrl.u32 v7, $0x15;
	v5 =	vmov s20  }
0xe9: {  	v7 =	vshrl.u32 v7, $0xA;
	v11 =	vshrl.u32 v10, $0x15;
	vm4 =	veq.s32 v8, v5  }
0xea: {  	v16 =	vld [tilespmem:s31+$0x30];
	v10 =	vshrl.u32 v10, $0xA;
	v15 =	vand.u32 $0x7FF, v7;
	vm3 =	veq.s32 v11, v5  }
0xeb: {  	v8 =	vld [tilespmem:s31+$0xFFFFFFD0];
	v11 =	vand.u32 $0x7FF, v10  }
0xec: {  	v9 =	vshrl.u32 v12, $0xA  }
0xed: {  	v17 =	vshrl.u32 v14, $0x15;
	v7 =	vmov s22;
	v10 =	vshrl.u32 v12, $0x15;
	v12 =	vld [tilespmem:s31+$0x10]  }
0xee: {  	v13 =	vld [tilespmem:s31+$0x0];
	vm2 =	veq.s32 v17, v5;
	vm1 =	veq.s32 v10, v5;
	v10 =	vshrl.u32 v14, $0xA  }
0xef: {  	s21 =	simm.s32 $0xC0;
	s20 =	simm.s32 $0x0;
	v14 =	vshrl.u32 v16, $0xA;
	v10 =	vand.u32 $0x7FF, v10;
	[tilespmem:v15+s15+$0x0] =	vst.idx.add.s32.msk vm4, v1;
	v15 =	vshrl.u32 v16, $0x15  }
.LBB2_16:
0xf0: {  	s20 =	sadd.s32 $0x8, s20;
	v16 =	vshrl.u32 v8, $0x15;
	[tilespmem:v11+s15+$0x0] =	vst.idx.add.s32.msk vm3, v1;
	vm4 =	veq.s32 v15, v5  }
0xf1: {  	v8 =	vshrl.u32 v8, $0xA;
	v11 =	vand.u32 $0x7FF, v9;
	v15 =	vld [tilespmem:s21+$0xFFFFFFF0];
	p0 =	slt.u32 s20, $0x7F8;
	vm5 =	veq.s32 v16, v5  }
0xf2: {  	v14 =	vand.u32 $0x7FF, v14;
	v17 =	vand.u32 $0x7FF, v8;
	v16 =	vld [tilespmem:s21+$0xFFFFFFE0];
	v8 =	vshrl.u32 v12, $0x15  }
0xf3: {  	v18 =	vld [tilespmem:s21+$0xFFFFFFC0];
	v9 =	vshrl.u32 v13, $0x15;
	vm6 =	veq.s32 v8, v5;
	v8 =	vshrl.u32 v12, $0xA  }
0xf4: {  	v19 =	vld [tilespmem:s21+$0x30];
	vm7 =	veq.s32 v9, v5;
	v9 =	vshrl.u32 v13, $0xA;
	v12 =	vand.u32 $0x7FF, v8  }
0xf5: {  	v20 =	vld [tilespmem:s21+$0x20];
	v13 =	vand.u32 $0x7FF, v9  }
0xf6: {  	v8 =	vld [tilespmem:s21+$0xFFFFFFD0];
	v9 =	vshrl.u32 v15, $0xA  }
0xf7: {  	[tilespmem:v11+s15+$0x0] =	vst.idx.add.s32.msk vm1, v1  }
0xf8: {  	v21 =	vshrl.u32 v16, $0x15;
	v16 =	vshrl.u32 v16, $0xA;
	v11 =	vshrl.u32 v18, $0x15;
	[tilespmem:v10+s15+$0x0] =	vst.idx.add.s32.msk vm2, v1  }
0xf9: {  	v10 =	vshrl.u32 v18, $0xA;
	vm3 =	veq.s32 v21, v5;
	vm8 =	veq.s32 v11, v5;
	[tilespmem:v12+s15+$0x0] =	vst.idx.add.s32.msk vm6, v1  }
0xfa: {  	v10 =	vand.u32 $0x7FF, v10;
	v11 =	vand.u32 $0x7FF, v16;
	[tilespmem:v13+s15+$0x0] =	vst.idx.add.s32.msk vm7, v1  }
.Ltmp7:
0xfb: {  	v12 =	vshrl.u32 v15, $0x15;
	[tilespmem:v14+s15+$0x0] =	vst.idx.add.s32.msk vm4, v1;
	(pc) =	sbr.rel @p0 .LBB2_16-.Ltmp7, $4  }
0xfc: {  	vm1 =	veq.s32 v12, v5;
	[tilespmem:v17+s15+$0x0] =	vst.idx.add.s32.msk vm5, v1  }
0xfd: {  	v14 =	vshrl.u32 v20, $0x15;
	v12 =	vld [tilespmem:s21+$0x10]  }
0xfe: {  	vm2 =	veq.s32 v14, v5;
	v14 =	vshrl.u32 v20, $0xA;
	v13 =	vld [tilespmem:s21+$0x0]  }
0xff: {  	v15 =	vshrl.u32 v19, $0x15;
	s21 =	sadd.s32 $0x80, s21;
	[tilespmem:v10+s15+$0x0] =	vst.idx.add.s32.msk vm8, v1;
	v10 =	vand.u32 $0x7FF, v14;
	v14 =	vshrl.u32 v19, $0xA  }
0x100: {  	_ =	sdelay $0x3  }
0x101: {  	v9 =	vand.u32 $0x7FF, v9;
	vm6 =	veq.s32 v15, v5  }
0x102: {  	[tilespmem:v11+s15+$0x0] =	vst.idx.add.s32.msk vm3, v1;
	v11 =	vand.u32 $0x7FF, v14;
	v16 =	vshrl.u32 v12, $0x15;
	v12 =	vshrl.u32 v12, $0xA  }
0x103: {  	v17 =	vshrl.u32 v13, $0x15;
	vm4 =	veq.s32 v16, v5;
	v13 =	vshrl.u32 v13, $0xA  }
0x104: {  	v12 =	vand.u32 $0x7FF, v12;
	v16 =	vshrl.u32 v8, $0x15;
	vm5 =	veq.s32 v17, v5  }
0x105: {  	v8 =	vshrl.u32 v8, $0xA;
	v13 =	vand.u32 $0x7FF, v13;
	vm3 =	veq.s32 v16, v5  }
0x106: {  	[tilespmem:v10+s15+$0x0] =	vst.idx.add.s32.msk vm2, v1;
	v8 =	vand.u32 $0x7FF, v8  }
0x107: {  	[tilespmem:v9+s15+$0x0] =	vst.idx.add.s32.msk vm1, v1  }
0x108: {  	[tilespmem:v11+s15+$0x0] =	vst.idx.add.s32.msk vm6, v1  }
0x109: {  	[tilespmem:v12+s15+$0x0] =	vst.idx.add.s32.msk vm4, v1  }
0x10a: {  	[tilespmem:v13+s15+$0x0] =	vst.idx.add.s32.msk vm5, v1  }
0x10b: {  	s20 =	simm.s32 $0x10040;
	[tilespmem:v8+s15+$0x0] =	vst.idx.add.s32.msk vm3, v1  }
0x10c: {  	v8 =	vld [tilespmem:s20+$0x30]  }
0x10d: {  	v9 =	vld [tilespmem:s20+$0xFFFFFFD0]  }
0x10e: {  	v10 =	vld [tilespmem:s20+$0xFFFFFFE0]  }
0x10f: {  	v11 =	vld [tilespmem:s20+$0xFFFFFFF0]  }
0x110: {  	v13 =	vld [tilespmem:s20+$0x0]  }
0x111: {  	v15 =	vld [tilespmem:s20+$0x10];
	(xrf0) =	vadd.scan.msk.s32 $0xffff, v8  }
0x112: {  	s22 =	simm.s32 $0x1;
	s29 =	simm.s32 $0x7;
	s30 =	simm.s32 $0x5;
	v16 =	vld [tilespmem:s20+$0x20];
	(xrf0) =	vadd.scan.msk.s32 $0xffff, v9  }
0x113: {  	s23 =	simm.s32 $0x2;
	s28 =	simm.s32 $0x4;
	v14 =	vmov s29;
	v19 =	vmov s30;
	v18 =	vld [tilespmem:s20+$0xFFFFFFC0];
	v9 =	vmov s22;
	(xrf0) =	vadd.scan.msk.s32 $0xffff, v10  }
0x114: {  	s26 =	simm.s32 $0x3;
	v17 =	vmov s28;
	v12 =	vmov s23;
	v9 =	vand.u32 $0xFFFFFFF9, v9;
	(xrf0) =	vadd.scan.msk.s32 $0xffff, v11  }
0x115: {  	s21 =	simm.s32 $0x0;
	v10 =	vmov s26;
	v11 =	vand.u32 $0xFFFFFFFA, v12;
	v12 =	vbroadcast v9, $0x0;
	(xrf0) =	vadd.scan.msk.s32 $0xffff, v13  }
0x116: {  	v8 =	vmov s21;
	v9 =	vand.u32 $0xFFFFFFFB, v10;
	v11 =	vbroadcast v11, $0x0;
	(xrf0) =	vadd.scan.msk.s32 $0xffff, v15  }
0x117: {  	s31 =	simm.s32 $0x6;
	s21 =	simm.s32 $0x100C0;
	v10 =	vand.u32 $0xFFFFFFFC, v17;
	v17 =	vand.u32 $0xFFFFFFFD, v19;
	v9 =	vbroadcast v9, $0x0;
	(xrf0) =	vadd.scan.msk.s32 $0xffff, v16;
	v16, _, _ =	vpop (xrf0)  }
0x118: {  	s20 =	simm.s32 $0x8;
	s22 =	simm.s32 $0x10;
	v13 =	vld [tilespmem:s21+$0x30];
	v10 =	vbroadcast v10, $0x0;
	v15 =	vmov s31;
	v16 =	vbroadcast v16, $0xF;
	(xrf0) =	vadd.scan.msk.s32 $0xffff, v18;
	v18, _, _ =	vpop (xrf0)  }
.LBB2_18:
0x119: {  	p0 =	slt.u32 s22, $0x78;
	v19 =	vld [tilespmem:s21+$0xFFFFFFD0];
	v18 =	vbroadcast v18, $0xF;
	v17 =	vbroadcast v17, $0x0;
	v15 =	vand.u32 $0xFFFFFFFE, v15;
	v20, _, _ =	vpop (xrf0)  }
0x11a: {  	v8 =	vand.u32 $0xFFFFFFF8, v8;
	v21 =	vld [tilespmem:s21+$0xFFFFFFE0];
	v20 =	vbroadcast v20, $0xF;
	v15 =	vbroadcast v15, $0x0;
	[tilespmem:v14+s16+$0x0] =	vst.idx.msk $0x1, v16;
	v14, _, _ =	vpop (xrf0)  }
0x11b: {  	s23 =	sadd.s32 $0x1, s20;
	v22 =	vbroadcast v8, $0x0;
	v16 =	vld [tilespmem:s21+$0xFFFFFFF0];
	[tilespmem:v12+s16+$0x0] =	vst.idx.msk $0x1, v18;
	v25 =	vbroadcast v14, $0xF;
	v14, _, _ =	vpop (xrf0)  }
0x11c: {  	v8 =	vmov s20;
	v18 =	vmov s23;
	s23 =	sadd.s32 $0x2, s20;
	v23 =	vld [tilespmem:s21+$0x0];
	[tilespmem:v11+s16+$0x0] =	vst.idx.msk $0x1, v20;
	v26 =	vbroadcast v14, $0xF;
	v14, _, _ =	vpop (xrf0)  }
0x11d: {  	v20 =	vmov s23;
	s23 =	sadd.s32 $0x3, s20;
	v24 =	vld [tilespmem:s21+$0x10];
	(xrf0) =	vadd.scan.msk.s32 $0xffff, v13;
	[tilespmem:v9+s16+$0x0] =	vst.idx.msk $0x1, v25;
	v9 =	vbroadcast v14, $0xF;
	v12, _, _ =	vpop (xrf0)  }
0x11e: {  	v13 =	vmov s23;
	s23 =	sadd.s32 $0x4, s20;
	v25 =	vld [tilespmem:s21+$0x20];
	(xrf0) =	vadd.scan.msk.s32 $0xffff, v19;
	[tilespmem:v10+s16+$0x0] =	vst.idx.msk $0x1, v26;
	v10 =	vbroadcast v12, $0xF;
	v11, _, _ =	vpop (xrf0)  }
0x11f: {  	v26 =	vmov s23;
	v19 =	vld [tilespmem:s21+$0xFFFFFFC0];
	(xrf0) =	vadd.scan.msk.s32 $0xffff, v21;
	v11 =	vbroadcast v11, $0xF;
	[tilespmem:v17+s16+$0x0] =	vst.idx.msk $0x1, v9  }
.Ltmp8:
0x120: {  	s23 =	sadd.s32 $0x7, s20;
	v9 =	vand.u32 $0xFFFFFFF9, v18;
	v17 =	vand.u32 $0xFFFFFFFA, v20;
	(xrf0) =	vadd.scan.msk.s32 $0xffff, v16;
	[tilespmem:v15+s16+$0x0] =	vst.idx.msk $0x1, v10;
	(pc) =	sbr.rel @p0 .LBB2_18-.Ltmp8, $4  }
0x121: {  	s24 =	sadd.s32 $0x5, s20;
	v14 =	vmov s23;
	v12 =	vbroadcast v9, $0x0;
	(xrf0) =	vadd.scan.msk.s32 $0xffff, v23;
	[tilespmem:v22+s16+$0x0] =	vst.idx.msk $0x1, v11  }
0x122: {  	s23 =	sadd.s32 $0x6, s20;
	s20 =	smov.u32 s22;
	v9 =	vand.u32 $0xFFFFFFFB, v13;
	v16 =	vmov s24;
	v11 =	vbroadcast v17, $0x0;
	(xrf0) =	vadd.scan.msk.s32 $0xffff, v24  }
0x123: {  	s21 =	sadd.s32 $0x80, s21;
	v10 =	vand.u32 $0xFFFFFFFC, v26;
	v15 =	vmov s23;
	v9 =	vbroadcast v9, $0x0;
	(xrf0) =	vadd.scan.msk.s32 $0xffff, v25;
	v18, _, _ =	vpop (xrf0)  }
0x124: {  	s22 =	sadd.s32 $0x8, s22;
	v10 =	vbroadcast v10, $0x0;
	v17 =	vand.u32 $0xFFFFFFFD, v16;
	v13 =	vld [tilespmem:s21+$0x30];
	v16 =	vbroadcast v18, $0xF;
	(xrf0) =	vadd.scan.msk.s32 $0xffff, v19;
	v18, _, _ =	vpop (xrf0)  }
0x125: {  	_ = 	snop  }
0x126: {  	v19 =	vld [tilespmem:s21+$0xFFFFFFD0];
	v18 =	vbroadcast v18, $0xF;
	v20, _, _ =	vpop (xrf0);
	v17 =	vbroadcast v17, $0x0;
	v15 =	vand.u32 $0xFFFFFFFE, v15  }
0x127: {  	v21 =	vld [tilespmem:s21+$0xFFFFFFE0];
	v8 =	vand.u32 $0xFFFFFFF8, v8;
	s22 =	sadd.s32 $0x1, s20;
	v44 =	vmov s20;
	v20 =	vbroadcast v20, $0xF  }
0x128: {  	v39 =	vld [tilespmem:s21+$0xFFFFFFF0];
	s30 =	sadd.s32 $0x2, s20;
	s31 =	sadd.s32 $0x3, s20;
	v38, _, _ =	vpop (xrf0);
	v15 =	vbroadcast v15, $0x0;
	v8 =	vbroadcast v8, $0x0;
	v42 =	vmov s22  }
0x129: {  	v22 =	vld [tilespmem:s21+$0x0];
	s23 =	sadd.s32 $0x4, s20;
	[tilespmem:v14+s16+$0x0] =	vst.idx.msk $0x1, v16;
	v23 =	vmov s30;
	v46 =	vmov s31;
	v40 =	vbroadcast v38, $0xF;
	v41, _, _ =	vpop (xrf0)  }
0x12a: {  	v24 =	vld [tilespmem:s21+$0x10];
	s24 =	sadd.s32 $0x7, s20;
	s25 =	sadd.s32 $0x5, s20;
	v48 =	vmov s23;
	[tilespmem:v11+s16+$0x0] =	vst.idx.msk $0x1, v20;
	v11 =	vbroadcast v41, $0xF;
	v43, _, _ =	vpop (xrf0);
	(xrf0) =	vadd.scan.msk.s32 $0xffff, v13  }
0x12b: {  	v47 =	vld [tilespmem:s21+$0x20];
	s26 =	sadd.s32 $0x6, s20;
	v51 =	vmov s24;
	v53 =	vmov s25;
	[tilespmem:v9+s16+$0x0] =	vst.idx.msk $0x1, v40;
	v9, _, _ =	vpop (xrf0);
	(xrf0) =	vadd.scan.msk.s32 $0xffff, v19  }
0x12c: {  	v55 =	vmov s26;
	[tilespmem:v10+s16+$0x0] =	vst.idx.msk $0x1, v11;
	v10, _, _ =	vpop (xrf0);
	v9 =	vbroadcast v9, $0xF;
	v11 =	vld [tilespmem:s21+$0xFFFFFFC0];
	(xrf0) =	vadd.scan.msk.s32 $0xffff, v21  }
0x12d: {  	[tilespmem:v12+s16+$0x0] =	vst.idx.msk $0x1, v18;
	v49 =	vand.u32 $0xFFFFFFF9, v42;
	v50 =	vand.u32 $0xFFFFFFFA, v23;
	(xrf0) =	vadd.scan.msk.s32 $0xffff, v39  }
0x12e: {  	v54 =	vand.u32 $0xFFFFFFFC, v48;
	[tilespmem:v15+s16+$0x0] =	vst.idx.msk $0x1, v9;
	v9 =	vbroadcast v49, $0x0;
	(xrf0) =	vadd.scan.msk.s32 $0xffff, v22  }
0x12f: {  	v52 =	vbroadcast v50, $0x0;
	v45 =	vbroadcast v43, $0xF;
	v13 =	vand.u32 $0xFFFFFFFB, v46;
	(xrf0) =	vadd.scan.msk.s32 $0xffff, v24  }
0x130: {  	v16 =	vand.u32 $0xFFFFFFFD, v53;
	v13 =	vbroadcast v13, $0x0;
	v10 =	vbroadcast v10, $0xF;
	(xrf0) =	vadd.scan.msk.s32 $0xffff, v47;
	v56, _, _ =	vpop (xrf0)  }
0x131: {  	[tilespmem:v17+s16+$0x0] =	vst.idx.msk $0x1, v45;
	v17 =	vbroadcast v54, $0x0;
	v14 =	vbroadcast v56, $0xF;
	(xrf0) =	vadd.scan.msk.s32 $0xffff, v11;
	v11, _, _ =	vpop (xrf0)  }
0x132: {  	[tilespmem:v8+s16+$0x0] =	vst.idx.msk $0x1, v10;
	v10 =	vbroadcast v16, $0x0;
	v8 =	vbroadcast v11, $0xF;
	v11 =	vand.u32 $0xFFFFFFFE, v55;
	v57, _, _ =	vpop (xrf0)  }
0x133: {  	v58 =	vand.u32 $0xFFFFFFF8, v44;
	v16 =	vbroadcast v57, $0xF;
	v11 =	vbroadcast v11, $0x0;
	[tilespmem:v51+s16+$0x0] =	vst.idx.msk $0x1, v14;
	v59, _, _ =	vpop (xrf0)  }
0x134: {  	v60 =	vbroadcast v58, $0x0;
	[tilespmem:v9+s16+$0x0] =	vst.idx.msk $0x1, v8;
	v8 =	vbroadcast v59, $0xF;
	v9, _, _ =	vpop (xrf0)  }
0x135: {  	[tilespmem:v52+s16+$0x0] =	vst.idx.msk $0x1, v16;
	v9 =	vbroadcast v9, $0xF;
	v61, _, _ =	vpop (xrf0)  }
0x136: {  	[tilespmem:v13+s16+$0x0] =	vst.idx.msk $0x1, v8;
	v8 =	vbroadcast v61, $0xF;
	v62, _, _ =	vpop (xrf0)  }
0x137: {  	[tilespmem:v17+s16+$0x0] =	vst.idx.msk $0x1, v9;
	v9 =	vbroadcast v62, $0xF;
	v63, _, _ =	vpop (xrf0)  }
0x138: {  	v12 =	vbroadcast v63, $0xF;
	[tilespmem:v10+s16+$0x0] =	vst.idx.msk $0x1, v8  }
0x139: {  	[tilespmem:v11+s16+$0x0] =	vst.idx.msk $0x1, v9  }
0x13a: {  	s28 =	simm.s32 $0x0;
	[tilespmem:v60+s16+$0x0] =	vst.idx.msk $0x1, v12  }
0x13b: {  	v8 =	vld [tilespmem:s28+$0x10800];
	_ =	sdelay $0x1  }
0x13c: {  	v6 =	vxor.u32 $0x80000000, v6  }
0x13d: {  	v6 =	vnsel vm0, $0x80000000, v6  }
0x13e: {  	(xrf0) =	vmax.scan.msk.u32 $0xffff, v6  }
0x13f: {  	(xrf0) =	vadd.scan.msk.s32 $0xffff, v8;
	_ =	sdelay $0x4  }
0x140: {  	v6, _, _ =	vpop (xrf0)  }
0x141: {  	v9 =	vimm.s32 $0x0;
	v8, _, _ =	vpop (xrf0)  }
0x142: {  	(v2sf) =	vpush v6, $0xF;
	v8 =	vadd.s32 v9, v8  }
0x143: {  	v6 =	vxor.u32 $0x80000000, v8  }
0x144: {  	(xrf0) =	vmax.scan.msk.u32 $0xffff, v6;
	_ =	sdelay $0x5  }
0x145: {  	v6, _, _ =	vpop (xrf0)  }
0x146: {  	(v2sf) =	vpush v6, $0xF;
	_ =	sdelay $0x4  }
0x147: {  	s30 =	simm.s32 $0x10  }
0x148: {  	v10 =	vld [tilespmem:s30+$0x10800];
	s29 =	spop (v2sf)  }
0x149: {  	s20 =	sxor.u32 $0x80000000, s29  }
0x14a: {  	vm13 =	vgt.s32 v7, s20  }
0x14b: {  	v6 =	vnsel vm13, s20, v7  }
0x14c: {  	v6 =	vbroadcast v6, $0x0  }
0x14d: {  	(xrf0) =	vadd.scan.msk.s32 $0xffff, v10  }
0x14e: {  	v6 =	vsub.s32 v3, v6  }
0x14f: {  	vm14 =	vle.s32 v8, v6  }
0x150: {  	v7 =	vnsel vm14, $0x0, v8  }
0x151: {  	v8 =	vsel vm14, $0x1, v0;
	vm15 =	vgt.s32 v9, v7;
	s31 =	spop (v2sf)  }
0x152: {  	s20 =	simm.s32 $0x80;
	v8 =	vadd.s32 v8, v9;
	v7 =	vsel vm15, v9, v7;
	s21 =	sxor.u32 $0x80000000, s31  }
.LBB2_20:
0x153: {  	p0 =	sne.s32 s20, $0x1C0;
	v9, _, _ =	vpop (xrf0);
	v10 =	vmov s21;
	s21 =	smov.u32 s20;
	s20 =	sadd.s32 $0x40, s20  }
0x154: {  	v9 =	vadd.s32 v10, v9  }
0x155: {  	vm0 =	vle.s32 v9, v6;
	v10 =	vxor.u32 $0x80000000, v9  }
0x156: {  	v11 =	vsel vm0, $0x1, v0;
	v9 =	vnsel vm0, $0x0, v9;
	(xrf0) =	vmax.scan.msk.u32 $0xffff, v10  }
0x157: {  	v8 =	vadd.s32 v11, v8;
	vm0 =	vgt.s32 v7, v9  }
0x158: {  	v7 =	vsel vm0, v7, v9;
	_ =	sdelay $0x3  }
0x159: {  	v9, _, _ =	vpop (xrf0)  }
0x15a: {  	(v2sf) =	vpush v9, $0xF;
	_ =	sdelay $0x4  }
0x15b: {  	s21 =	sshra.s32 s21, $0x2  }
0x15c: {  	v9 =	vld [tilespmem:s21+$0x10800];
	_ =	sdelay $0x4  }
0x15d: {  	(xrf0) =	vadd.scan.msk.s32 $0xffff, v9  }
.Ltmp9:
0x15e: {  	(pc) =	sbr.rel @p0 .LBB2_20-.Ltmp9, $3  }
0x15f: {  	_ =	sdelay $0x1  }
0x160: {  	s21 =	spop (v2sf)  }
0x161: {  	s21 =	sxor.u32 $0x80000000, s21  }
0x162: {  	v9, _, _ =	vpop (xrf0);
	v10 =	vmov s21  }
0x163: {  	v9 =	vadd.s32 v10, v9  }
0x164: {  	vm0 =	vle.s32 v9, v6  }
0x165: {  	v10 =	vxor.u32 $0x80000000, v9;
	v11 =	vsel vm0, $0x1, v0  }
0x166: {  	(xrf0) =	vmax.scan.msk.u32 $0xffff, v10;
	v8 =	vadd.s32 v11, v8  }
0x167: {  	(xrf0) =	vadd.scan.msk.s32 $0xffff, v8;
	_ =	sdelay $0x4  }
0x168: {  	v8, _, _ =	vpop (xrf0)  }
0x169: {  	(v2sf) =	vpush v8, $0xF;
	v8, _, _ =	vpop (xrf0)  }
0x16a: {  	(v2sf) =	vpush v8, $0xF;
	_ =	sdelay $0xd  }
0x16b: {  	s20 =	spop (v2sf)  }
0x16c: {  	s20 =	spop (v2sf)  }
0x16d: {  	s21 =	simm.s32 $0x10040;
	s20 =	sshll.u32 s20, $0x4  }
0x16e: {  	v8 =	vld [tilespmem:s20+$0x10000];
	[tilespmem:s21+$0xFFFFFFC0] =	vst v0  }
0x16f: {  	[tilespmem:s21+$0x30] =	vst v0  }
0x170: {  	[tilespmem:s21+$0x20] =	vst v0  }
0x171: {  	[tilespmem:s21+$0x10] =	vst v0  }
0x172: {  	v9 =	vnsel vm0, $0x0, v9;
	[tilespmem:s21+$0x0] =	vst v0  }
0x173: {  	vm0 =	vgt.s32 v7, v9;
	[tilespmem:s21+$0xFFFFFFF0] =	vst v0  }
0x174: {  	s22 =	simm.s32 $0x0;
	v7 =	vsel vm0, v7, v9;
	[tilespmem:s21+$0xFFFFFFE0] =	vst v0  }
.LBB2_22:
0x175: {  	s22 =	sadd.s32 $0x8, s22;
	[tilespmem:s21+$0xFFFFFFD0] =	vst v0;
	s21 =	sadd.s32 $0x80, s21  }
0x176: {  	[tilespmem:s21+$0xFFFFFFC0] =	vst v0;
	p0 =	slt.u32 s22, $0x78  }
0x177: {  	[tilespmem:s21+$0x30] =	vst v0  }
.Ltmp10:
0x178: {  	[tilespmem:s21+$0x20] =	vst v0;
	(pc) =	sbr.rel @p0 .LBB2_22-.Ltmp10, $4  }
0x179: {  	[tilespmem:s21+$0x10] =	vst v0  }
0x17a: {  	[tilespmem:s21+$0x0] =	vst v0  }
0x17b: {  	[tilespmem:s21+$0xFFFFFFF0] =	vst v0  }
0x17c: {  	[tilespmem:s21+$0xFFFFFFE0] =	vst v0  }
0x17d: {  	v7 =	vxor.u32 $0x80000000, v7  }
0x17e: {  	(xrf0) =	vmax.scan.msk.u32 $0xffff, v7;
	_ =	sdelay $0x5  }
0x17f: {  	v7, _, _ =	vpop (xrf0)  }
0x180: {  	(v2sf) =	vpush v7, $0xF;
	_ =	sdelay $0x9  }
0x181: {  	(xrf0) =	vadd.scan.msk.s32 $0xffff, v8;
	_ =	sdelay $0x4  }
0x182: {  	s22 =	spop (v2sf)  }
0x183: {  	v7, _, _ =	vpop (xrf0);
	s22 =	sxor.u32 $0x80000000, s22  }
0x184: {  	v9 =	vadd.s32 s22, v7  }
0x185: {  	vm0 =	vle.s32 v9, v6  }
0x186: {  	v7 =	vsel vm0, $0x1, v0  }
0x187: {  	(xrf0) =	vadd.scan.msk.s32 $0xffff, v7;
	_ =	sdelay $0x5  }
0x188: {  	v7, _, _ =	vpop (xrf0)  }
0x189: {  	(v2sf) =	vpush v7, $0xF;
	_ =	sdelay $0xa  }
0x18a: {  	[tilespmem:s21+$0xFFFFFFD0] =	vst v0;
	s31 =	simm.s32 $0x40  }
0x18b: {  	v7 =	vld [tilespmem:s31+$0x30]  }
0x18c: {  	v8 =	vld [tilespmem:s31+$0xFFFFFFD0]  }
0x18d: {  	v12 =	vld [tilespmem:s31+$0xFFFFFFF0]  }
0x18e: {  	v11 =	vld [tilespmem:s31+$0xFFFFFFE0];
	s23 =	spop (v2sf)  }
0x18f: {  	v10 =	vshll.u32 v5, $0xB;
	s20 =	sadd.s32 s20, s23  }
0x190: {  	v13 =	vshrl.u32 v7, $0xA;
	v10 =	vor.u32 s20, v10  }
0x191: {  	v14 =	vld [tilespmem:s31+$0x0];
	v15 =	vshrl.u32 v8, $0xA;
	vm2 =	veq.s32 v13, v10  }
0x192: {  	v16 =	vand.u32 $0x3FF, v7;
	v7 =	vshrl.u32 v12, $0xA;
	v13 =	vld [tilespmem:s31+$0x10];
	vm3 =	veq.s32 v15, v10  }
0x193: {  	v18 =	vld [tilespmem:s31+$0x20];
	v17 =	vand.u32 $0x3FF, v8;
	v15 =	vshrl.u32 v11, $0xA;
	vm5 =	veq.s32 v7, v10  }
0x194: {  	v20 =	vand.u32 $0x3FF, v12;
	vm4 =	veq.s32 v15, v10;
	v15 =	vld [tilespmem:s31+$0xFFFFFFC0]  }
0x195: {  	v19 =	vand.u32 $0x3FF, v11  }
0x196: {  	v8 =	vmov s22;
	v11 =	vshrl.u32 v14, $0xA  }
0x197: {  	v7 =	vmov s20;
	vm1 =	veq.s32 v11, v10;
	v12 =	vshrl.u32 v13, $0xA;
	[tilespmem:v16+s15+$0x0] =	vst.idx.add.s32.msk vm2, v1  }
0x198: {  	v11 =	vand.u32 $0x3FF, v14;
	vm2 =	veq.s32 v12, v10;
	v12 =	vand.u32 $0x3FF, v13;
	[tilespmem:v17+s15+$0x0] =	vst.idx.add.s32.msk vm3, v1  }
0x199: {  	v13 =	vshrl.u32 v18, $0xA;
	v63 =	vshrl.u32 v15, $0xA;
	v14 =	vand.u32 $0x3FF, v15;
	[tilespmem:v20+s15+$0x0] =	vst.idx.add.s32.msk vm5, v1  }
0x19a: {  	s21 =	simm.s32 $0xC0;
	s20 =	simm.s32 $0x0;
	[tilespmem:v19+s15+$0x0] =	vst.idx.add.s32.msk vm4, v1;
	vm3 =	veq.s32 v13, v10;
	vm4 =	veq.s32 v63, v10;
	v13 =	vand.u32 $0x3FF, v18  }
.LBB2_24:
0x19b: {  	v15 =	vld [tilespmem:s21+$0x30];
	s20 =	sadd.s32 $0x8, s20  }
0x19c: {  	v16 =	vld [tilespmem:s21+$0xFFFFFFD0];
	p0 =	slt.u32 s20, $0x7F8  }
0x19d: {  	v17 =	vld [tilespmem:s21+$0xFFFFFFE0]  }
0x19e: {  	v18 =	vld [tilespmem:s21+$0xFFFFFFF0]  }
0x19f: {  	v19 =	vld [tilespmem:s21+$0x0]  }
0x1a0: {  	v20 =	vld [tilespmem:s21+$0x10];
	v21 =	vshrl.u32 v15, $0xA  }
0x1a1: {  	v22 =	vshrl.u32 v16, $0xA;
	v16 =	vand.u32 $0x3FF, v16;
	v23 =	vld [tilespmem:s21+$0x20];
	vm5 =	veq.s32 v21, v10  }
0x1a2: {  	v15 =	vand.u32 $0x3FF, v15;
	v21 =	vld [tilespmem:s21+$0xFFFFFFC0];
	vm6 =	veq.s32 v22, v10;
	v22 =	vshrl.u32 v17, $0xA  }
0x1a3: {  	v17 =	vand.u32 $0x3FF, v17;
	vm7 =	veq.s32 v22, v10;
	v22 =	vshrl.u32 v18, $0xA;
	[tilespmem:v14+s15+$0x0] =	vst.idx.add.s32.msk vm4, v1  }
0x1a4: {  	v18 =	vand.u32 $0x3FF, v18;
	vm8 =	veq.s32 v22, v10;
	v14 =	vshrl.u32 v19, $0xA;
	[tilespmem:v11+s15+$0x0] =	vst.idx.add.s32.msk vm1, v1  }
0x1a5: {  	v11 =	vand.u32 $0x3FF, v19;
	vm1 =	veq.s32 v14, v10;
	v14 =	vshrl.u32 v20, $0xA;
	[tilespmem:v12+s15+$0x0] =	vst.idx.add.s32.msk vm2, v1  }
.Ltmp11:
0x1a6: {  	v12 =	vand.u32 $0x3FF, v20;
	vm2 =	veq.s32 v14, v10;
	v19 =	vshrl.u32 v23, $0xA;
	[tilespmem:v13+s15+$0x0] =	vst.idx.add.s32.msk vm3, v1;
	(pc) =	sbr.rel @p0 .LBB2_24-.Ltmp11, $4  }
0x1a7: {  	s23 =	simm.s32 $0x0;
	s22 =	simm.s32 $0x10040;
	v13 =	vshrl.u32 v21, $0xA;
	v14 =	vand.u32 $0x3FF, v21;
	vm3 =	veq.s32 v19, v10;
	[tilespmem:v15+s15+$0x0] =	vst.idx.add.s32.msk vm5, v1  }
0x1a8: {  	vm4 =	veq.s32 v13, v10;
	[tilespmem:v16+s15+$0x0] =	vst.idx.add.s32.msk vm6, v1;
	v13 =	vand.u32 $0x3FF, v23  }
0x1a9: {  	[tilespmem:v17+s15+$0x0] =	vst.idx.add.s32.msk vm7, v1  }
0x1aa: {  	s21 =	sadd.s32 $0x80, s21;
	[tilespmem:v18+s15+$0x0] =	vst.idx.add.s32.msk vm8, v1  }
0x1ab: {  	_ =	sdelay $0x4  }
0x1ac: {  	[tilespmem:v14+s15+$0x0] =	vst.idx.add.s32.msk vm4, v1  }
0x1ad: {  	[tilespmem:v11+s15+$0x0] =	vst.idx.add.s32.msk vm1, v1  }
0x1ae: {  	[tilespmem:v12+s15+$0x0] =	vst.idx.add.s32.msk vm2, v1  }
0x1af: {  	[tilespmem:v13+s15+$0x0] =	vst.idx.add.s32.msk vm3, v1  }
0x1b0: {  	v10 =	vld [tilespmem:s22+$0x30]  }
0x1b1: {  	v11 =	vld [tilespmem:s22+$0xFFFFFFD0]  }
0x1b2: {  	v12 =	vld [tilespmem:s22+$0xFFFFFFE0]  }
0x1b3: {  	v13 =	vld [tilespmem:s22+$0xFFFFFFF0]  }
0x1b4: {  	v15 =	vld [tilespmem:s22+$0x0]  }
0x1b5: {  	v17 =	vld [tilespmem:s22+$0x10];
	(xrf0) =	vadd.scan.msk.s32 $0xffff, v10  }
0x1b6: {  	s20 =	simm.s32 $0x1;
	s21 =	simm.s32 $0x2;
	s28 =	simm.s32 $0x4;
	v18 =	vld [tilespmem:s22+$0x20];
	(xrf0) =	vadd.scan.msk.s32 $0xffff, v11  }
0x1b7: {  	s29 =	simm.s32 $0x7;
	s30 =	simm.s32 $0x5;
	v14 =	vmov s21;
	v20 =	vld [tilespmem:s22+$0xFFFFFFC0];
	v19 =	vmov s28;
	v11 =	vmov s20;
	(xrf0) =	vadd.scan.msk.s32 $0xffff, v12  }
0x1b8: {  	s26 =	simm.s32 $0x3;
	v16 =	vmov s29;
	v21 =	vmov s30;
	v11 =	vand.u32 $0xFFFFFFF9, v11;
	(xrf0) =	vadd.scan.msk.s32 $0xffff, v13  }
0x1b9: {  	v12 =	vmov s26;
	v13 =	vand.u32 $0xFFFFFFFA, v14;
	v14 =	vbroadcast v11, $0x0;
	(xrf0) =	vadd.scan.msk.s32 $0xffff, v15  }
0x1ba: {  	v10 =	vmov s23;
	v11 =	vand.u32 $0xFFFFFFFB, v12;
	v13 =	vbroadcast v13, $0x0;
	(xrf0) =	vadd.scan.msk.s32 $0xffff, v17  }
0x1bb: {  	s31 =	simm.s32 $0x6;
	s21 =	simm.s32 $0x100C0;
	v12 =	vand.u32 $0xFFFFFFFC, v19;
	v19 =	vand.u32 $0xFFFFFFFD, v21;
	v11 =	vbroadcast v11, $0x0;
	(xrf0) =	vadd.scan.msk.s32 $0xffff, v18;
	v18, _, _ =	vpop (xrf0)  }
0x1bc: {  	s22 =	simm.s32 $0x10;
	s20 =	simm.s32 $0x8;
	v15 =	vld [tilespmem:s21+$0x30];
	v12 =	vbroadcast v12, $0x0;
	v17 =	vmov s31;
	v18 =	vbroadcast v18, $0xF;
	(xrf0) =	vadd.scan.msk.s32 $0xffff, v20;
	v20, _, _ =	vpop (xrf0)  }
.LBB2_26:
0x1bd: {  	p0 =	slt.u32 s22, $0x38;
	v21 =	vld [tilespmem:s21+$0xFFFFFFD0];
	v20 =	vbroadcast v20, $0xF;
	v19 =	vbroadcast v19, $0x0;
	v17 =	vand.u32 $0xFFFFFFFE, v17;
	v22, _, _ =	vpop (xrf0)  }
0x1be: {  	v10 =	vand.u32 $0xFFFFFFF8, v10;
	v23 =	vld [tilespmem:s21+$0xFFFFFFE0];
	v22 =	vbroadcast v22, $0xF;
	v17 =	vbroadcast v17, $0x0;
	[tilespmem:v16+s16+$0x0] =	vst.idx.msk $0x1, v18;
	v16, _, _ =	vpop (xrf0)  }
0x1bf: {  	s23 =	sadd.s32 $0x1, s20;
	v24 =	vbroadcast v10, $0x0;
	v18 =	vld [tilespmem:s21+$0xFFFFFFF0];
	[tilespmem:v14+s16+$0x0] =	vst.idx.msk $0x1, v20;
	v27 =	vbroadcast v16, $0xF;
	v16, _, _ =	vpop (xrf0)  }
0x1c0: {  	v10 =	vmov s20;
	v20 =	vmov s23;
	s23 =	sadd.s32 $0x2, s20;
	v25 =	vld [tilespmem:s21+$0x0];
	[tilespmem:v13+s16+$0x0] =	vst.idx.msk $0x1, v22;
	v28 =	vbroadcast v16, $0xF;
	v16, _, _ =	vpop (xrf0)  }
0x1c1: {  	v22 =	vmov s23;
	s23 =	sadd.s32 $0x3, s20;
	v26 =	vld [tilespmem:s21+$0x10];
	(xrf0) =	vadd.scan.msk.s32 $0xffff, v15;
	[tilespmem:v11+s16+$0x0] =	vst.idx.msk $0x1, v27;
	v11 =	vbroadcast v16, $0xF;
	v14, _, _ =	vpop (xrf0)  }
0x1c2: {  	v15 =	vmov s23;
	s23 =	sadd.s32 $0x4, s20;
	v27 =	vld [tilespmem:s21+$0x20];
	(xrf0) =	vadd.scan.msk.s32 $0xffff, v21;
	[tilespmem:v12+s16+$0x0] =	vst.idx.msk $0x1, v28;
	v12 =	vbroadcast v14, $0xF;
	v13, _, _ =	vpop (xrf0)  }
0x1c3: {  	v28 =	vmov s23;
	v21 =	vld [tilespmem:s21+$0xFFFFFFC0];
	(xrf0) =	vadd.scan.msk.s32 $0xffff, v23;
	v13 =	vbroadcast v13, $0xF;
	[tilespmem:v19+s16+$0x0] =	vst.idx.msk $0x1, v11  }
.Ltmp12:
0x1c4: {  	s23 =	sadd.s32 $0x7, s20;
	v11 =	vand.u32 $0xFFFFFFF9, v20;
	v19 =	vand.u32 $0xFFFFFFFA, v22;
	(xrf0) =	vadd.scan.msk.s32 $0xffff, v18;
	[tilespmem:v17+s16+$0x0] =	vst.idx.msk $0x1, v12;
	(pc) =	sbr.rel @p0 .LBB2_26-.Ltmp12, $4  }
0x1c5: {  	s24 =	sadd.s32 $0x5, s20;
	v16 =	vmov s23;
	v14 =	vbroadcast v11, $0x0;
	(xrf0) =	vadd.scan.msk.s32 $0xffff, v25;
	[tilespmem:v24+s16+$0x0] =	vst.idx.msk $0x1, v13  }
0x1c6: {  	s23 =	sadd.s32 $0x6, s20;
	s20 =	smov.u32 s22;
	v11 =	vand.u32 $0xFFFFFFFB, v15;
	v18 =	vmov s24;
	v13 =	vbroadcast v19, $0x0;
	(xrf0) =	vadd.scan.msk.s32 $0xffff, v26  }
0x1c7: {  	s21 =	sadd.s32 $0x80, s21;
	v12 =	vand.u32 $0xFFFFFFFC, v28;
	v17 =	vmov s23;
	v11 =	vbroadcast v11, $0x0;
	(xrf0) =	vadd.scan.msk.s32 $0xffff, v27;
	v20, _, _ =	vpop (xrf0)  }
0x1c8: {  	s22 =	sadd.s32 $0x8, s22;
	v12 =	vbroadcast v12, $0x0;
	v19 =	vand.u32 $0xFFFFFFFD, v18;
	v15 =	vld [tilespmem:s21+$0x30];
	v18 =	vbroadcast v20, $0xF;
	(xrf0) =	vadd.scan.msk.s32 $0xffff, v21;
	v20, _, _ =	vpop (xrf0)  }
0x1c9: {  	_ =	sdelay $0x1  }
0x1ca: {  	v21 =	vld [tilespmem:s21+$0xFFFFFFD0];
	v20 =	vbroadcast v20, $0xF;
	v22, _, _ =	vpop (xrf0);
	v19 =	vbroadcast v19, $0x0  }
0x1cb: {  	v17 =	vand.u32 $0xFFFFFFFE, v17;
	v23 =	vld [tilespmem:s21+$0xFFFFFFE0];
	v10 =	vand.u32 $0xFFFFFFF8, v10;
	v22 =	vbroadcast v22, $0xF  }
0x1cc: {  	s22 =	sadd.s32 $0x1, s20;
	v48 =	vld [tilespmem:s21+$0xFFFFFFF0];
	s29 =	sadd.s32 $0x2, s20;
	v52 =	vmov s20;
	[tilespmem:v16+s16+$0x0] =	vst.idx.msk $0x1, v18;
	v47, _, _ =	vpop (xrf0);
	v17 =	vbroadcast v17, $0x0;
	v10 =	vbroadcast v10, $0x0  }
0x1cd: {  	v24 =	vld [tilespmem:s21+$0x0];
	s31 =	sadd.s32 $0x4, s20;
	v50 =	vmov s22;
	v25 =	vmov s29;
	[tilespmem:v14+s16+$0x0] =	vst.idx.msk $0x1, v20;
	v14 =	vbroadcast v47, $0xF;
	v49, _, _ =	vpop (xrf0)  }
0x1ce: {  	v26 =	vld [tilespmem:s21+$0x10];
	s24 =	sadd.s32 $0x5, s20;
	v54 =	vmov s31;
	[tilespmem:v13+s16+$0x0] =	vst.idx.msk $0x1, v22;
	v13 =	vbroadcast v49, $0xF;
	v51, _, _ =	vpop (xrf0);
	(xrf0) =	vadd.scan.msk.s32 $0xffff, v15  }
0x1cf: {  	v53 =	vld [tilespmem:s21+$0x20];
	v57 =	vmov s24;
	[tilespmem:v11+s16+$0x0] =	vst.idx.msk $0x1, v14;
	v11, _, _ =	vpop (xrf0);
	v14 =	vbroadcast v51, $0xF;
	(xrf0) =	vadd.scan.msk.s32 $0xffff, v21  }
0x1d0: {  	s30 =	sadd.s32 $0x3, s20;
	v55 =	vand.u32 $0xFFFFFFFA, v25;
	[tilespmem:v12+s16+$0x0] =	vst.idx.msk $0x1, v13;
	v12, _, _ =	vpop (xrf0);
	v11 =	vbroadcast v11, $0xF;
	v13 =	vld [tilespmem:s21+$0xFFFFFFC0];
	(xrf0) =	vadd.scan.msk.s32 $0xffff, v23  }
0x1d1: {  	s23 =	sadd.s32 $0x7, s20;
	v15 =	vmov s30;
	[tilespmem:v19+s16+$0x0] =	vst.idx.msk $0x1, v14;
	v14 =	vand.u32 $0xFFFFFFF9, v50;
	(xrf0) =	vadd.scan.msk.s32 $0xffff, v48  }
0x1d2: {  	s25 =	sadd.s32 $0x6, s20;
	[tilespmem:v17+s16+$0x0] =	vst.idx.msk $0x1, v11;
	v11 =	vbroadcast v14, $0x0;
	v14 =	vmov s23;
	(xrf0) =	vadd.scan.msk.s32 $0xffff, v24  }
0x1d3: {  	v59 =	vmov s25;
	v56 =	vbroadcast v55, $0x0;
	v15 =	vand.u32 $0xFFFFFFFB, v15;
	(xrf0) =	vadd.scan.msk.s32 $0xffff, v26  }
0x1d4: {  	v58 =	vand.u32 $0xFFFFFFFC, v54;
	v12 =	vbroadcast v12, $0xF;
	v15 =	vbroadcast v15, $0x0;
	(xrf0) =	vadd.scan.msk.s32 $0xffff, v53;
	v60, _, _ =	vpop (xrf0)  }
0x1d5: {  	v18 =	vand.u32 $0xFFFFFFFD, v57;
	v19 =	vbroadcast v58, $0x0;
	v16 =	vbroadcast v60, $0xF;
	(xrf0) =	vadd.scan.msk.s32 $0xffff, v13;
	v13, _, _ =	vpop (xrf0)  }
0x1d6: {  	[tilespmem:v10+s16+$0x0] =	vst.idx.msk $0x1, v12;
	v12 =	vbroadcast v18, $0x0;
	v10 =	vbroadcast v13, $0xF;
	v13 =	vand.u32 $0xFFFFFFFE, v59;
	v61, _, _ =	vpop (xrf0)  }
0x1d7: {  	v62 =	vand.u32 $0xFFFFFFF8, v52;
	v18 =	vbroadcast v61, $0xF;
	v13 =	vbroadcast v13, $0x0;
	[tilespmem:v14+s16+$0x0] =	vst.idx.msk $0x1, v16;
	v14, _, _ =	vpop (xrf0)  }
0x1d8: {  	v63 =	vbroadcast v62, $0x0;
	[tilespmem:v11+s16+$0x0] =	vst.idx.msk $0x1, v10;
	v10 =	vbroadcast v14, $0xF;
	v11, _, _ =	vpop (xrf0)  }
0x1d9: {  	[tilespmem:v56+s16+$0x0] =	vst.idx.msk $0x1, v18;
	v11 =	vbroadcast v11, $0xF;
	v14, _, _ =	vpop (xrf0)  }
0x1da: {  	[tilespmem:v15+s16+$0x0] =	vst.idx.msk $0x1, v10;
	v10 =	vbroadcast v14, $0xF;
	v14, _, _ =	vpop (xrf0)  }
0x1db: {  	[tilespmem:v19+s16+$0x0] =	vst.idx.msk $0x1, v11;
	v11 =	vbroadcast v14, $0xF;
	v14, _, _ =	vpop (xrf0)  }
0x1dc: {  	v14 =	vbroadcast v14, $0xF;
	[tilespmem:v12+s16+$0x0] =	vst.idx.msk $0x1, v10  }
0x1dd: {  	[tilespmem:v13+s16+$0x0] =	vst.idx.msk $0x1, v11  }
0x1de: {  	[tilespmem:v63+s16+$0x0] =	vst.idx.msk $0x1, v14  }
0x1df: {  	v10 =	vld [tilespmem:$0x10800];
	_ =	sdelay $0x1  }
0x1e0: {  	v9 =	vxor.u32 $0x80000000, v9  }
0x1e1: {  	v9 =	vnsel vm0, $0x80000000, v9  }
0x1e2: {  	(xrf0) =	vmax.scan.msk.u32 $0xffff, v9  }
0x1e3: {  	(xrf0) =	vadd.scan.msk.s32 $0xffff, v10;
	_ =	sdelay $0x4  }
0x1e4: {  	v10, _, _ =	vpop (xrf0)  }
0x1e5: {  	v9, _, _ =	vpop (xrf0)  }
0x1e6: {  	v11 =	vxor.u32 $0x80000000, v9  }
0x1e7: {  	(xrf0) =	vmax.scan.msk.u32 $0xffff, v11;
	_ =	sdelay $0x5  }
0x1e8: {  	(v2sf) =	vpush v10, $0xF;
	v10, _, _ =	vpop (xrf0)  }
0x1e9: {  	(v2sf) =	vpush v10, $0xF;
	_ =	sdelay $0x4  }
0x1ea: {  	v10 =	vld [tilespmem:$0x10810];
	_ =	sdelay $0x4  }
0x1eb: {  	(xrf0) =	vadd.scan.msk.s32 $0xffff, v10;
	_ =	sdelay $0x3  }
0x1ec: {  	s26 =	spop (v2sf)  }
0x1ed: {  	s28 =	spop (v2sf)  }
0x1ee: {  	v10, _, _ =	vpop (xrf0);
	s21 =	sxor.u32 $0x80000000, s28  }
0x1ef: {  	v10 =	vadd.s32 s21, v10  }
0x1f0: {  	v11 =	vxor.u32 $0x80000000, v10  }
0x1f1: {  	(xrf0) =	vmax.scan.msk.u32 $0xffff, v11;
	_ =	sdelay $0x5  }
0x1f2: {  	v11, _, _ =	vpop (xrf0)  }
0x1f3: {  	(v2sf) =	vpush v11, $0xF;
	_ =	sdelay $0x4  }
0x1f4: {  	v11 =	vld [tilespmem:$0x10820];
	_ =	sdelay $0x4  }
0x1f5: {  	(xrf0) =	vadd.scan.msk.s32 $0xffff, v11;
	_ =	sdelay $0x4  }
0x1f6: {  	s29 =	spop (v2sf)  }
0x1f7: {  	v11, _, _ =	vpop (xrf0);
	s21 =	sxor.u32 $0x80000000, s29  }
0x1f8: {  	v11 =	vadd.s32 s21, v11  }
0x1f9: {  	v12 =	vxor.u32 $0x80000000, v11  }
0x1fa: {  	(xrf0) =	vmax.scan.msk.u32 $0xffff, v12;
	_ =	sdelay $0x5  }
0x1fb: {  	v12, _, _ =	vpop (xrf0)  }
0x1fc: {  	(v2sf) =	vpush v12, $0xF;
	_ =	sdelay $0x4  }
0x1fd: {  	v12 =	vld [tilespmem:$0x10830];
	_ =	sdelay $0x3  }
0x1fe: {  	s20 =	sxor.u32 $0x80000000, s26  }
0x1ff: {  	vm0 =	vgt.s32 v8, s20;
	(xrf0) =	vadd.scan.msk.s32 $0xffff, v12  }
0x200: {  	v8 =	vnsel vm0, s20, v8  }
0x201: {  	v8 =	vbroadcast v8, $0x0;
	_ =	sdelay $0x1  }
0x202: {  	v6 =	vsub.s32 v6, v8  }
0x203: {  	vm1 =	vle.s32 v10, v6;
	s30 =	spop (v2sf)  }
0x204: {  	vm0 =	vle.s32 v9, v6;
	v13 =	vsel vm1, $0x1, v0;
	v8, _, _ =	vpop (xrf0);
	s20 =	sxor.u32 $0x80000000, s30  }
0x205: {  	vm2 =	vle.s32 v11, v6;
	v12 =	vsel vm0, $0x1, v0;
	v8 =	vadd.s32 s20, v8  }
0x206: {  	v12 =	vadd.s32 v13, v12;
	v13 =	vsel vm2, $0x1, v0;
	vm3 =	vle.s32 v8, v6  }
0x207: {  	v12 =	vadd.s32 v13, v12;
	v13 =	vsel vm3, $0x1, v0  }
0x208: {  	v12 =	vadd.s32 v13, v12  }
0x209: {  	(xrf0) =	vadd.scan.msk.s32 $0xffff, v12;
	_ =	sdelay $0x5  }
0x20a: {  	v12, _, _ =	vpop (xrf0)  }
0x20b: {  	(v2sf) =	vpush v12, $0xF;
	_ =	sdelay $0xe  }
0x20c: {  	s31 =	spop (v2sf)  }
0x20d: {  	s20 =	simm.s32 $0x10040;
	s21 =	sshll.u32 s31, $0x4  }
0x20e: {  	v12 =	vld [tilespmem:s21+$0x10000];
	[tilespmem:s20+$0xFFFFFFC0] =	vst v0  }
0x20f: {  	[tilespmem:s20+$0x30] =	vst v0  }
0x210: {  	[tilespmem:s20+$0x20] =	vst v0  }
0x211: {  	[tilespmem:s20+$0x10] =	vst v0  }
0x212: {  	[tilespmem:s20+$0x0] =	vst v0  }
0x213: {  	[tilespmem:s20+$0xFFFFFFF0] =	vst v0  }
0x214: {  	s22 =	simm.s32 $0x0;
	[tilespmem:s20+$0xFFFFFFE0] =	vst v0  }
.LBB2_28:
0x215: {  	s22 =	sadd.s32 $0x8, s22;
	[tilespmem:s20+$0xFFFFFFD0] =	vst v0;
	s20 =	sadd.s32 $0x80, s20  }
0x216: {  	[tilespmem:s20+$0xFFFFFFC0] =	vst v0;
	p0 =	slt.u32 s22, $0x38  }
0x217: {  	[tilespmem:s20+$0x30] =	vst v0  }
.Ltmp13:
0x218: {  	[tilespmem:s20+$0x20] =	vst v0;
	(pc) =	sbr.rel @p0 .LBB2_28-.Ltmp13, $4  }
0x219: {  	[tilespmem:s20+$0x10] =	vst v0  }
0x21a: {  	[tilespmem:s20+$0x0] =	vst v0  }
0x21b: {  	[tilespmem:s20+$0xFFFFFFF0] =	vst v0  }
0x21c: {  	[tilespmem:s20+$0xFFFFFFE0] =	vst v0  }
0x21d: {  	vm4 =	vgt.s32 v9, $0x0  }
0x21e: {  	v9 =	vnsel vm4, $0x0, v9  }
0x21f: {  	v9 =	vnsel vm0, $0x0, v9  }
0x220: {  	vm0 =	vgt.s32 v9, v10  }
0x221: {  	v10 =	vsel vm0, v9, v10  }
0x222: {  	v9 =	vsel vm1, v10, v9  }
0x223: {  	vm0 =	vgt.s32 v9, v11  }
0x224: {  	v10 =	vsel vm0, v9, v11  }
0x225: {  	v9 =	vsel vm2, v10, v9  }
0x226: {  	vm0 =	vgt.s32 v9, v8  }
0x227: {  	v8 =	vsel vm0, v9, v8  }
0x228: {  	v8 =	vsel vm3, v8, v9  }
0x229: {  	v8 =	vxor.u32 $0x80000000, v8  }
0x22a: {  	(xrf0) =	vmax.scan.msk.u32 $0xffff, v8;
	_ =	sdelay $0x5  }
0x22b: {  	v8, _, _ =	vpop (xrf0)  }
0x22c: {  	(v2sf) =	vpush v8, $0xF;
	_ =	sdelay $0x9  }
0x22d: {  	(xrf0) =	vadd.scan.msk.s32 $0xffff, v12;
	_ =	sdelay $0x4  }
0x22e: {  	s22 =	spop (v2sf)  }
0x22f: {  	v8, _, _ =	vpop (xrf0);
	s22 =	sxor.u32 $0x80000000, s22  }
0x230: {  	v8 =	vadd.s32 s22, v8  }
0x231: {  	vm0 =	vle.s32 v8, v6  }
0x232: {  	v6 =	vsel vm0, $0x1, v0  }
0x233: {  	(xrf0) =	vadd.scan.msk.s32 $0xffff, v6;
	_ =	sdelay $0x5  }
0x234: {  	v6, _, _ =	vpop (xrf0)  }
0x235: {  	(v2sf) =	vpush v6, $0xF;
	_ =	sdelay $0xe  }
0x236: {  	s31 =	spop (v2sf)  }
0x237: {  	v6 =	vshll.u32 v7, $0xA;
	s21 =	sadd.s32 s21, s31  }
0x238: {  	v6 =	vor.u32 s21, v6  }
0x239: {  	v6 =	vbroadcast v6, $0x0  }
0x23a: {  	v5 =	vshll.u32 v5, $0x15  }
0x23b: {  	v5 =	vor.u32 v5, v6  }
0x23c: {  	vm0 =	vgt.s32 v5, $0xFFFFFFFF  }
0x23d: {  	v6 =	vsel vm0, $0xFFFFFFFF, v2  }
0x23e: {  	vm0 =	vgt.s32 v4, $0x7FFF;
	v4 =	vxor.u32 v5, v6  }
0x23f: {  	[tilespmem:s20+$0xFFFFFFD0] =	vst v0;
	v4 =	vsel vm0, $0x7FC00000, v4  }
0x240: {  	[tilespmem:$0x10900] =	vst v4  }
0x241: {  	[hbm4b:s6+s3] =	stream.linear.scatter [tilespmem:s17], [sflag:$0x3], $0x80, $0x38;
	[tilespmem:$0x10980] =	vst v63  }
0x242: {  	_ =	swait.ge [sflag:s10], $0x80  }
0x243: {  	[sflag:s10] =	ssyncset.done $0x0  }
0x244: {  	[sflag:s10] =	ssyncadd.s32 $0xFFFFFF80  }
0x245: {  	_ =	swait.ge [sflag:s18], $0x8000  }
0x246: {  	[sflag:s18] =	ssyncset.done $0x0  }
0x247: {  	s20 =	simm.s32 $0x8040;
	[sflag:s18] =	ssyncadd.s32 $0xFFFF8000  }
0x248: {  	v4 =	vld [tilespmem:s20+$0xFFFFFFC0];
	_ =	sdelay $0x1  }
0x249: {  	v5 =	vld [tilespmem:s20+$0x30];
	_ =	sdelay $0x1  }
0x24a: {  	v6 =	vld [tilespmem:s20+$0xFFFFFFF0]  }
0x24b: {  	v7 =	vld [tilespmem:s20+$0x20];
	v8 =	vshra.s32 v4, $0x1F  }
0x24c: {  	v9 =	vld [tilespmem:s20+$0xFFFFFFD0];
	v8 =	vor.u32 $0x80000000, v8  }
0x24d: {  	v11 =	vld [tilespmem:s20+$0x0];
	v10 =	vshra.s32 v5, $0x1F;
	v4 =	vxor.u32 v4, v8  }
0x24e: {  	v8 =	vor.u32 $0x80000000, v10;
	v10 =	vld [tilespmem:s20+$0x10];
	v12 =	vshrl.u32 v4, $0x15  }
0x24f: {  	s21 =	simm.s32 $0x80C0;
	v13 =	vld [tilespmem:s20+$0xFFFFFFE0];
	v8 =	vxor.u32 v5, v8;
	v5 =	vshra.s32 v6, $0x1F  }
0x250: {  	v15 =	vld [tilespmem:s21+$0x30];
	v14 =	vshrl.u32 v8, $0x15;
	v5 =	vor.u32 $0x80000000, v5  }
0x251: {  	v18 =	vld [tilespmem:s21+$0xFFFFFFC0];
	v16 =	vshra.s32 v7, $0x1F;
	v17 =	vxor.u32 v6, v5  }
0x252: {  	v19 =	vld [tilespmem:s21+$0x20];
	v5 =	vor.u32 $0x80000000, v16;
	v6 =	vshra.s32 v11, $0x1F;
	v16 =	vshrl.u32 v17, $0x15  }
0x253: {  	v7 =	vxor.u32 v7, v5;
	v5 =	vor.u32 $0x80000000, v6;
	[tilespmem:v12+s15+$0x0] =	vst.idx.add.s32.msk $0xffff, v1;
	v12 =	vshra.s32 v10, $0x1F  }
0x254: {  	v21 =	vld [tilespmem:s21+$0xFFFFFFF0];
	v20 =	vshrl.u32 v7, $0x15;
	v6 =	vxor.u32 v11, v5;
	[tilespmem:s20+$0xFFFFFFC0] =	vst v4;
	v4 =	vor.u32 $0x80000000, v12  }
0x255: {  	v11 =	vshrl.u32 v6, $0x15;
	[tilespmem:v14+s15+$0x0] =	vst.idx.add.s32.msk $0xffff, v1;
	v12 =	vxor.u32 v10, v4  }
0x256: {  	v5 =	vld [tilespmem:s21+$0xFFFFFFD0];
	v10 =	vshra.s32 v9, $0x1F;
	[tilespmem:s20+$0x30] =	vst v8;
	v14 =	vshrl.u32 v12, $0x15  }
0x257: {  	v8 =	vshra.s32 v13, $0x1F;
	v10 =	vor.u32 $0x80000000, v10;
	[tilespmem:v16+s15+$0x0] =	vst.idx.add.s32.msk $0xffff, v1  }
0x258: {  	v4 =	vld [tilespmem:s21+$0xFFFFFFE0];
	v8 =	vor.u32 $0x80000000, v8;
	v10 =	vxor.u32 v9, v10;
	[tilespmem:s20+$0xFFFFFFF0] =	vst v17  }
0x259: {  	v9 =	vxor.u32 v13, v8;
	[tilespmem:v20+s15+$0x0] =	vst.idx.add.s32.msk $0xffff, v1;
	v16 =	vshrl.u32 v10, $0x15  }
0x25a: {  	v8 =	vshra.s32 v15, $0x1F;
	v63 =	vshrl.u32 v9, $0x15;
	[tilespmem:v11+s15+$0x0] =	vst.idx.add.s32.msk $0xffff, v1  }
0x25b: {  	v13 =	vshra.s32 v18, $0x1F;
	v17 =	vshra.s32 v21, $0x1F;
	v8 =	vor.u32 $0x80000000, v8;
	[tilespmem:v14+s15+$0x0] =	vst.idx.add.s32.msk $0xffff, v1  }
0x25c: {  	v13 =	vor.u32 $0x80000000, v13;
	[tilespmem:s20+$0x20] =	vst v7;
	v8 =	vxor.u32 v15, v8;
	v15 =	vshra.s32 v19, $0x1F;
	v14 =	vld [tilespmem:s21+$0x0]  }
0x25d: {  	v11 =	vshrl.u32 v8, $0x15;
	v7 =	vor.u32 $0x80000000, v15;
	v15 =	vxor.u32 v18, v13;
	v13 =	vld [tilespmem:s21+$0x10];
	[tilespmem:s20+$0x10] =	vst v12  }
0x25e: {  	v18 =	vor.u32 $0x80000000, v17;
	v17 =	vshrl.u32 v15, $0x15;
	v12 =	vshra.s32 v4, $0x1F;
	[tilespmem:v16+s15+$0x0] =	vst.idx.add.s32.msk $0xffff, v1  }
0x25f: {  	s23 =	simm.s32 $0x8140;
	s22 =	simm.s32 $0x8;
	v7 =	vxor.u32 v19, v7;
	v16 =	vor.u32 $0x80000000, v12;
	v12 =	vxor.u32 v21, v18;
	[tilespmem:v63+s15+$0x0] =	vst.idx.add.s32.msk $0xffff, v1  }
.LBB2_30:
0x260: {  	v18 =	vld [tilespmem:s23+$0x30];
	s22 =	sadd.s32 $0x8, s22;
	v19 =	vshrl.u32 v12, $0x15;
	[tilespmem:s20+$0x0] =	vst v6  }
0x261: {  	v20 =	vld [tilespmem:s23+$0xFFFFFFC0];
	p0 =	slt.u32 s22, $0x7F8;
	v6 =	vshra.s32 v14, $0x1F;
	[tilespmem:s20+$0xFFFFFFD0] =	vst v10  }
0x262: {  	v22 =	vshrl.u32 v7, $0x15;
	v21 =	vld [tilespmem:s23+$0x20];
	v6 =	vor.u32 $0x80000000, v6;
	[tilespmem:s20+$0xFFFFFFE0] =	vst v9;
	s20 =	smov.u32 s21;
	s21 =	smov.u32 s23  }
0x263: {  	v9 =	vshra.s32 v13, $0x1F;
	[tilespmem:v17+s15+$0x0] =	vst.idx.add.s32.msk $0xffff, v1;
	v6 =	vxor.u32 v14, v6  }
0x264: {  	v10 =	vshra.s32 v5, $0x1F;
	v17 =	vor.u32 $0x80000000, v9;
	v14 =	vld [tilespmem:s23+$0xFFFFFFD0];
	[tilespmem:s20+$0xFFFFFFC0] =	vst v15;
	v15 =	vshrl.u32 v6, $0x15  }
0x265: {  	v10 =	vor.u32 $0x80000000, v10;
	v9 =	vxor.u32 v4, v16;
	v16 =	vxor.u32 v13, v17;
	[tilespmem:v11+s15+$0x0] =	vst.idx.add.s32.msk $0xffff, v1  }
0x266: {  	v10 =	vxor.u32 v5, v10;
	v23 =	vshrl.u32 v9, $0x15;
	v13 =	vshrl.u32 v16, $0x15;
	v4 =	vld [tilespmem:s23+$0xFFFFFFE0];
	[tilespmem:s20+$0x30] =	vst v8  }
0x267: {  	v24 =	vshrl.u32 v10, $0x15;
	[tilespmem:v19+s15+$0x0] =	vst.idx.add.s32.msk $0xffff, v1  }
0x268: {  	v11 =	vshra.s32 v18, $0x1F;
	v19 =	vld [tilespmem:s23+$0xFFFFFFF0];
	[tilespmem:s20+$0xFFFFFFF0] =	vst v12  }
0x269: {  	v8 =	vor.u32 $0x80000000, v11;
	[tilespmem:v22+s15+$0x0] =	vst.idx.add.s32.msk $0xffff, v1;
	v5 =	vmov v14  }
0x26a: {  	v8 =	vxor.u32 v18, v8;
	v12 =	vshra.s32 v20, $0x1F;
	[tilespmem:v15+s15+$0x0] =	vst.idx.add.s32.msk $0xffff, v1  }
.Ltmp14:
0x26b: {  	v11 =	vshrl.u32 v8, $0x15;
	v15 =	vshra.s32 v21, $0x1F;
	[tilespmem:v13+s15+$0x0] =	vst.idx.add.s32.msk $0xffff, v1;
	(pc) =	sbr.rel @p0 .LBB2_30-.Ltmp14, $4  }
0x26c: {  	v12 =	vor.u32 $0x80000000, v12;
	v17 =	vor.u32 $0x80000000, v15;
	v14 =	vld [tilespmem:s23+$0x0];
	[tilespmem:s20+$0x20] =	vst v7  }
0x26d: {  	v15 =	vxor.u32 v20, v12;
	v7 =	vxor.u32 v21, v17;
	v12 =	vshra.s32 v19, $0x1F;
	v13 =	vld [tilespmem:s23+$0x10];
	[tilespmem:s20+$0x10] =	vst v16  }
0x26e: {  	v17 =	vshrl.u32 v15, $0x15;
	v16 =	vshra.s32 v4, $0x1F;
	v12 =	vor.u32 $0x80000000, v12;
	[tilespmem:v24+s15+$0x0] =	vst.idx.add.s32.msk $0xffff, v1  }
0x26f: {  	s23 =	sadd.s32 $0x80, s23;
	v16 =	vor.u32 $0x80000000, v16;
	v12 =	vxor.u32 v19, v12;
	[tilespmem:v23+s15+$0x0] =	vst.idx.add.s32.msk $0xffff, v1  }
0x270: {  	_ = 	snop  }
0x271: {  	[tilespmem:s20+$0x0] =	vst v6  }
0x272: {  	[tilespmem:s20+$0xFFFFFFD0] =	vst v10  }
0x273: {  	v6 =	vshrl.u32 v12, $0x15;
	[tilespmem:s20+$0xFFFFFFE0] =	vst v9  }
0x274: {  	[tilespmem:v17+s15+$0x0] =	vst.idx.add.s32.msk $0xffff, v1;
	v60 =	vshrl.u32 v7, $0x15  }
0x275: {  	[tilespmem:v11+s15+$0x0] =	vst.idx.add.s32.msk $0xffff, v1  }
0x276: {  	v4 =	vxor.u32 v4, v16;
	v57 =	vshra.s32 v14, $0x1F;
	[tilespmem:s21+$0xFFFFFFC0] =	vst v15  }
0x277: {  	[tilespmem:s21+$0x30] =	vst v8;
	v63 =	vshrl.u32 v4, $0x15;
	v58 =	vor.u32 $0x80000000, v57;
	v59 =	vshra.s32 v13, $0x1F  }
0x278: {  	v61 =	vshra.s32 v5, $0x1F;
	v9 =	vxor.u32 v14, v58;
	v10 =	vor.u32 $0x80000000, v59;
	[tilespmem:v6+s15+$0x0] =	vst.idx.add.s32.msk $0xffff, v1  }
0x279: {  	v62 =	vor.u32 $0x80000000, v61;
	v14 =	vshrl.u32 v9, $0x15;
	v10 =	vxor.u32 v13, v10;
	[tilespmem:v60+s15+$0x0] =	vst.idx.add.s32.msk $0xffff, v1  }
0x27a: {  	v5 =	vxor.u32 v5, v62;
	v13 =	vshrl.u32 v10, $0x15;
	[tilespmem:s21+$0xFFFFFFF0] =	vst v12  }
0x27b: {  	v6 =	vshrl.u32 v5, $0x15;
	[tilespmem:s21+$0x20] =	vst v7  }
0x27c: {  	[tilespmem:v63+s15+$0x0] =	vst.idx.add.s32.msk $0xffff, v1  }
0x27d: {  	[tilespmem:s21+$0xFFFFFFE0] =	vst v4  }
0x27e: {  	[tilespmem:v14+s15+$0x0] =	vst.idx.add.s32.msk $0xffff, v1  }
0x27f: {  	p1 =	por $0x1, $0x1;
	[tilespmem:v13+s15+$0x0] =	vst.idx.add.s32.msk $0xffff, v1  }
.Ltmp15:
0x280: {  	[tilespmem:v6+s15+$0x0] =	vst.idx.add.s32.msk $0xffff, v1;
	(pc) =	sbr.rel @!p1 .LBB2_32-.Ltmp15, $4  }
0x281: {  	[tilespmem:s21+$0x0] =	vst v9  }
0x282: {  	[tilespmem:s21+$0x10] =	vst v10  }
0x283: {  	s20 =	simm.s32 $0x10040;
	[tilespmem:s21+$0xFFFFFFD0] =	vst v5  }
0x284: {  	s22 =	simm.s32 $0x0;
	p0 =	por $0x0, $0x0;
	s21 =	simm.s32 $0x8;
	v5 =	vld [tilespmem:s20+$0x30]  }
0x285: {  	v4 =	vld [tilespmem:s20+$0xFFFFFFD0]  }
0x286: {  	v6 =	vld [tilespmem:s20+$0xFFFFFFE0]  }
0x287: {  	v7 =	vld [tilespmem:s20+$0xFFFFFFF0]  }
0x288: {  	v9 =	vld [tilespmem:s20+$0x0]  }
0x289: {  	v11 =	vld [tilespmem:s20+$0x10];
	s23 =	simm.s32 $0x1;
	(xrf0) =	vadd.scan.msk.s32 $0xffff, v5  }
0x28a: {  	s24 =	simm.s32 $0x2;
	v8 =	vmov s23;
	v5 =	vld [tilespmem:s20+$0x20];
	(xrf0) =	vadd.scan.msk.s32 $0xffff, v4  }
0x28b: {  	s28 =	simm.s32 $0x4;
	v14 =	vld [tilespmem:s20+$0xFFFFFFC0];
	s30 =	simm.s32 $0x5;
	p2 =	por $0x1, $0x1;
	v10 =	vmov s24;
	v8 =	vand.u32 $0xFFFFFFF9, v8;
	(xrf0) =	vadd.scan.msk.s32 $0xffff, v6  }
.Ltmp16:
0x28c: {  	s26 =	simm.s32 $0x3;
	s29 =	simm.s32 $0x7;
	v12 =	vmov s28;
	v13 =	vmov s30;
	v8 =	vbroadcast v8, $0x0;
	(xrf0) =	vadd.scan.msk.s32 $0xffff, v7;
	(pc) =	sbr.rel @!p2 .LBB2_34-.Ltmp16, $4  }
0x28d: {  	v6 =	vmov s26;
	v7 =	vand.u32 $0xFFFFFFFA, v10;
	v10 =	vmov s29;
	(xrf0) =	vadd.scan.msk.s32 $0xffff, v9  }
0x28e: {  	v13 =	vand.u32 $0xFFFFFFFD, v13;
	v6 =	vand.u32 $0xFFFFFFFB, v6;
	v7 =	vbroadcast v7, $0x0;
	(xrf0) =	vadd.scan.msk.s32 $0xffff, v11  }
0x28f: {  	s31 =	simm.s32 $0x6;
	s20 =	simm.s32 $0x100C0;
	v4 =	vmov s22;
	v6 =	vbroadcast v6, $0x0;
	v9 =	vand.u32 $0xFFFFFFFC, v12;
	(xrf0) =	vadd.scan.msk.s32 $0xffff, v5;
	v12, _, _ =	vpop (xrf0)  }
0x290: {  	p1 =	por $0x1, $0x1;
	s22 =	simm.s32 $0x10;
	v11 =	vmov s31;
	v9 =	vbroadcast v9, $0x0;
	v5 =	vld [tilespmem:s20+$0x30];
	v12 =	vbroadcast v12, $0xF;
	(xrf0) =	vadd.scan.msk.s32 $0xffff, v14;
	v14, _, _ =	vpop (xrf0)  }
.LBB2_35:
0x291: {  	p2 =	slt.u32 s22, $0x78;
	v15 =	vld [tilespmem:s20+$0xFFFFFFD0];
	v14 =	vbroadcast v14, $0xF;
	v13 =	vbroadcast v13, $0x0;
	v11 =	vand.u32 $0xFFFFFFFE, v11;
	v16, _, _ =	vpop (xrf0)  }
0x292: {  	v4 =	vand.u32 $0xFFFFFFF8, v4;
	v17 =	vld [tilespmem:s20+$0xFFFFFFE0];
	v16 =	vbroadcast v16, $0xF;
	v11 =	vbroadcast v11, $0x0;
	[tilespmem:v10+s16+$0x0] =	vst.idx.msk $0x1, v12;
	v10, _, _ =	vpop (xrf0)  }
0x293: {  	s23 =	sadd.s32 $0x1, s21;
	v18 =	vbroadcast v4, $0x0;
	v12 =	vld [tilespmem:s20+$0xFFFFFFF0];
	[tilespmem:v8+s16+$0x0] =	vst.idx.msk $0x1, v14;
	v8 =	vbroadcast v10, $0xF;
	v10, _, _ =	vpop (xrf0)  }
0x294: {  	v4 =	vmov s21;
	v14 =	vmov s23;
	s23 =	sadd.s32 $0x2, s21;
	v19 =	vld [tilespmem:s20+$0x0];
	[tilespmem:v7+s16+$0x0] =	vst.idx.msk $0x1, v16;
	v23 =	vbroadcast v10, $0xF;
	v10, _, _ =	vpop (xrf0)  }
0x295: {  	v16 =	vmov s23;
	s23 =	sadd.s32 $0x3, s21;
	v20 =	vld [tilespmem:s20+$0x10];
	(xrf0) =	vadd.scan.msk.s32 $0xffff, v5;
	[tilespmem:v6+s16+$0x0] =	vst.idx.msk $0x1, v8;
	v5 =	vbroadcast v10, $0xF;
	v6, _, _ =	vpop (xrf0)  }
0x296: {  	v21 =	vmov s23;
	s23 =	sadd.s32 $0x4, s21;
	v22 =	vld [tilespmem:s20+$0x20];
	(xrf0) =	vadd.scan.msk.s32 $0xffff, v15;
	[tilespmem:v9+s16+$0x0] =	vst.idx.msk $0x1, v23;
	v6 =	vbroadcast v6, $0xF;
	v7, _, _ =	vpop (xrf0)  }
0x297: {  	v9 =	vmov s23;
	v15 =	vld [tilespmem:s20+$0xFFFFFFC0];
	(xrf0) =	vadd.scan.msk.s32 $0xffff, v17;
	v7 =	vbroadcast v7, $0xF;
	[tilespmem:v13+s16+$0x0] =	vst.idx.msk $0x1, v5  }
.Ltmp17:
0x298: {  	s23 =	sadd.s32 $0x7, s21;
	v5 =	vand.u32 $0xFFFFFFF9, v14;
	v13 =	vand.u32 $0xFFFFFFFA, v16;
	(xrf0) =	vadd.scan.msk.s32 $0xffff, v12;
	[tilespmem:v11+s16+$0x0] =	vst.idx.msk $0x1, v6;
	(pc) =	sbr.rel @p2 .LBB2_35-.Ltmp17, $4  }
0x299: {  	s24 =	sadd.s32 $0x5, s21;
	v10 =	vmov s23;
	v8 =	vbroadcast v5, $0x0;
	(xrf0) =	vadd.scan.msk.s32 $0xffff, v19;
	[tilespmem:v18+s16+$0x0] =	vst.idx.msk $0x1, v7  }
0x29a: {  	s23 =	sadd.s32 $0x6, s21;
	s21 =	smov.u32 s22;
	v5 =	vand.u32 $0xFFFFFFFB, v21;
	v12 =	vmov s24;
	v7 =	vbroadcast v13, $0x0;
	(xrf0) =	vadd.scan.msk.s32 $0xffff, v20  }
0x29b: {  	v9 =	vand.u32 $0xFFFFFFFC, v9;
	s20 =	sadd.s32 $0x80, s20;
	v11 =	vmov s23;
	v6 =	vbroadcast v5, $0x0;
	(xrf0) =	vadd.scan.msk.s32 $0xffff, v22;
	v14, _, _ =	vpop (xrf0)  }
0x29c: {  	s22 =	sadd.s32 $0x8, s22;
	v9 =	vbroadcast v9, $0x0;
	v13 =	vand.u32 $0xFFFFFFFD, v12;
	v5 =	vld [tilespmem:s20+$0x30];
	v12 =	vbroadcast v14, $0xF;
	(xrf0) =	vadd.scan.msk.s32 $0xffff, v15;
	v14, _, _ =	vpop (xrf0)  }
0x29d: {  	s22 =	smov.u32 s21  }
.LBB2_37:
0x29e: {  	_ =	sdelay $0x1  }
0x29f: {  	v15 =	vld [tilespmem:s20+$0xFFFFFFD0];
	v14 =	vbroadcast @p1 v14, $0xF;
	v16, _, _ =	vpop @p1 (xrf0);
	v13 =	vbroadcast @p1 v13, $0x0  }
0x2a0: {  	v11 =	vand.u32 @p1 $0xFFFFFFFE, v11;
	v17 =	vld [tilespmem:s20+$0xFFFFFFE0];
	v4 =	vand.u32 @p1 $0xFFFFFFF8, v4;
	v16 =	vbroadcast @p1 v16, $0xF  }
0x2a1: {  	[tilespmem:v10+s16+$0x0] =	vst.idx.msk @p1 $0x1, v12;
	s21 =	sadd.s32 $0x1, s22;
	v46 =	vld [tilespmem:s20+$0xFFFFFFF0];
	s24 =	sadd.s32 $0x2, s22;
	v48 =	vmov s22;
	v10, _, _ =	vpop @p1 (xrf0);
	v11 =	vbroadcast @p1 v11, $0x0;
	v4 =	vbroadcast @p1 v4, $0x0  }
0x2a2: {  	v18 =	vld [tilespmem:s20+$0x0];
	s25 =	sadd.s32 $0x3, s22;
	v47 =	vmov s21;
	v19 =	vmov s24;
	[tilespmem:v8+s16+$0x0] =	vst.idx.msk @p1 $0x1, v14;
	v8 =	vbroadcast @p1 v10, $0xF;
	v10, _, _ =	vpop @p1 (xrf0)  }
0x2a3: {  	v20 =	vld [tilespmem:s20+$0x10];
	s26 =	sadd.s32 $0x4, s22;
	v49 =	vmov s25;
	[tilespmem:v7+s16+$0x0] =	vst.idx.msk @p1 $0x1, v16;
	v7 =	vbroadcast @p1 v10, $0xF;
	v10, _, _ =	vpop @p1 (xrf0);
	(xrf0) =	vadd.scan.msk.s32 $0xffff, v5  }
0x2a4: {  	v50 =	vld [tilespmem:s20+$0x20];
	s29 =	sadd.s32 $0x5, s22;
	s30 =	sadd.s32 $0x6, s22;
	v52 =	vmov s26;
	[tilespmem:v6+s16+$0x0] =	vst.idx.msk @p1 $0x1, v8;
	v5, _, _ =	vpop @p1 (xrf0);
	v6 =	vbroadcast @p1 v10, $0xF;
	(xrf0) =	vadd.scan.msk.s32 $0xffff, v15  }
0x2a5: {  	v51 =	vld [tilespmem:s20+$0xFFFFFFC0];
	v55 =	vmov s29;
	v57 =	vmov s30;
	v5 =	vbroadcast @p1 v5, $0xF;
	(xrf0) =	vadd.scan.msk.s32 $0xffff, v17  }
0x2a6: {  	s28 =	sadd.s32 $0x7, s22;
	v53 =	vand.u32 $0xFFFFFFFA, v19;
	[tilespmem:v13+s16+$0x0] =	vst.idx.msk @p1 $0x1, v6;
	v6 =	vand.u32 $0xFFFFFFF9, v47;
	(xrf0) =	vadd.scan.msk.s32 $0xffff, v46  }
0x2a7: {  	[tilespmem:v11+s16+$0x0] =	vst.idx.msk @p1 $0x1, v5;
	v5 =	vbroadcast v6, $0x0;
	v6 =	vmov s28;
	(xrf0) =	vadd.scan.msk.s32 $0xffff, v18  }
0x2a8: {  	v54 =	vbroadcast v53, $0x0;
	v8 =	vand.u32 $0xFFFFFFFB, v49;
	[tilespmem:v9+s16+$0x0] =	vst.idx.msk @p1 $0x1, v7;
	v7, _, _ =	vpop @p1 (xrf0);
	(xrf0) =	vadd.scan.msk.s32 $0xffff, v20  }
0x2a9: {  	v56 =	vand.u32 $0xFFFFFFFC, v52;
	v8 =	vbroadcast v8, $0x0;
	v7 =	vbroadcast @p1 v7, $0xF;
	v58, _, _ =	vpop (xrf0);
	(xrf0) =	vadd.scan.msk.s32 $0xffff, v50  }
0x2aa: {  	v12 =	vand.u32 $0xFFFFFFFD, v55;
	v13 =	vbroadcast v56, $0x0;
	v10 =	vbroadcast v58, $0xF;
	(xrf0) =	vadd.scan.msk.s32 $0xffff, v51;
	v59, _, _ =	vpop (xrf0)  }
0x2ab: {  	v60 =	vand.u32 $0xFFFFFFFE, v57;
	[tilespmem:v4+s16+$0x0] =	vst.idx.msk @p1 $0x1, v7;
	v7 =	vbroadcast v12, $0x0;
	v4 =	vbroadcast v59, $0xF;
	v61, _, _ =	vpop (xrf0)  }
0x2ac: {  	v62 =	vand.u32 $0xFFFFFFF8, v48;
	v9 =	vbroadcast v60, $0x0;
	[tilespmem:v6+s16+$0x0] =	vst.idx.msk $0x1, v10;
	v12 =	vbroadcast v61, $0xF;
	v6, _, _ =	vpop (xrf0)  }
0x2ad: {  	v63 =	vbroadcast v62, $0x0;
	[tilespmem:v5+s16+$0x0] =	vst.idx.msk $0x1, v4;
	v4 =	vbroadcast v6, $0xF;
	v5, _, _ =	vpop (xrf0)  }
0x2ae: {  	[tilespmem:v54+s16+$0x0] =	vst.idx.msk $0x1, v12;
	v5 =	vbroadcast v5, $0xF;
	v6, _, _ =	vpop (xrf0)  }
0x2af: {  	[tilespmem:v8+s16+$0x0] =	vst.idx.msk $0x1, v4;
	v4 =	vbroadcast v6, $0xF;
	v6, _, _ =	vpop (xrf0)  }
0x2b0: {  	[tilespmem:v13+s16+$0x0] =	vst.idx.msk $0x1, v5;
	v5 =	vbroadcast v6, $0xF;
	v6, _, _ =	vpop (xrf0)  }
0x2b1: {  	v6 =	vbroadcast v6, $0xF;
	[tilespmem:v7+s16+$0x0] =	vst.idx.msk $0x1, v4  }
0x2b2: {  	[tilespmem:v9+s16+$0x0] =	vst.idx.msk $0x1, v5  }
0x2b3: {  	s31 =	simm.s32 $0x0;
	[tilespmem:v63+s16+$0x0] =	vst.idx.msk $0x1, v6  }
0x2b4: {  	p1 =	por $0x1, $0x1;
	v4 =	vld [tilespmem:s31+$0x10800]  }
.Ltmp18:
0x2b5: {  	_ = 	snop;
	(pc) =	sbr.rel @!p1 .LBB2_38-.Ltmp18, $2  }
0x2b6: {  	_ =	sdelay $0x2  }
0x2b7: {  	v5 =	vimm.s32 $0x0;
	(xrf0) =	vadd.scan.msk.s32 $0xffff, v4  }
0x2b8: {  	_ =	sdelay $0x4  }
0x2b9: {  	v4, _, _ =	vpop (xrf0)  }
0x2ba: {  	v4 =	vadd.s32 v5, v4  }
0x2bb: {  	v6 =	vxor.u32 $0x80000000, v4  }
0x2bc: {  	(xrf0) =	vmax.scan.msk.u32 $0xffff, v6;
	_ =	sdelay $0x5  }
0x2bd: {  	v6, _, _ =	vpop (xrf0)  }
0x2be: {  	(v2sf) =	vpush v6, $0xF;
	_ =	sdelay $0x4  }
0x2bf: {  	s20 =	simm.s32 $0x10  }
0x2c0: {  	v7 =	vld [tilespmem:s20+$0x10800];
	_ =	sdelay $0x4  }
0x2c1: {  	p1 =	por $0x1, $0x1;
	(xrf0) =	vadd.scan.msk.s32 $0xffff, v7  }
.Ltmp19:
0x2c2: {  	_ = 	snop;
	(pc) =	sbr.rel @!p1 .LBB2_41-.Ltmp19, $4  }
0x2c3: {  	vm1 =	vle.s32 v4, v3  }
0x2c4: {  	v4 =	vnsel vm1, $0x0, v4  }
0x2c5: {  	v6 =	vsel vm1, $0x1, v0;
	vm1 =	vgt.s32 v5, v4;
	s21 =	spop (v2sf)  }
0x2c6: {  	p0 =	por $0x1, $0x1;
	s20 =	simm.s32 $0x80;
	v6 =	vadd.s32 v6, v5;
	v4 =	vsel vm1, v5, v4;
	s21 =	sxor.u32 $0x80000000, s21  }
.LBB2_40:
0x2c7: {  	p1 =	sne.s32 s20, $0x1C0;
	v7, _, _ =	vpop (xrf0);
	v8 =	vmov s21;
	s21 =	smov.u32 s20;
	s20 =	sadd.s32 $0x40, s20  }
0x2c8: {  	v7 =	vadd.s32 v8, v7  }
0x2c9: {  	vm1 =	vle.s32 v7, v3;
	v8 =	vxor.u32 $0x80000000, v7  }
0x2ca: {  	v9 =	vsel vm1, $0x1, v0;
	v7 =	vnsel vm1, $0x0, v7;
	(xrf0) =	vmax.scan.msk.u32 $0xffff, v8  }
0x2cb: {  	v6 =	vadd.s32 v9, v6;
	vm1 =	vgt.s32 v4, v7  }
0x2cc: {  	v4 =	vsel vm1, v4, v7;
	_ =	sdelay $0x3  }
0x2cd: {  	v7, _, _ =	vpop (xrf0)  }
0x2ce: {  	(v2sf) =	vpush v7, $0xF;
	_ =	sdelay $0x4  }
0x2cf: {  	s21 =	sshra.s32 s21, $0x2  }
0x2d0: {  	v7 =	vld [tilespmem:s21+$0x10800];
	_ =	sdelay $0x4  }
0x2d1: {  	(xrf0) =	vadd.scan.msk.s32 $0xffff, v7  }
.Ltmp20:
0x2d2: {  	(pc) =	sbr.rel @p1 .LBB2_40-.Ltmp20, $3  }
0x2d3: {  	_ =	sdelay $0x1  }
0x2d4: {  	s21 =	spop (v2sf)  }
0x2d5: {  	s21 =	sxor.u32 $0x80000000, s21  }
.LBB2_41:
0x2d6: {  	v7 =	vmov @p0 s21  }
0x2d7: {  	v8, _, _ =	vpop (xrf0);
	v5 =	vpsel p0, v7, v5  }
0x2d8: {  	v7 =	vadd.s32 v5, v8  }
0x2d9: {  	vm1 =	vle.s32 v7, v3  }
0x2da: {  	v5 =	vxor.u32 $0x80000000, v7;
	v63 =	vsel vm1, $0x1, v0  }
0x2db: {  	(xrf0) =	vmax.scan.msk.u32 $0xffff, v5;
	v5 =	vadd.s32 v63, v6  }
0x2dc: {  	(xrf0) =	vadd.scan.msk.s32 $0xffff, v5;
	_ =	sdelay $0x4  }
0x2dd: {  	v5, _, _ =	vpop (xrf0)  }
0x2de: {  	(v2sf) =	vpush v5, $0xF;
	v5, _, _ =	vpop (xrf0)  }
0x2df: {  	(v2sf) =	vpush v5, $0xF;
	_ =	sdelay $0xd  }
0x2e0: {  	s20 =	spop (v2sf)  }
0x2e1: {  	s20 =	spop (v2sf)  }
0x2e2: {  	s21 =	simm.s32 $0x10040;
	s20 =	sshll.u32 s20, $0x4  }
0x2e3: {  	v5 =	vld [tilespmem:s20+$0x10000];
	[tilespmem:s21+$0xFFFFFFC0] =	vst v0  }
0x2e4: {  	[tilespmem:s21+$0x30] =	vst v0  }
0x2e5: {  	[tilespmem:s21+$0x20] =	vst v0  }
0x2e6: {  	[tilespmem:s21+$0x10] =	vst v0  }
0x2e7: {  	v6 =	vnsel vm1, $0x0, v7;
	[tilespmem:s21+$0x0] =	vst v0  }
0x2e8: {  	vm1 =	vgt.s32 v4, v6;
	[tilespmem:s21+$0xFFFFFFF0] =	vst v0  }
0x2e9: {  	s22 =	simm.s32 $0x0;
	v4 =	vsel vm1, v4, v6;
	[tilespmem:s21+$0xFFFFFFE0] =	vst v0  }
.LBB2_42:
0x2ea: {  	s22 =	sadd.s32 $0x8, s22;
	[tilespmem:s21+$0xFFFFFFD0] =	vst v0;
	s21 =	sadd.s32 $0x80, s21  }
0x2eb: {  	[tilespmem:s21+$0xFFFFFFC0] =	vst v0;
	p0 =	slt.u32 s22, $0x78  }
0x2ec: {  	[tilespmem:s21+$0x30] =	vst v0  }
.Ltmp21:
0x2ed: {  	[tilespmem:s21+$0x20] =	vst v0;
	(pc) =	sbr.rel @p0 .LBB2_42-.Ltmp21, $4  }
0x2ee: {  	[tilespmem:s21+$0x10] =	vst v0  }
0x2ef: {  	[tilespmem:s21+$0x0] =	vst v0  }
0x2f0: {  	[tilespmem:s21+$0xFFFFFFF0] =	vst v0  }
0x2f1: {  	[tilespmem:s21+$0xFFFFFFE0] =	vst v0  }
0x2f2: {  	v4 =	vxor.u32 $0x80000000, v4  }
0x2f3: {  	(xrf0) =	vmax.scan.msk.u32 $0xffff, v4;
	_ =	sdelay $0x5  }
0x2f4: {  	v4, _, _ =	vpop (xrf0)  }
0x2f5: {  	(v2sf) =	vpush v4, $0xF;
	_ =	sdelay $0x9  }
0x2f6: {  	(xrf0) =	vadd.scan.msk.s32 $0xffff, v5;
	_ =	sdelay $0x4  }
0x2f7: {  	s22 =	spop (v2sf)  }
0x2f8: {  	v4, _, _ =	vpop (xrf0);
	s22 =	sxor.u32 $0x80000000, s22  }
0x2f9: {  	v5 =	vadd.s32 s22, v4  }
0x2fa: {  	vm1 =	vle.s32 v5, v3  }
0x2fb: {  	v4 =	vsel vm1, $0x1, v0  }
0x2fc: {  	(xrf0) =	vadd.scan.msk.s32 $0xffff, v4;
	_ =	sdelay $0x5  }
0x2fd: {  	v4, _, _ =	vpop (xrf0)  }
0x2fe: {  	(v2sf) =	vpush v4, $0xF;
	_ =	sdelay $0xa  }
0x2ff: {  	[tilespmem:s21+$0xFFFFFFD0] =	vst v0;
	s31 =	simm.s32 $0x8040  }
0x300: {  	v6 =	vld [tilespmem:s31+$0xFFFFFFC0]  }
0x301: {  	v9 =	vld [tilespmem:s31+$0xFFFFFFE0];
	_ =	sdelay $0x1  }
0x302: {  	s23 =	spop (v2sf)  }
0x303: {  	v11 =	vld [tilespmem:s31+$0xFFFFFFF0];
	s20 =	sadd.s32 s20, s23  }
0x304: {  	v13 =	vld [tilespmem:s31+$0x20];
	v7 =	vshrl.u32 v6, $0x15;
	v4 =	vmov s20  }
0x305: {  	v6 =	vshrl.u32 v6, $0xA;
	v10 =	vshrl.u32 v9, $0x15;
	vm5 =	veq.s32 v7, v4  }
0x306: {  	v15 =	vld [tilespmem:s31+$0x30];
	v9 =	vshrl.u32 v9, $0xA;
	v14 =	vand.u32 $0x7FF, v6;
	vm4 =	veq.s32 v10, v4  }
0x307: {  	v7 =	vld [tilespmem:s31+$0xFFFFFFD0];
	v10 =	vand.u32 $0x7FF, v9  }
0x308: {  	v8 =	vshrl.u32 v11, $0xA  }
0x309: {  	v16 =	vshrl.u32 v13, $0x15;
	v6 =	vmov s22;
	v9 =	vshrl.u32 v11, $0x15;
	v11 =	vld [tilespmem:s31+$0x10]  }
0x30a: {  	v12 =	vld [tilespmem:s31+$0x0];
	vm3 =	veq.s32 v16, v4;
	vm2 =	veq.s32 v9, v4;
	v9 =	vshrl.u32 v13, $0xA  }
0x30b: {  	s21 =	simm.s32 $0x80C0;
	s20 =	simm.s32 $0x0;
	v13 =	vshrl.u32 v15, $0xA;
	v9 =	vand.u32 $0x7FF, v9;
	[tilespmem:v14+s15+$0x0] =	vst.idx.add.s32.msk vm5, v1;
	v14 =	vshrl.u32 v15, $0x15  }
.LBB2_44:
0x30c: {  	s20 =	sadd.s32 $0x8, s20;
	v15 =	vshrl.u32 v7, $0x15;
	[tilespmem:v10+s15+$0x0] =	vst.idx.add.s32.msk vm4, v1;
	vm5 =	veq.s32 v14, v4  }
0x30d: {  	v7 =	vshrl.u32 v7, $0xA;
	v10 =	vand.u32 $0x7FF, v8;
	v14 =	vld [tilespmem:s21+$0xFFFFFFF0];
	p0 =	slt.u32 s20, $0x7F8;
	vm6 =	veq.s32 v15, v4  }
0x30e: {  	v13 =	vand.u32 $0x7FF, v13;
	v16 =	vand.u32 $0x7FF, v7;
	v15 =	vld [tilespmem:s21+$0xFFFFFFE0];
	v7 =	vshrl.u32 v11, $0x15  }
0x30f: {  	v17 =	vld [tilespmem:s21+$0xFFFFFFC0];
	v8 =	vshrl.u32 v12, $0x15;
	vm7 =	veq.s32 v7, v4;
	v7 =	vshrl.u32 v11, $0xA  }
0x310: {  	v18 =	vld [tilespmem:s21+$0x30];
	vm8 =	veq.s32 v8, v4;
	v8 =	vshrl.u32 v12, $0xA;
	v11 =	vand.u32 $0x7FF, v7  }
0x311: {  	v19 =	vld [tilespmem:s21+$0x20];
	v12 =	vand.u32 $0x7FF, v8  }
0x312: {  	v7 =	vld [tilespmem:s21+$0xFFFFFFD0];
	v8 =	vshrl.u32 v14, $0xA  }
0x313: {  	[tilespmem:v10+s15+$0x0] =	vst.idx.add.s32.msk vm2, v1  }
0x314: {  	v20 =	vshrl.u32 v15, $0x15;
	v15 =	vshrl.u32 v15, $0xA;
	v10 =	vshrl.u32 v17, $0x15;
	[tilespmem:v9+s15+$0x0] =	vst.idx.add.s32.msk vm3, v1  }
0x315: {  	v9 =	vshrl.u32 v17, $0xA;
	vm4 =	veq.s32 v20, v4;
	vm9 =	veq.s32 v10, v4;
	[tilespmem:v11+s15+$0x0] =	vst.idx.add.s32.msk vm7, v1  }
0x316: {  	v9 =	vand.u32 $0x7FF, v9;
	v10 =	vand.u32 $0x7FF, v15;
	[tilespmem:v12+s15+$0x0] =	vst.idx.add.s32.msk vm8, v1  }
.Ltmp22:
0x317: {  	v11 =	vshrl.u32 v14, $0x15;
	[tilespmem:v13+s15+$0x0] =	vst.idx.add.s32.msk vm5, v1;
	(pc) =	sbr.rel @p0 .LBB2_44-.Ltmp22, $4  }
0x318: {  	vm2 =	veq.s32 v11, v4;
	[tilespmem:v16+s15+$0x0] =	vst.idx.add.s32.msk vm6, v1  }
0x319: {  	v13 =	vshrl.u32 v19, $0x15;
	v11 =	vld [tilespmem:s21+$0x10]  }
0x31a: {  	vm3 =	veq.s32 v13, v4;
	v13 =	vshrl.u32 v19, $0xA;
	v12 =	vld [tilespmem:s21+$0x0]  }
0x31b: {  	v14 =	vshrl.u32 v18, $0x15;
	s21 =	sadd.s32 $0x80, s21;
	[tilespmem:v9+s15+$0x0] =	vst.idx.add.s32.msk vm9, v1;
	v9 =	vand.u32 $0x7FF, v13;
	v13 =	vshrl.u32 v18, $0xA  }
0x31c: {  	_ =	sdelay $0x3  }
0x31d: {  	v8 =	vand.u32 $0x7FF, v8;
	vm7 =	veq.s32 v14, v4  }
0x31e: {  	[tilespmem:v10+s15+$0x0] =	vst.idx.add.s32.msk vm4, v1;
	v10 =	vand.u32 $0x7FF, v13;
	v15 =	vshrl.u32 v11, $0x15;
	v11 =	vshrl.u32 v11, $0xA  }
0x31f: {  	v16 =	vshrl.u32 v12, $0x15;
	vm5 =	veq.s32 v15, v4;
	v12 =	vshrl.u32 v12, $0xA  }
0x320: {  	v11 =	vand.u32 $0x7FF, v11;
	v15 =	vshrl.u32 v7, $0x15;
	vm6 =	veq.s32 v16, v4  }
0x321: {  	v7 =	vshrl.u32 v7, $0xA;
	v12 =	vand.u32 $0x7FF, v12;
	vm15 =	veq.s32 v15, v4  }
0x322: {  	[tilespmem:v9+s15+$0x0] =	vst.idx.add.s32.msk vm3, v1;
	v7 =	vand.u32 $0x7FF, v7  }
0x323: {  	[tilespmem:v8+s15+$0x0] =	vst.idx.add.s32.msk vm2, v1  }
0x324: {  	[tilespmem:v10+s15+$0x0] =	vst.idx.add.s32.msk vm7, v1  }
0x325: {  	[tilespmem:v11+s15+$0x0] =	vst.idx.add.s32.msk vm5, v1  }
0x326: {  	[tilespmem:v12+s15+$0x0] =	vst.idx.add.s32.msk vm6, v1  }
0x327: {  	s20 =	simm.s32 $0x10040;
	[tilespmem:v7+s15+$0x0] =	vst.idx.add.s32.msk vm15, v1  }
0x328: {  	v7 =	vld [tilespmem:s20+$0x30]  }
0x329: {  	v8 =	vld [tilespmem:s20+$0xFFFFFFD0]  }
0x32a: {  	v9 =	vld [tilespmem:s20+$0xFFFFFFE0]  }
0x32b: {  	v10 =	vld [tilespmem:s20+$0xFFFFFFF0]  }
0x32c: {  	v12 =	vld [tilespmem:s20+$0x0]  }
0x32d: {  	v14 =	vld [tilespmem:s20+$0x10];
	(xrf0) =	vadd.scan.msk.s32 $0xffff, v7  }
0x32e: {  	s22 =	simm.s32 $0x1;
	s29 =	simm.s32 $0x7;
	s30 =	simm.s32 $0x5;
	v15 =	vld [tilespmem:s20+$0x20];
	(xrf0) =	vadd.scan.msk.s32 $0xffff, v8  }
0x32f: {  	s23 =	simm.s32 $0x2;
	s28 =	simm.s32 $0x4;
	v13 =	vmov s29;
	v18 =	vmov s30;
	v17 =	vld [tilespmem:s20+$0xFFFFFFC0];
	v8 =	vmov s22;
	(xrf0) =	vadd.scan.msk.s32 $0xffff, v9  }
0x330: {  	s26 =	simm.s32 $0x3;
	v16 =	vmov s28;
	v11 =	vmov s23;
	v8 =	vand.u32 $0xFFFFFFF9, v8;
	(xrf0) =	vadd.scan.msk.s32 $0xffff, v10  }
0x331: {  	s21 =	simm.s32 $0x0;
	v9 =	vmov s26;
	v10 =	vand.u32 $0xFFFFFFFA, v11;
	v11 =	vbroadcast v8, $0x0;
	(xrf0) =	vadd.scan.msk.s32 $0xffff, v12  }
0x332: {  	v7 =	vmov s21;
	v8 =	vand.u32 $0xFFFFFFFB, v9;
	v10 =	vbroadcast v10, $0x0;
	(xrf0) =	vadd.scan.msk.s32 $0xffff, v14  }
0x333: {  	s31 =	simm.s32 $0x6;
	s21 =	simm.s32 $0x100C0;
	v9 =	vand.u32 $0xFFFFFFFC, v16;
	v16 =	vand.u32 $0xFFFFFFFD, v18;
	v8 =	vbroadcast v8, $0x0;
	(xrf0) =	vadd.scan.msk.s32 $0xffff, v15;
	v15, _, _ =	vpop (xrf0)  }
0x334: {  	s20 =	simm.s32 $0x8;
	s22 =	simm.s32 $0x10;
	v12 =	vld [tilespmem:s21+$0x30];
	v9 =	vbroadcast v9, $0x0;
	v14 =	vmov s31;
	v15 =	vbroadcast v15, $0xF;
	(xrf0) =	vadd.scan.msk.s32 $0xffff, v17;
	v17, _, _ =	vpop (xrf0)  }
.LBB2_46:
0x335: {  	p0 =	slt.u32 s22, $0x78;
	v18 =	vld [tilespmem:s21+$0xFFFFFFD0];
	v17 =	vbroadcast v17, $0xF;
	v16 =	vbroadcast v16, $0x0;
	v14 =	vand.u32 $0xFFFFFFFE, v14;
	v19, _, _ =	vpop (xrf0)  }
0x336: {  	v7 =	vand.u32 $0xFFFFFFF8, v7;
	v20 =	vld [tilespmem:s21+$0xFFFFFFE0];
	v19 =	vbroadcast v19, $0xF;
	v14 =	vbroadcast v14, $0x0;
	[tilespmem:v13+s16+$0x0] =	vst.idx.msk $0x1, v15;
	v13, _, _ =	vpop (xrf0)  }
0x337: {  	s23 =	sadd.s32 $0x1, s20;
	v21 =	vbroadcast v7, $0x0;
	v15 =	vld [tilespmem:s21+$0xFFFFFFF0];
	[tilespmem:v11+s16+$0x0] =	vst.idx.msk $0x1, v17;
	v24 =	vbroadcast v13, $0xF;
	v13, _, _ =	vpop (xrf0)  }
0x338: {  	v7 =	vmov s20;
	v17 =	vmov s23;
	s23 =	sadd.s32 $0x2, s20;
	v22 =	vld [tilespmem:s21+$0x0];
	[tilespmem:v10+s16+$0x0] =	vst.idx.msk $0x1, v19;
	v25 =	vbroadcast v13, $0xF;
	v13, _, _ =	vpop (xrf0)  }
0x339: {  	v19 =	vmov s23;
	s23 =	sadd.s32 $0x3, s20;
	v23 =	vld [tilespmem:s21+$0x10];
	(xrf0) =	vadd.scan.msk.s32 $0xffff, v12;
	[tilespmem:v8+s16+$0x0] =	vst.idx.msk $0x1, v24;
	v8 =	vbroadcast v13, $0xF;
	v11, _, _ =	vpop (xrf0)  }
0x33a: {  	v12 =	vmov s23;
	s23 =	sadd.s32 $0x4, s20;
	v24 =	vld [tilespmem:s21+$0x20];
	(xrf0) =	vadd.scan.msk.s32 $0xffff, v18;
	[tilespmem:v9+s16+$0x0] =	vst.idx.msk $0x1, v25;
	v9 =	vbroadcast v11, $0xF;
	v10, _, _ =	vpop (xrf0)  }
0x33b: {  	v25 =	vmov s23;
	v18 =	vld [tilespmem:s21+$0xFFFFFFC0];
	(xrf0) =	vadd.scan.msk.s32 $0xffff, v20;
	v10 =	vbroadcast v10, $0xF;
	[tilespmem:v16+s16+$0x0] =	vst.idx.msk $0x1, v8  }
.Ltmp23:
0x33c: {  	s23 =	sadd.s32 $0x7, s20;
	v8 =	vand.u32 $0xFFFFFFF9, v17;
	v16 =	vand.u32 $0xFFFFFFFA, v19;
	(xrf0) =	vadd.scan.msk.s32 $0xffff, v15;
	[tilespmem:v14+s16+$0x0] =	vst.idx.msk $0x1, v9;
	(pc) =	sbr.rel @p0 .LBB2_46-.Ltmp23, $4  }
0x33d: {  	s24 =	sadd.s32 $0x5, s20;
	v13 =	vmov s23;
	v11 =	vbroadcast v8, $0x0;
	(xrf0) =	vadd.scan.msk.s32 $0xffff, v22;
	[tilespmem:v21+s16+$0x0] =	vst.idx.msk $0x1, v10  }
0x33e: {  	s23 =	sadd.s32 $0x6, s20;
	s20 =	smov.u32 s22;
	v8 =	vand.u32 $0xFFFFFFFB, v12;
	v15 =	vmov s24;
	v10 =	vbroadcast v16, $0x0;
	(xrf0) =	vadd.scan.msk.s32 $0xffff, v23  }
0x33f: {  	s21 =	sadd.s32 $0x80, s21;
	v9 =	vand.u32 $0xFFFFFFFC, v25;
	v14 =	vmov s23;
	v8 =	vbroadcast v8, $0x0;
	(xrf0) =	vadd.scan.msk.s32 $0xffff, v24;
	v17, _, _ =	vpop (xrf0)  }
0x340: {  	s22 =	sadd.s32 $0x8, s22;
	v9 =	vbroadcast v9, $0x0;
	v16 =	vand.u32 $0xFFFFFFFD, v15;
	v12 =	vld [tilespmem:s21+$0x30];
	v15 =	vbroadcast v17, $0xF;
	(xrf0) =	vadd.scan.msk.s32 $0xffff, v18;
	v17, _, _ =	vpop (xrf0)  }
0x341: {  	_ = 	snop  }
0x342: {  	v18 =	vld [tilespmem:s21+$0xFFFFFFD0];
	v17 =	vbroadcast v17, $0xF;
	v19, _, _ =	vpop (xrf0);
	v16 =	vbroadcast v16, $0x0;
	v14 =	vand.u32 $0xFFFFFFFE, v14  }
0x343: {  	v20 =	vld [tilespmem:s21+$0xFFFFFFE0];
	v7 =	vand.u32 $0xFFFFFFF8, v7;
	s22 =	sadd.s32 $0x1, s20;
	v39 =	vmov s20;
	v19 =	vbroadcast v19, $0xF  }
0x344: {  	v33 =	vld [tilespmem:s21+$0xFFFFFFF0];
	s30 =	sadd.s32 $0x2, s20;
	s31 =	sadd.s32 $0x3, s20;
	v32, _, _ =	vpop (xrf0);
	v14 =	vbroadcast v14, $0x0;
	v7 =	vbroadcast v7, $0x0;
	v36 =	vmov s22  }
0x345: {  	v21 =	vld [tilespmem:s21+$0x0];
	s23 =	sadd.s32 $0x4, s20;
	s24 =	sadd.s32 $0x7, s20;
	[tilespmem:v13+s16+$0x0] =	vst.idx.msk $0x1, v15;
	v22 =	vmov s30;
	v41 =	vmov s31;
	v34 =	vbroadcast v32, $0xF;
	v35, _, _ =	vpop (xrf0)  }
0x346: {  	v23 =	vld [tilespmem:s21+$0x10];
	s25 =	sadd.s32 $0x5, s20;
	s26 =	sadd.s32 $0x6, s20;
	v45 =	vmov s23;
	v48 =	vmov s24;
	[tilespmem:v11+s16+$0x0] =	vst.idx.msk $0x1, v17;
	v38, _, _ =	vpop (xrf0);
	(xrf0) =	vadd.scan.msk.s32 $0xffff, v12  }
0x347: {  	v42 =	vld [tilespmem:s21+$0x20];
	v50 =	vmov s25;
	v52 =	vmov s26;
	[tilespmem:v8+s16+$0x0] =	vst.idx.msk $0x1, v34;
	v8, _, _ =	vpop (xrf0);
	(xrf0) =	vadd.scan.msk.s32 $0xffff, v18  }
0x348: {  	v44 =	vld [tilespmem:s21+$0xFFFFFFC0];
	v46 =	vand.u32 $0xFFFFFFF9, v36;
	v47 =	vand.u32 $0xFFFFFFFA, v22;
	v43, _, _ =	vpop (xrf0);
	v8 =	vbroadcast v8, $0xF;
	(xrf0) =	vadd.scan.msk.s32 $0xffff, v20  }
0x349: {  	v51 =	vand.u32 $0xFFFFFFFC, v45;
	v15 =	vand.u32 $0xFFFFFFFD, v50;
	[tilespmem:v10+s16+$0x0] =	vst.idx.msk $0x1, v19;
	(xrf0) =	vadd.scan.msk.s32 $0xffff, v33  }
0x34a: {  	v37 =	vbroadcast v35, $0xF;
	[tilespmem:v14+s16+$0x0] =	vst.idx.msk $0x1, v8;
	v8 =	vbroadcast v46, $0x0;
	(xrf0) =	vadd.scan.msk.s32 $0xffff, v21  }
0x34b: {  	v49 =	vbroadcast v47, $0x0;
	v40 =	vbroadcast v38, $0xF;
	v12 =	vand.u32 $0xFFFFFFFB, v41;
	(xrf0) =	vadd.scan.msk.s32 $0xffff, v23  }
0x34c: {  	[tilespmem:v9+s16+$0x0] =	vst.idx.msk $0x1, v37;
	v12 =	vbroadcast v12, $0x0;
	v9 =	vbroadcast v43, $0xF;
	(xrf0) =	vadd.scan.msk.s32 $0xffff, v42;
	v53, _, _ =	vpop (xrf0)  }
0x34d: {  	[tilespmem:v16+s16+$0x0] =	vst.idx.msk $0x1, v40;
	v16 =	vbroadcast v51, $0x0;
	v13 =	vbroadcast v53, $0xF;
	(xrf0) =	vadd.scan.msk.s32 $0xffff, v44;
	v54, _, _ =	vpop (xrf0)  }
0x34e: {  	v56 =	vand.u32 $0xFFFFFFFE, v52;
	v55 =	vbroadcast v15, $0x0;
	[tilespmem:v7+s16+$0x0] =	vst.idx.msk $0x1, v9;
	v7 =	vbroadcast v54, $0xF;
	v57, _, _ =	vpop (xrf0)  }
0x34f: {  	v58 =	vand.u32 $0xFFFFFFF8, v39;
	v10 =	vbroadcast v56, $0x0;
	v15 =	vbroadcast v57, $0xF;
	[tilespmem:v48+s16+$0x0] =	vst.idx.msk $0x1, v13;
	v59, _, _ =	vpop (xrf0)  }
0x350: {  	v60 =	vbroadcast v58, $0x0;
	[tilespmem:v8+s16+$0x0] =	vst.idx.msk $0x1, v7;
	v7 =	vbroadcast v59, $0xF;
	v8, _, _ =	vpop (xrf0)  }
0x351: {  	[tilespmem:v49+s16+$0x0] =	vst.idx.msk $0x1, v15;
	v8 =	vbroadcast v8, $0xF;
	v61, _, _ =	vpop (xrf0)  }
0x352: {  	[tilespmem:v12+s16+$0x0] =	vst.idx.msk $0x1, v7;
	v7 =	vbroadcast v61, $0xF;
	v62, _, _ =	vpop (xrf0)  }
0x353: {  	[tilespmem:v16+s16+$0x0] =	vst.idx.msk $0x1, v8;
	v8 =	vbroadcast v62, $0xF;
	v63, _, _ =	vpop (xrf0)  }
0x354: {  	v11 =	vbroadcast v63, $0xF;
	[tilespmem:v55+s16+$0x0] =	vst.idx.msk $0x1, v7  }
0x355: {  	[tilespmem:v10+s16+$0x0] =	vst.idx.msk $0x1, v8  }
0x356: {  	s28 =	simm.s32 $0x0;
	[tilespmem:v60+s16+$0x0] =	vst.idx.msk $0x1, v11  }
0x357: {  	v7 =	vld [tilespmem:s28+$0x10800];
	_ =	sdelay $0x1  }
0x358: {  	v5 =	vxor.u32 $0x80000000, v5  }
0x359: {  	v5 =	vnsel vm1, $0x80000000, v5  }
0x35a: {  	(xrf0) =	vmax.scan.msk.u32 $0xffff, v5  }
0x35b: {  	(xrf0) =	vadd.scan.msk.s32 $0xffff, v7;
	_ =	sdelay $0x4  }
0x35c: {  	v5, _, _ =	vpop (xrf0)  }
0x35d: {  	v7 =	vimm.s32 $0x0;
	v8, _, _ =	vpop (xrf0)  }
0x35e: {  	(v2sf) =	vpush v5, $0xF;
	v5 =	vadd.s32 v7, v8  }
0x35f: {  	v8 =	vxor.u32 $0x80000000, v5  }
0x360: {  	(xrf0) =	vmax.scan.msk.u32 $0xffff, v8;
	_ =	sdelay $0x5  }
0x361: {  	v8, _, _ =	vpop (xrf0)  }
0x362: {  	(v2sf) =	vpush v8, $0xF;
	_ =	sdelay $0x4  }
0x363: {  	s30 =	simm.s32 $0x10  }
0x364: {  	s29 =	spop (v2sf);
	v8 =	vld [tilespmem:s30+$0x10800]  }
0x365: {  	s20 =	sxor.u32 $0x80000000, s29  }
0x366: {  	vm1 =	vgt.s32 v6, s20  }
0x367: {  	v6 =	vnsel vm1, s20, v6  }
0x368: {  	v6 =	vbroadcast v6, $0x0  }
0x369: {  	(xrf0) =	vadd.scan.msk.s32 $0xffff, v8  }
0x36a: {  	v3 =	vsub.s32 v3, v6  }
0x36b: {  	vm1 =	vle.s32 v5, v3  }
0x36c: {  	v5 =	vnsel vm1, $0x0, v5  }
0x36d: {  	v6 =	vsel vm1, $0x1, v0;
	vm1 =	vgt.s32 v7, v5;
	s31 =	spop (v2sf)  }
0x36e: {  	s20 =	simm.s32 $0x80;
	v6 =	vadd.s32 v6, v7;
	v5 =	vsel vm1, v7, v5;
	s21 =	sxor.u32 $0x80000000, s31  }
.LBB2_48:
0x36f: {  	p0 =	sne.s32 s20, $0x1C0;
	v7, _, _ =	vpop (xrf0);
	v8 =	vmov s21;
	s21 =	smov.u32 s20;
	s20 =	sadd.s32 $0x40, s20  }
0x370: {  	v7 =	vadd.s32 v8, v7  }
0x371: {  	vm1 =	vle.s32 v7, v3;
	v8 =	vxor.u32 $0x80000000, v7  }
0x372: {  	v9 =	vsel vm1, $0x1, v0;
	v7 =	vnsel vm1, $0x0, v7;
	(xrf0) =	vmax.scan.msk.u32 $0xffff, v8  }
0x373: {  	v6 =	vadd.s32 v9, v6;
	vm1 =	vgt.s32 v5, v7  }
0x374: {  	v5 =	vsel vm1, v5, v7;
	_ =	sdelay $0x3  }
0x375: {  	v7, _, _ =	vpop (xrf0)  }
0x376: {  	(v2sf) =	vpush v7, $0xF;
	_ =	sdelay $0x4  }
0x377: {  	s21 =	sshra.s32 s21, $0x2  }
0x378: {  	v7 =	vld [tilespmem:s21+$0x10800];
	_ =	sdelay $0x4  }
0x379: {  	(xrf0) =	vadd.scan.msk.s32 $0xffff, v7  }
.Ltmp24:
0x37a: {  	(pc) =	sbr.rel @p0 .LBB2_48-.Ltmp24, $3  }
0x37b: {  	_ =	sdelay $0x1  }
0x37c: {  	s21 =	spop (v2sf)  }
0x37d: {  	s21 =	sxor.u32 $0x80000000, s21  }
0x37e: {  	v7, _, _ =	vpop (xrf0);
	v8 =	vmov s21  }
0x37f: {  	v7 =	vadd.s32 v8, v7  }
0x380: {  	vm1 =	vle.s32 v7, v3  }
0x381: {  	v8 =	vxor.u32 $0x80000000, v7;
	v9 =	vsel vm1, $0x1, v0  }
0x382: {  	(xrf0) =	vmax.scan.msk.u32 $0xffff, v8;
	v6 =	vadd.s32 v9, v6  }
0x383: {  	(xrf0) =	vadd.scan.msk.s32 $0xffff, v6;
	_ =	sdelay $0x4  }
0x384: {  	v6, _, _ =	vpop (xrf0)  }
0x385: {  	(v2sf) =	vpush v6, $0xF;
	v6, _, _ =	vpop (xrf0)  }
0x386: {  	(v2sf) =	vpush v6, $0xF;
	_ =	sdelay $0xd  }
0x387: {  	s20 =	spop (v2sf)  }
0x388: {  	s20 =	spop (v2sf)  }
0x389: {  	s21 =	simm.s32 $0x10040;
	s20 =	sshll.u32 s20, $0x4  }
0x38a: {  	v6 =	vld [tilespmem:s20+$0x10000];
	[tilespmem:s21+$0xFFFFFFC0] =	vst v0  }
0x38b: {  	[tilespmem:s21+$0x30] =	vst v0  }
0x38c: {  	[tilespmem:s21+$0x20] =	vst v0  }
0x38d: {  	[tilespmem:s21+$0x10] =	vst v0  }
0x38e: {  	v7 =	vnsel vm1, $0x0, v7;
	[tilespmem:s21+$0x0] =	vst v0  }
0x38f: {  	vm1 =	vgt.s32 v5, v7;
	[tilespmem:s21+$0xFFFFFFF0] =	vst v0  }
0x390: {  	s22 =	simm.s32 $0x0;
	v5 =	vsel vm1, v5, v7;
	[tilespmem:s21+$0xFFFFFFE0] =	vst v0  }
.LBB2_50:
0x391: {  	s22 =	sadd.s32 $0x8, s22;
	[tilespmem:s21+$0xFFFFFFD0] =	vst v0;
	s21 =	sadd.s32 $0x80, s21  }
0x392: {  	[tilespmem:s21+$0xFFFFFFC0] =	vst v0;
	p0 =	slt.u32 s22, $0x78  }
0x393: {  	[tilespmem:s21+$0x30] =	vst v0  }
.Ltmp25:
0x394: {  	[tilespmem:s21+$0x20] =	vst v0;
	(pc) =	sbr.rel @p0 .LBB2_50-.Ltmp25, $4  }
0x395: {  	[tilespmem:s21+$0x10] =	vst v0  }
0x396: {  	[tilespmem:s21+$0x0] =	vst v0  }
0x397: {  	[tilespmem:s21+$0xFFFFFFF0] =	vst v0  }
0x398: {  	[tilespmem:s21+$0xFFFFFFE0] =	vst v0  }
0x399: {  	v5 =	vxor.u32 $0x80000000, v5  }
0x39a: {  	(xrf0) =	vmax.scan.msk.u32 $0xffff, v5;
	_ =	sdelay $0x5  }
0x39b: {  	v5, _, _ =	vpop (xrf0)  }
0x39c: {  	(v2sf) =	vpush v5, $0xF;
	_ =	sdelay $0x9  }
0x39d: {  	(xrf0) =	vadd.scan.msk.s32 $0xffff, v6;
	_ =	sdelay $0x4  }
0x39e: {  	s22 =	spop (v2sf)  }
0x39f: {  	v5, _, _ =	vpop (xrf0);
	s22 =	sxor.u32 $0x80000000, s22  }
0x3a0: {  	v7 =	vadd.s32 s22, v5  }
0x3a1: {  	vm1 =	vle.s32 v7, v3  }
0x3a2: {  	v5 =	vsel vm1, $0x1, v0  }
0x3a3: {  	(xrf0) =	vadd.scan.msk.s32 $0xffff, v5;
	_ =	sdelay $0x5  }
0x3a4: {  	v5, _, _ =	vpop (xrf0)  }
0x3a5: {  	(v2sf) =	vpush v5, $0xF;
	_ =	sdelay $0xa  }
0x3a6: {  	[tilespmem:s21+$0xFFFFFFD0] =	vst v0;
	s31 =	simm.s32 $0x8040  }
0x3a7: {  	v5 =	vld [tilespmem:s31+$0x30]  }
0x3a8: {  	v6 =	vld [tilespmem:s31+$0xFFFFFFD0]  }
0x3a9: {  	v10 =	vld [tilespmem:s31+$0xFFFFFFF0]  }
0x3aa: {  	v9 =	vld [tilespmem:s31+$0xFFFFFFE0];
	s23 =	spop (v2sf)  }
0x3ab: {  	v8 =	vshll.u32 v4, $0xB;
	s20 =	sadd.s32 s20, s23  }
0x3ac: {  	v11 =	vshrl.u32 v5, $0xA;
	v8 =	vor.u32 s20, v8  }
0x3ad: {  	v12 =	vld [tilespmem:s31+$0x0];
	v13 =	vshrl.u32 v6, $0xA;
	vm3 =	veq.s32 v11, v8  }
0x3ae: {  	v14 =	vand.u32 $0x3FF, v5;
	v5 =	vshrl.u32 v10, $0xA;
	v11 =	vld [tilespmem:s31+$0x10];
	vm4 =	veq.s32 v13, v8  }
0x3af: {  	v16 =	vld [tilespmem:s31+$0x20];
	v15 =	vand.u32 $0x3FF, v6;
	v13 =	vshrl.u32 v9, $0xA;
	vm6 =	veq.s32 v5, v8  }
0x3b0: {  	v18 =	vand.u32 $0x3FF, v10;
	vm5 =	veq.s32 v13, v8;
	v13 =	vld [tilespmem:s31+$0xFFFFFFC0]  }
0x3b1: {  	v17 =	vand.u32 $0x3FF, v9  }
0x3b2: {  	v6 =	vmov s22;
	v9 =	vshrl.u32 v12, $0xA  }
0x3b3: {  	v5 =	vmov s20;
	vm2 =	veq.s32 v9, v8;
	v10 =	vshrl.u32 v11, $0xA;
	[tilespmem:v14+s15+$0x0] =	vst.idx.add.s32.msk vm3, v1  }
0x3b4: {  	v9 =	vand.u32 $0x3FF, v12;
	vm3 =	veq.s32 v10, v8;
	v10 =	vand.u32 $0x3FF, v11;
	[tilespmem:v15+s15+$0x0] =	vst.idx.add.s32.msk vm4, v1  }
0x3b5: {  	v11 =	vshrl.u32 v16, $0xA;
	v14 =	vshrl.u32 v13, $0xA;
	v12 =	vand.u32 $0x3FF, v13;
	[tilespmem:v18+s15+$0x0] =	vst.idx.add.s32.msk vm6, v1  }
0x3b6: {  	s21 =	simm.s32 $0x80C0;
	s20 =	simm.s32 $0x0;
	[tilespmem:v17+s15+$0x0] =	vst.idx.add.s32.msk vm5, v1;
	vm4 =	veq.s32 v11, v8;
	vm5 =	veq.s32 v14, v8;
	v11 =	vand.u32 $0x3FF, v16  }
.LBB2_52:
0x3b7: {  	v13 =	vld [tilespmem:s21+$0x30];
	s20 =	sadd.s32 $0x8, s20  }
0x3b8: {  	v14 =	vld [tilespmem:s21+$0xFFFFFFD0];
	p0 =	slt.u32 s20, $0x7F8  }
0x3b9: {  	v15 =	vld [tilespmem:s21+$0xFFFFFFE0]  }
0x3ba: {  	v16 =	vld [tilespmem:s21+$0xFFFFFFF0]  }
0x3bb: {  	v17 =	vld [tilespmem:s21+$0x0]  }
0x3bc: {  	v18 =	vld [tilespmem:s21+$0x10];
	v19 =	vshrl.u32 v13, $0xA  }
0x3bd: {  	v20 =	vshrl.u32 v14, $0xA;
	v14 =	vand.u32 $0x3FF, v14;
	v21 =	vld [tilespmem:s21+$0x20];
	vm6 =	veq.s32 v19, v8  }
0x3be: {  	v13 =	vand.u32 $0x3FF, v13;
	v19 =	vld [tilespmem:s21+$0xFFFFFFC0];
	vm7 =	veq.s32 v20, v8;
	v20 =	vshrl.u32 v15, $0xA  }
0x3bf: {  	v15 =	vand.u32 $0x3FF, v15;
	vm8 =	veq.s32 v20, v8;
	v20 =	vshrl.u32 v16, $0xA;
	[tilespmem:v12+s15+$0x0] =	vst.idx.add.s32.msk vm5, v1  }
0x3c0: {  	v16 =	vand.u32 $0x3FF, v16;
	vm9 =	veq.s32 v20, v8;
	v12 =	vshrl.u32 v17, $0xA;
	[tilespmem:v9+s15+$0x0] =	vst.idx.add.s32.msk vm2, v1  }
0x3c1: {  	v9 =	vand.u32 $0x3FF, v17;
	vm2 =	veq.s32 v12, v8;
	v12 =	vshrl.u32 v18, $0xA;
	[tilespmem:v10+s15+$0x0] =	vst.idx.add.s32.msk vm3, v1  }
.Ltmp26:
0x3c2: {  	v10 =	vand.u32 $0x3FF, v18;
	vm3 =	veq.s32 v12, v8;
	v17 =	vshrl.u32 v21, $0xA;
	[tilespmem:v11+s15+$0x0] =	vst.idx.add.s32.msk vm4, v1;
	(pc) =	sbr.rel @p0 .LBB2_52-.Ltmp26, $4  }
0x3c3: {  	s23 =	simm.s32 $0x0;
	s22 =	simm.s32 $0x10040;
	v11 =	vshrl.u32 v19, $0xA;
	v12 =	vand.u32 $0x3FF, v19;
	vm4 =	veq.s32 v17, v8;
	[tilespmem:v13+s15+$0x0] =	vst.idx.add.s32.msk vm6, v1  }
0x3c4: {  	vm5 =	veq.s32 v11, v8;
	[tilespmem:v14+s15+$0x0] =	vst.idx.add.s32.msk vm7, v1;
	v11 =	vand.u32 $0x3FF, v21  }
0x3c5: {  	[tilespmem:v15+s15+$0x0] =	vst.idx.add.s32.msk vm8, v1  }
0x3c6: {  	s21 =	sadd.s32 $0x80, s21;
	[tilespmem:v16+s15+$0x0] =	vst.idx.add.s32.msk vm9, v1  }
0x3c7: {  	_ =	sdelay $0x4  }
0x3c8: {  	[tilespmem:v12+s15+$0x0] =	vst.idx.add.s32.msk vm5, v1  }
0x3c9: {  	[tilespmem:v9+s15+$0x0] =	vst.idx.add.s32.msk vm2, v1  }
0x3ca: {  	[tilespmem:v10+s15+$0x0] =	vst.idx.add.s32.msk vm3, v1  }
0x3cb: {  	[tilespmem:v11+s15+$0x0] =	vst.idx.add.s32.msk vm4, v1  }
0x3cc: {  	v8 =	vld [tilespmem:s22+$0x30]  }
0x3cd: {  	v9 =	vld [tilespmem:s22+$0xFFFFFFD0]  }
0x3ce: {  	v10 =	vld [tilespmem:s22+$0xFFFFFFE0]  }
0x3cf: {  	v11 =	vld [tilespmem:s22+$0xFFFFFFF0]  }
0x3d0: {  	v13 =	vld [tilespmem:s22+$0x0]  }
0x3d1: {  	v15 =	vld [tilespmem:s22+$0x10];
	(xrf0) =	vadd.scan.msk.s32 $0xffff, v8  }
0x3d2: {  	s20 =	simm.s32 $0x1;
	s21 =	simm.s32 $0x2;
	s28 =	simm.s32 $0x4;
	v16 =	vld [tilespmem:s22+$0x20];
	(xrf0) =	vadd.scan.msk.s32 $0xffff, v9  }
0x3d3: {  	s29 =	simm.s32 $0x7;
	s30 =	simm.s32 $0x5;
	v12 =	vmov s21;
	v18 =	vld [tilespmem:s22+$0xFFFFFFC0];
	v17 =	vmov s28;
	v9 =	vmov s20;
	(xrf0) =	vadd.scan.msk.s32 $0xffff, v10  }
0x3d4: {  	s26 =	simm.s32 $0x3;
	v14 =	vmov s29;
	v19 =	vmov s30;
	v9 =	vand.u32 $0xFFFFFFF9, v9;
	(xrf0) =	vadd.scan.msk.s32 $0xffff, v11  }
0x3d5: {  	v10 =	vmov s26;
	v11 =	vand.u32 $0xFFFFFFFA, v12;
	v12 =	vbroadcast v9, $0x0;
	(xrf0) =	vadd.scan.msk.s32 $0xffff, v13  }
0x3d6: {  	v8 =	vmov s23;
	v9 =	vand.u32 $0xFFFFFFFB, v10;
	v11 =	vbroadcast v11, $0x0;
	(xrf0) =	vadd.scan.msk.s32 $0xffff, v15  }
0x3d7: {  	s31 =	simm.s32 $0x6;
	s21 =	simm.s32 $0x100C0;
	v10 =	vand.u32 $0xFFFFFFFC, v17;
	v17 =	vand.u32 $0xFFFFFFFD, v19;
	v9 =	vbroadcast v9, $0x0;
	(xrf0) =	vadd.scan.msk.s32 $0xffff, v16;
	v16, _, _ =	vpop (xrf0)  }
0x3d8: {  	s22 =	simm.s32 $0x10;
	s20 =	simm.s32 $0x8;
	v13 =	vld [tilespmem:s21+$0x30];
	v10 =	vbroadcast v10, $0x0;
	v15 =	vmov s31;
	v16 =	vbroadcast v16, $0xF;
	(xrf0) =	vadd.scan.msk.s32 $0xffff, v18;
	v18, _, _ =	vpop (xrf0)  }
.LBB2_54:
0x3d9: {  	p0 =	slt.u32 s22, $0x38;
	v19 =	vld [tilespmem:s21+$0xFFFFFFD0];
	v18 =	vbroadcast v18, $0xF;
	v17 =	vbroadcast v17, $0x0;
	v15 =	vand.u32 $0xFFFFFFFE, v15;
	v20, _, _ =	vpop (xrf0)  }
0x3da: {  	v8 =	vand.u32 $0xFFFFFFF8, v8;
	v21 =	vld [tilespmem:s21+$0xFFFFFFE0];
	v20 =	vbroadcast v20, $0xF;
	v15 =	vbroadcast v15, $0x0;
	[tilespmem:v14+s16+$0x0] =	vst.idx.msk $0x1, v16;
	v14, _, _ =	vpop (xrf0)  }
0x3db: {  	s23 =	sadd.s32 $0x1, s20;
	v22 =	vbroadcast v8, $0x0;
	v16 =	vld [tilespmem:s21+$0xFFFFFFF0];
	[tilespmem:v12+s16+$0x0] =	vst.idx.msk $0x1, v18;
	v25 =	vbroadcast v14, $0xF;
	v14, _, _ =	vpop (xrf0)  }
0x3dc: {  	v8 =	vmov s20;
	v18 =	vmov s23;
	s23 =	sadd.s32 $0x2, s20;
	v23 =	vld [tilespmem:s21+$0x0];
	[tilespmem:v11+s16+$0x0] =	vst.idx.msk $0x1, v20;
	v26 =	vbroadcast v14, $0xF;
	v14, _, _ =	vpop (xrf0)  }
0x3dd: {  	v20 =	vmov s23;
	s23 =	sadd.s32 $0x3, s20;
	v24 =	vld [tilespmem:s21+$0x10];
	(xrf0) =	vadd.scan.msk.s32 $0xffff, v13;
	[tilespmem:v9+s16+$0x0] =	vst.idx.msk $0x1, v25;
	v9 =	vbroadcast v14, $0xF;
	v12, _, _ =	vpop (xrf0)  }
0x3de: {  	v13 =	vmov s23;
	s23 =	sadd.s32 $0x4, s20;
	v25 =	vld [tilespmem:s21+$0x20];
	(xrf0) =	vadd.scan.msk.s32 $0xffff, v19;
	[tilespmem:v10+s16+$0x0] =	vst.idx.msk $0x1, v26;
	v10 =	vbroadcast v12, $0xF;
	v11, _, _ =	vpop (xrf0)  }
0x3df: {  	v26 =	vmov s23;
	v19 =	vld [tilespmem:s21+$0xFFFFFFC0];
	(xrf0) =	vadd.scan.msk.s32 $0xffff, v21;
	v11 =	vbroadcast v11, $0xF;
	[tilespmem:v17+s16+$0x0] =	vst.idx.msk $0x1, v9  }
.Ltmp27:
0x3e0: {  	s23 =	sadd.s32 $0x7, s20;
	v9 =	vand.u32 $0xFFFFFFF9, v18;
	v17 =	vand.u32 $0xFFFFFFFA, v20;
	(xrf0) =	vadd.scan.msk.s32 $0xffff, v16;
	[tilespmem:v15+s16+$0x0] =	vst.idx.msk $0x1, v10;
	(pc) =	sbr.rel @p0 .LBB2_54-.Ltmp27, $4  }
0x3e1: {  	s24 =	sadd.s32 $0x5, s20;
	v14 =	vmov s23;
	v12 =	vbroadcast v9, $0x0;
	(xrf0) =	vadd.scan.msk.s32 $0xffff, v23;
	[tilespmem:v22+s16+$0x0] =	vst.idx.msk $0x1, v11  }
0x3e2: {  	s23 =	sadd.s32 $0x6, s20;
	s20 =	smov.u32 s22;
	v9 =	vand.u32 $0xFFFFFFFB, v13;
	v16 =	vmov s24;
	v11 =	vbroadcast v17, $0x0;
	(xrf0) =	vadd.scan.msk.s32 $0xffff, v24  }
0x3e3: {  	s21 =	sadd.s32 $0x80, s21;
	v10 =	vand.u32 $0xFFFFFFFC, v26;
	v15 =	vmov s23;
	v9 =	vbroadcast v9, $0x0;
	(xrf0) =	vadd.scan.msk.s32 $0xffff, v25;
	v18, _, _ =	vpop (xrf0)  }
0x3e4: {  	s22 =	sadd.s32 $0x8, s22;
	v10 =	vbroadcast v10, $0x0;
	v17 =	vand.u32 $0xFFFFFFFD, v16;
	v13 =	vld [tilespmem:s21+$0x30];
	v16 =	vbroadcast v18, $0xF;
	(xrf0) =	vadd.scan.msk.s32 $0xffff, v19;
	v18, _, _ =	vpop (xrf0)  }
0x3e5: {  	_ = 	snop  }
0x3e6: {  	v19 =	vld [tilespmem:s21+$0xFFFFFFD0];
	v18 =	vbroadcast v18, $0xF;
	v20, _, _ =	vpop (xrf0);
	v17 =	vbroadcast v17, $0x0;
	v15 =	vand.u32 $0xFFFFFFFE, v15  }
0x3e7: {  	v21 =	vld [tilespmem:s21+$0xFFFFFFE0];
	v8 =	vand.u32 $0xFFFFFFF8, v8;
	s22 =	sadd.s32 $0x1, s20;
	v44 =	vmov s20;
	v20 =	vbroadcast v20, $0xF  }
0x3e8: {  	v39 =	vld [tilespmem:s21+$0xFFFFFFF0];
	s29 =	sadd.s32 $0x2, s20;
	s30 =	sadd.s32 $0x3, s20;
	v38, _, _ =	vpop (xrf0);
	v15 =	vbroadcast v15, $0x0;
	v8 =	vbroadcast v8, $0x0;
	v42 =	vmov s22  }
0x3e9: {  	v22 =	vld [tilespmem:s21+$0x0];
	s31 =	sadd.s32 $0x4, s20;
	[tilespmem:v14+s16+$0x0] =	vst.idx.msk $0x1, v16;
	v23 =	vmov s29;
	v46 =	vmov s30;
	v40 =	vbroadcast v38, $0xF;
	v41, _, _ =	vpop (xrf0)  }
0x3ea: {  	v24 =	vld [tilespmem:s21+$0x10];
	s23 =	sadd.s32 $0x7, s20;
	s24 =	sadd.s32 $0x5, s20;
	v48 =	vmov s31;
	[tilespmem:v11+s16+$0x0] =	vst.idx.msk $0x1, v20;
	v11 =	vbroadcast v41, $0xF;
	v43, _, _ =	vpop (xrf0);
	(xrf0) =	vadd.scan.msk.s32 $0xffff, v13  }
0x3eb: {  	v47 =	vld [tilespmem:s21+$0x20];
	s25 =	sadd.s32 $0x6, s20;
	v51 =	vmov s23;
	v53 =	vmov s24;
	[tilespmem:v9+s16+$0x0] =	vst.idx.msk $0x1, v40;
	v9, _, _ =	vpop (xrf0);
	(xrf0) =	vadd.scan.msk.s32 $0xffff, v19  }
0x3ec: {  	v55 =	vmov s25;
	[tilespmem:v10+s16+$0x0] =	vst.idx.msk $0x1, v11;
	v10, _, _ =	vpop (xrf0);
	v9 =	vbroadcast v9, $0xF;
	v11 =	vld [tilespmem:s21+$0xFFFFFFC0];
	(xrf0) =	vadd.scan.msk.s32 $0xffff, v21  }
0x3ed: {  	[tilespmem:v12+s16+$0x0] =	vst.idx.msk $0x1, v18;
	v49 =	vand.u32 $0xFFFFFFF9, v42;
	v50 =	vand.u32 $0xFFFFFFFA, v23;
	(xrf0) =	vadd.scan.msk.s32 $0xffff, v39  }
0x3ee: {  	v54 =	vand.u32 $0xFFFFFFFC, v48;
	[tilespmem:v15+s16+$0x0] =	vst.idx.msk $0x1, v9;
	v9 =	vbroadcast v49, $0x0;
	(xrf0) =	vadd.scan.msk.s32 $0xffff, v22  }
0x3ef: {  	v52 =	vbroadcast v50, $0x0;
	v45 =	vbroadcast v43, $0xF;
	v13 =	vand.u32 $0xFFFFFFFB, v46;
	(xrf0) =	vadd.scan.msk.s32 $0xffff, v24  }
0x3f0: {  	v16 =	vand.u32 $0xFFFFFFFD, v53;
	v13 =	vbroadcast v13, $0x0;
	v10 =	vbroadcast v10, $0xF;
	(xrf0) =	vadd.scan.msk.s32 $0xffff, v47;
	v56, _, _ =	vpop (xrf0)  }
0x3f1: {  	[tilespmem:v17+s16+$0x0] =	vst.idx.msk $0x1, v45;
	v17 =	vbroadcast v54, $0x0;
	v14 =	vbroadcast v56, $0xF;
	(xrf0) =	vadd.scan.msk.s32 $0xffff, v11;
	v11, _, _ =	vpop (xrf0)  }
0x3f2: {  	[tilespmem:v8+s16+$0x0] =	vst.idx.msk $0x1, v10;
	v10 =	vbroadcast v16, $0x0;
	v8 =	vbroadcast v11, $0xF;
	v11 =	vand.u32 $0xFFFFFFFE, v55;
	v57, _, _ =	vpop (xrf0)  }
0x3f3: {  	v58 =	vand.u32 $0xFFFFFFF8, v44;
	v16 =	vbroadcast v57, $0xF;
	v11 =	vbroadcast v11, $0x0;
	[tilespmem:v51+s16+$0x0] =	vst.idx.msk $0x1, v14;
	v59, _, _ =	vpop (xrf0)  }
0x3f4: {  	v60 =	vbroadcast v58, $0x0;
	[tilespmem:v9+s16+$0x0] =	vst.idx.msk $0x1, v8;
	v8 =	vbroadcast v59, $0xF;
	v9, _, _ =	vpop (xrf0)  }
0x3f5: {  	[tilespmem:v52+s16+$0x0] =	vst.idx.msk $0x1, v16;
	v9 =	vbroadcast v9, $0xF;
	v61, _, _ =	vpop (xrf0)  }
0x3f6: {  	[tilespmem:v13+s16+$0x0] =	vst.idx.msk $0x1, v8;
	v8 =	vbroadcast v61, $0xF;
	v62, _, _ =	vpop (xrf0)  }
0x3f7: {  	[tilespmem:v17+s16+$0x0] =	vst.idx.msk $0x1, v9;
	v9 =	vbroadcast v62, $0xF;
	v63, _, _ =	vpop (xrf0)  }
0x3f8: {  	v12 =	vbroadcast v63, $0xF;
	[tilespmem:v10+s16+$0x0] =	vst.idx.msk $0x1, v8  }
0x3f9: {  	[tilespmem:v11+s16+$0x0] =	vst.idx.msk $0x1, v9  }
0x3fa: {  	[tilespmem:v60+s16+$0x0] =	vst.idx.msk $0x1, v12  }
0x3fb: {  	v8 =	vld [tilespmem:$0x10800];
	_ =	sdelay $0x1  }
0x3fc: {  	v7 =	vxor.u32 $0x80000000, v7  }
0x3fd: {  	v7 =	vnsel vm1, $0x80000000, v7  }
0x3fe: {  	(xrf0) =	vmax.scan.msk.u32 $0xffff, v7  }
0x3ff: {  	(xrf0) =	vadd.scan.msk.s32 $0xffff, v8;
	_ =	sdelay $0x4  }
0x400: {  	v8, _, _ =	vpop (xrf0)  }
0x401: {  	v7, _, _ =	vpop (xrf0)  }
0x402: {  	v9 =	vxor.u32 $0x80000000, v7  }
0x403: {  	(xrf0) =	vmax.scan.msk.u32 $0xffff, v9;
	_ =	sdelay $0x5  }
0x404: {  	(v2sf) =	vpush v8, $0xF;
	v8, _, _ =	vpop (xrf0)  }
0x405: {  	(v2sf) =	vpush v8, $0xF;
	_ =	sdelay $0x4  }
0x406: {  	v8 =	vld [tilespmem:$0x10810];
	_ =	sdelay $0x4  }
0x407: {  	(xrf0) =	vadd.scan.msk.s32 $0xffff, v8;
	_ =	sdelay $0x3  }
0x408: {  	s26 =	spop (v2sf)  }
0x409: {  	s28 =	spop (v2sf)  }
0x40a: {  	v8, _, _ =	vpop (xrf0);
	s21 =	sxor.u32 $0x80000000, s28  }
0x40b: {  	v8 =	vadd.s32 s21, v8  }
0x40c: {  	v9 =	vxor.u32 $0x80000000, v8  }
0x40d: {  	(xrf0) =	vmax.scan.msk.u32 $0xffff, v9;
	_ =	sdelay $0x5  }
0x40e: {  	v9, _, _ =	vpop (xrf0)  }
0x40f: {  	(v2sf) =	vpush v9, $0xF;
	_ =	sdelay $0x4  }
0x410: {  	v9 =	vld [tilespmem:$0x10820];
	_ =	sdelay $0x4  }
0x411: {  	(xrf0) =	vadd.scan.msk.s32 $0xffff, v9;
	_ =	sdelay $0x4  }
0x412: {  	s29 =	spop (v2sf)  }
0x413: {  	v9, _, _ =	vpop (xrf0);
	s21 =	sxor.u32 $0x80000000, s29  }
0x414: {  	v9 =	vadd.s32 s21, v9  }
0x415: {  	v10 =	vxor.u32 $0x80000000, v9  }
0x416: {  	(xrf0) =	vmax.scan.msk.u32 $0xffff, v10;
	_ =	sdelay $0x5  }
0x417: {  	v10, _, _ =	vpop (xrf0)  }
0x418: {  	(v2sf) =	vpush v10, $0xF;
	_ =	sdelay $0x4  }
0x419: {  	v10 =	vld [tilespmem:$0x10830];
	_ =	sdelay $0x3  }
0x41a: {  	s20 =	sxor.u32 $0x80000000, s26  }
0x41b: {  	vm1 =	vgt.s32 v6, s20;
	(xrf0) =	vadd.scan.msk.s32 $0xffff, v10  }
0x41c: {  	v6 =	vnsel vm1, s20, v6  }
0x41d: {  	v6 =	vbroadcast v6, $0x0;
	_ =	sdelay $0x1  }
0x41e: {  	v3 =	vsub.s32 v3, v6  }
0x41f: {  	vm2 =	vle.s32 v8, v3;
	s30 =	spop (v2sf)  }
0x420: {  	vm1 =	vle.s32 v7, v3;
	v11 =	vsel vm2, $0x1, v0;
	v6, _, _ =	vpop (xrf0);
	s20 =	sxor.u32 $0x80000000, s30  }
0x421: {  	vm3 =	vle.s32 v9, v3;
	v10 =	vsel vm1, $0x1, v0;
	v6 =	vadd.s32 s20, v6  }
0x422: {  	v10 =	vadd.s32 v11, v10;
	v11 =	vsel vm3, $0x1, v0;
	vm4 =	vle.s32 v6, v3  }
0x423: {  	v10 =	vadd.s32 v11, v10;
	v11 =	vsel vm4, $0x1, v0  }
0x424: {  	v10 =	vadd.s32 v11, v10  }
0x425: {  	(xrf0) =	vadd.scan.msk.s32 $0xffff, v10;
	_ =	sdelay $0x5  }
0x426: {  	v10, _, _ =	vpop (xrf0)  }
0x427: {  	(v2sf) =	vpush v10, $0xF;
	_ =	sdelay $0xe  }
0x428: {  	s31 =	spop (v2sf)  }
0x429: {  	s20 =	simm.s32 $0x10040;
	s21 =	sshll.u32 s31, $0x4  }
0x42a: {  	v10 =	vld [tilespmem:s21+$0x10000];
	[tilespmem:s20+$0xFFFFFFC0] =	vst v0  }
0x42b: {  	[tilespmem:s20+$0x30] =	vst v0  }
0x42c: {  	[tilespmem:s20+$0x20] =	vst v0  }
0x42d: {  	[tilespmem:s20+$0x10] =	vst v0  }
0x42e: {  	[tilespmem:s20+$0x0] =	vst v0  }
0x42f: {  	[tilespmem:s20+$0xFFFFFFF0] =	vst v0  }
0x430: {  	s22 =	simm.s32 $0x0;
	[tilespmem:s20+$0xFFFFFFE0] =	vst v0  }
.LBB2_56:
0x431: {  	s22 =	sadd.s32 $0x8, s22;
	[tilespmem:s20+$0xFFFFFFD0] =	vst v0;
	s20 =	sadd.s32 $0x80, s20  }
0x432: {  	[tilespmem:s20+$0xFFFFFFC0] =	vst v0;
	p0 =	slt.u32 s22, $0x38  }
0x433: {  	[tilespmem:s20+$0x30] =	vst v0  }
.Ltmp28:
0x434: {  	[tilespmem:s20+$0x20] =	vst v0;
	(pc) =	sbr.rel @p0 .LBB2_56-.Ltmp28, $4  }
0x435: {  	[tilespmem:s20+$0x10] =	vst v0  }
0x436: {  	[tilespmem:s20+$0x0] =	vst v0  }
0x437: {  	[tilespmem:s20+$0xFFFFFFF0] =	vst v0  }
0x438: {  	[tilespmem:s20+$0xFFFFFFE0] =	vst v0  }
0x439: {  	vm5 =	vgt.s32 v7, $0x0  }
0x43a: {  	v7 =	vnsel vm5, $0x0, v7  }
0x43b: {  	v7 =	vnsel vm1, $0x0, v7  }
0x43c: {  	vm1 =	vgt.s32 v7, v8  }
0x43d: {  	v8 =	vsel vm1, v7, v8  }
0x43e: {  	v7 =	vsel vm2, v8, v7  }
0x43f: {  	vm12 =	vgt.s32 v7, v9  }
0x440: {  	v8 =	vsel vm12, v7, v9  }
0x441: {  	v7 =	vsel vm3, v8, v7  }
0x442: {  	vm13 =	vgt.s32 v7, v6  }
0x443: {  	v6 =	vsel vm13, v7, v6  }
0x444: {  	v6 =	vsel vm4, v6, v7  }
0x445: {  	v6 =	vxor.u32 $0x80000000, v6  }
0x446: {  	(xrf0) =	vmax.scan.msk.u32 $0xffff, v6;
	_ =	sdelay $0x5  }
0x447: {  	v6, _, _ =	vpop (xrf0)  }
0x448: {  	(v2sf) =	vpush v6, $0xF;
	_ =	sdelay $0x9  }
0x449: {  	(xrf0) =	vadd.scan.msk.s32 $0xffff, v10;
	_ =	sdelay $0x4  }
0x44a: {  	s22 =	spop (v2sf)  }
0x44b: {  	v62, _, _ =	vpop (xrf0);
	s22 =	sxor.u32 $0x80000000, s22  }
0x44c: {  	v6 =	vadd.s32 s22, v62  }
0x44d: {  	vm14 =	vle.s32 v6, v3  }
0x44e: {  	v3 =	vsel vm14, $0x1, v0  }
0x44f: {  	(xrf0) =	vadd.scan.msk.s32 $0xffff, v3;
	_ =	sdelay $0x5  }
0x450: {  	v3, _, _ =	vpop (xrf0)  }
0x451: {  	(v2sf) =	vpush v3, $0xF;
	_ =	sdelay $0xe  }
0x452: {  	s31 =	spop (v2sf)  }
0x453: {  	v3 =	vshll.u32 v5, $0xA;
	s21 =	sadd.s32 s21, s31  }
0x454: {  	v3 =	vor.u32 s21, v3  }
0x455: {  	v3 =	vbroadcast v3, $0x0  }
0x456: {  	v4 =	vshll.u32 v4, $0x15  }
0x457: {  	v3 =	vor.u32 v4, v3  }
0x458: {  	vm15 =	vgt.s32 v3, $0xFFFFFFFF  }
0x459: {  	v63 =	vsel vm15, $0xFFFFFFFF, v2  }
0x45a: {  	v3 =	vxor.u32 v3, v63  }
0x45b: {  	[tilespmem:s20+$0xFFFFFFD0] =	vst v0;
	s19 =	sadd.s32 $0x1, s19;
	v3 =	vsel vm0, $0x7FC00000, v3  }
0x45c: {  	p0 =	sne.s32 s19, s8;
	[tilespmem:$0x10900] =	vst v3  }
0x45d: {  	[hbm4b:s7+s3] =	stream.linear.scatter [tilespmem:s17], [sflag:$0x3], $0x80, $0x38;
	[tilespmem:$0x10980] =	vst v63  }
.Ltmp29:
0x45e: {  	_ = 	snop;
	(pc) =	sbr.rel @p0 .LBB2_1-.Ltmp29, $4  }
.Ltmp30:
0x45f: {  	_ = 	snop;
	(pc) =	sbr.rel @!p0 .LBB2_58-.Ltmp30, $4  }
0x460: {  	_ =	swait.ge [sflag:s10], $0x80  }
0x461: {  	[sflag:s10] =	ssyncset.done $0x0  }
0x462: {  	[sflag:s10] =	ssyncadd.s32 $0xFFFFFF80  }
0x463: {  	_ = 	snop  }
.LBB2_6:
.Ltmp31:
0x464: {  	(pc) =	sbr.rel .LBB2_11-.Ltmp31, $2  }
0x465: {  	_ =	sdelay $0x2  }
0x466: {  	_ = 	snop  }
.LBB2_32:
.Ltmp32:
0x467: {  	(pc) =	sbr.rel .LBB2_37-.Ltmp32, $2  }
0x468: {  	_ =	sdelay $0x2  }
0x469: {  	p1 =	por $0x0, $0x0  }
.LBB2_38:
.Ltmp33:
0x46a: {  	(pc) =	sbr.rel .LBB2_41-.Ltmp33, $2  }
0x46b: {  	_ =	sdelay $0x2  }
0x46c: {  	v6 =	vimm.s32 $0x0;
	v4 =	vimm.s32 $0x0  }
.LBB2_8:
.Ltmp34:
0x46d: {  	(pc) =	sbr.rel .LBB2_11-.Ltmp34, $2  }
0x46e: {  	_ =	sdelay $0x2  }
0x46f: {  	s22 =	simm.s32 $0x8  }
.LBB2_34:
.Ltmp35:
0x470: {  	(pc) =	sbr.rel .LBB2_37-.Ltmp35, $2  }
0x471: {  	_ =	sdelay $0x2  }
0x472: {  	s22 =	simm.s32 $0x8  }
.LBB2_58:
0x473: {  	_ =	sfence.sel $0x180000  }
0x474: {  	[bflag:$0x0] =	sbarrier.arrive $0xFFFF  }
0x475: {  	p0 =	sne.s32 s0, $0x0;
	_ =	strace $0x90000047  }
0x476: {  	s0 =	sadd.s32 @!p0 $0x100000, s1;
	[bflag:$0x2] =	sbarrier.arrive $0xFFFF  }
0x477: {  	[sflag:s0] =	ssyncadd.tile.s32 @!p0 $0x1;
	_ =	shalt  }
.Lfunc_end2:
_tile_overlayer_lowered:
.L_overlay_start_2:
0x478: {  	(tag) =	ssettag $0x2  }
0x479: {  	s0 =	rddreg [dreg:$0x0];
	s2 =	stileid.u32  }
0x47a: {  	s1 =	rddreg [dreg:$0x1];
	p0 =	sne.s32 s2, $0x0  }
0x47b: {  	s3 =	rddreg [dreg:$0x2];
	[bflag:$0x3] =	sbarrier.arrive $0xFFFF;
	s2 =	simm.s32 @!p0 $0x1C03  }
0x47c: {  	[timem:s3], [sflag:s2] =	dma.local @!p0 [hbm:s0], s1  }
0x47d: {  	s0 =	simm.s32 @!p0 $0x3  }
0x47e: {  	_ =	swait.ge @!p0 [sflag:s0], s1  }
0x47f: {  	s1 =	ssub.s32 @!p0 $0x0, s1;
	[sflag:s0] =	ssyncset.done @!p0 $0x0  }
0x480: {  	[sflag:s0] =	ssyncadd.s32 @!p0 s1  }
0x481: {  	[bflag:$0x3] =	sbarrier.arrive $0xFFFF  }
0x482: {  	_ =	shalt  }

</sc_bundles>
